<compile_context>
chip_gen: v7x
topology: tpu7x:2x2x1
jax: 0.10.2.dev20260603
libtpu: 0.0.44.dev20260713+nightly
codegen_flags: <defaults>
</compile_context>

<pallas_src>
import functools

import jax
import jax.numpy as jnp
from jax import lax
from jax.experimental import pallas as pl
from jax.experimental.pallas import tpu as pltpu
from jax.experimental.pallas import tpu_sc as plsc

N = 10000
E = 320000
D = 128
D_OUT = 64

NC = 2
NS = 16
CH = 32
G = 8
CHUNKS = -(-E // (NS * CH * G)) * G
GROUPS = CHUNKS // G
EPT = CHUNKS * CH
PAD = NS * EPT - E
HALFN = N // 2
NPAD = HALFN + 16
RPT = 632
RPT2 = 320

_sc_mesh = plsc.VectorSubcoreMesh(core_axis_name="c", subcore_axis_name="s")


@functools.partial(
    pl.kernel,
    out_type=jax.ShapeDtypeStruct((2, N, D), jnp.float32),
    mesh=_sc_mesh,
    scratch_types=[
        pltpu.VMEM((G, CH), jnp.int32),
        pltpu.VMEM((G, CH), jnp.int32),
        pltpu.VMEM((CH, D), jnp.float32),
        pltpu.VMEM((CH, D), jnp.float32),
        pltpu.VMEM_SHARED((N, D), jnp.float32),
        pltpu.VMEM_SHARED((NPAD, D), jnp.float32),
        pltpu.SemaphoreType.DMA,
        pltpu.SemaphoreType.DMA,
    ],
)
def _spmm(x_hbm, src_hbm, dst_hbm, out_hbm, src_v, dst_v, rows0, rows1,
          x_sh, acc, sem0, sem1):
    c = lax.axis_index("c")
    s = lax.axis_index("s")
    base = pl.multiple_of(c * HALFN, 8)
    sink = HALFN + s
    row0 = pl.multiple_of(jnp.where(s == NS - 1, N - RPT, s * RPT), 8)
    hrow0 = pl.multiple_of(
        jnp.where(s == NS - 1, HALFN - RPT2, s * RPT2), 8)

    pltpu.sync_copy(x_hbm.at[pl.ds(row0, RPT)], x_sh.at[pl.ds(row0, RPT)])

    def init_acc():
        pltpu.sync_copy(
            x_hbm.at[pl.ds(pl.multiple_of(base + hrow0, 8), RPT2)],
            acc.at[pl.ds(hrow0, RPT2)])

    init_acc()
    plsc.subcore_barrier()

    def run_hop(hop):
        def group(g, carry):
            g0 = pl.multiple_of(g * G, 8)
            pltpu.sync_copy(src_hbm.at[hop, s, pl.ds(g0, G)], src_v)
            pltpu.sync_copy(dst_hbm.at[hop, s, pl.ds(g0, G)], dst_v)

            def clip_t(t, cc):
                def clip_j(j, cc2):
                    v = dst_v[t, pl.ds(j * 16, 16)]
                    lv = v - base
                    ok = (lv >= 0) & (lv < HALFN)
                    dst_v[t, pl.ds(j * 16, 16)] = jnp.where(ok, lv, sink)
                    return cc2

                return lax.fori_loop(0, CH // 16, clip_j, cc)

            lax.fori_loop(0, G, clip_t, carry)
            pltpu.async_copy(x_sh.at[src_v.at[0]], rows0, sem0)

            def pair(p, carry2):
                t = 2 * p
                pltpu.async_copy(x_sh.at[src_v.at[t + 1]], rows1, sem1)
                pltpu.make_async_copy(x_sh.at[src_v.at[t]], rows0,
                                      sem0).wait()
                pltpu.sync_copy(rows0, acc.at[dst_v.at[t]], add=True)

                @pl.when(t + 2 < G)
                def _():
                    pltpu.async_copy(x_sh.at[src_v.at[t + 2]], rows0, sem0)

                pltpu.make_async_copy(x_sh.at[src_v.at[t + 1]], rows1,
                                      sem1).wait()
                pltpu.sync_copy(rows1, acc.at[dst_v.at[t + 1]], add=True)
                return carry2

            lax.fori_loop(0, G // 2, pair, 0)
            return carry

        lax.fori_loop(0, GROUPS, group, 0)

    run_hop(0)
    plsc.subcore_barrier()
    pltpu.sync_copy(
        acc.at[pl.ds(hrow0, RPT2)],
        out_hbm.at[0, pl.ds(pl.multiple_of(base + hrow0, 8), RPT2)])
    plsc.subcore_barrier()
    init_acc()
    plsc.subcore_barrier()
    run_hop(1)
    plsc.subcore_barrier()
    pltpu.sync_copy(
        acc.at[pl.ds(hrow0, RPT2)],
        out_hbm.at[1, pl.ds(pl.multiple_of(base + hrow0, 8), RPT2)])


BLK = 2000


def _combine_body(eps_ref, x_ref, h_ref, w0_ref, w1_ref, o_ref):
    o_ref[...] = (
        (1.0 + eps_ref[0, 0]) * x_ref[...]
        + jnp.dot(h_ref[0], w0_ref[...], preferred_element_type=jnp.float32)
        + jnp.dot(h_ref[1], w1_ref[...], preferred_element_type=jnp.float32)
    )


def _combine_head_body(eps_ref, x_ref, h_ref, w0_ref, w1_ref, wh_ref, o_ref):
    t = (
        (1.0 + eps_ref[0, 0]) * x_ref[...]
        + jnp.dot(h_ref[0], w0_ref[...], preferred_element_type=jnp.float32)
        + jnp.dot(h_ref[1], w1_ref[...], preferred_element_type=jnp.float32)
    )
    o_ref[...] = jnp.dot(t, wh_ref[...], preferred_element_type=jnp.float32)


def _row_spec(i):
    return (i, 0)


def _rep_spec(i):
    return (0, 0)


def _h_spec(i):
    return (0, i, 0)


_combine = pl.pallas_call(
    _combine_body,
    grid=(N // BLK,),
    in_specs=[
        pl.BlockSpec(memory_space=pltpu.SMEM),
        pl.BlockSpec((BLK, D), _row_spec),
        pl.BlockSpec((2, BLK, D), _h_spec),
        pl.BlockSpec((D, D), _rep_spec),
        pl.BlockSpec((D, D), _rep_spec),
    ],
    out_specs=pl.BlockSpec((BLK, D), _row_spec),
    out_shape=jax.ShapeDtypeStruct((N, D), jnp.float32),
)

_combine_head = pl.pallas_call(
    _combine_head_body,
    grid=(N // BLK,),
    in_specs=[
        pl.BlockSpec(memory_space=pltpu.SMEM),
        pl.BlockSpec((BLK, D), _row_spec),
        pl.BlockSpec((2, BLK, D), _h_spec),
        pl.BlockSpec((D, D), _rep_spec),
        pl.BlockSpec((D, D), _rep_spec),
        pl.BlockSpec((D, D_OUT), _rep_spec),
    ],
    out_specs=pl.BlockSpec((BLK, D_OUT), _row_spec),
    out_shape=jax.ShapeDtypeStruct((N, D_OUT), jnp.float32),
)


def _prep_idx(src, dst):
    src = jnp.concatenate(
        [src.astype(jnp.int32), jnp.zeros((PAD,), jnp.int32)])
    dst = jnp.concatenate(
        [dst.astype(jnp.int32), jnp.full((PAD,), N, jnp.int32)])
    return src.reshape(NS, CHUNKS, CH), dst.reshape(NS, CHUNKS, CH)


@jax.jit
def kernel(x, agg_scatter_index_0, agg_node_index_0, agg_scatter_index_1,
           agg_node_index_1, eps0, eps1, W_l0_h0, W_l0_h1, W_l1_h0, W_l1_h1,
           W_head):
    s0, d0 = _prep_idx(agg_scatter_index_0, agg_node_index_0)
    s1, d1 = _prep_idx(agg_scatter_index_1, agg_node_index_1)
    src_all = jnp.stack([s0, s1])
    dst_all = jnp.stack([d0, d1])
    e0 = eps0.reshape(1, 1)
    e1 = eps1.reshape(1, 1)

    h = _spmm(x, src_all, dst_all)
    x1 = _combine(e0, x, h, W_l0_h0, W_l0_h1)
    h = _spmm(x1, src_all, dst_all)
    return _combine_head(e1, x1, h, W_l1_h0, W_l1_h1, W_head)

# --- scband reference (transcript-rebuilt; emitter-appended) ---
"""Pipeline reference for scband-local-wlgnn-5892695130447 (READ-ONLY COPY).

The authoritative reference and input builder live on the scoring server;
editing this copy changes nothing except your own understanding.
"""

import jax, jax.numpy as jnp
import numpy as np

N = 10000
E = 320000
D = 128
D_OUT = 64
HOPS = 2
LAYERS = 2


def setup_inputs(seed: int = 0) -> dict:
    key = jax.random.key(seed)
    ks = jax.random.split(key, 12)
    inp = {}
    inp["x"] = jax.random.normal(ks[0], (N, D), dtype=jnp.float32)
    inp["agg_scatter_index_0"] = jax.random.randint(ks[1], (E,), 0, N, dtype=jnp.int64 if jax.config.jax_enable_x64 else jnp.int32)
    inp["agg_node_index_0"] = jax.random.randint(ks[2], (E,), 0, N, dtype=jnp.int64 if jax.config.jax_enable_x64 else jnp.int32)
    inp["agg_scatter_index_1"] = jax.random.randint(ks[3], (E,), 0, N, dtype=jnp.int64 if jax.config.jax_enable_x64 else jnp.int32)
    inp["agg_node_index_1"] = jax.random.randint(ks[4], (E,), 0, N, dtype=jnp.int64 if jax.config.jax_enable_x64 else jnp.int32)
    # learned params: eps per mp layer, one linear (mlp_layer=1, no bias) per (layer, hop), head linear
    inp["eps0"] = jnp.ones((1,), dtype=jnp.float32) * 0.1
    inp["eps1"] = jnp.ones((1,), dtype=jnp.float32) * 0.1
    inp["W_l0_h0"] = jax.random.normal(ks[5], (D, D), dtype=jnp.float32) * 0.05
    inp["W_l0_h1"] = jax.random.normal(ks[6], (D, D), dtype=jnp.float32) * 0.05
    inp["W_l1_h0"] = jax.random.normal(ks[7], (D, D), dtype=jnp.float32) * 0.05
    inp["W_l1_h1"] = jax.random.normal(ks[8], (D, D), dtype=jnp.float32) * 0.05
    inp["W_head"] = jax.random.normal(ks[9], (D, D_OUT), dtype=jnp.float32) * 0.05
    return inp


def reference(x, agg_scatter_index_0, agg_node_index_0, agg_scatter_index_1,
              agg_node_index_1, eps0, eps1, W_l0_h0, W_l0_h1, W_l1_h0, W_l1_h1,
              W_head):
    scatter_idx = [agg_scatter_index_0, agg_scatter_index_1]
    node_idx = [agg_node_index_0, agg_node_index_1]
    eps = [eps0, eps1]
    Ws = [[W_l0_h0, W_l0_h1], [W_l1_h0, W_l1_h1]]
    out = x
    for l in range(LAYERS):
        out = (1.0 + eps[l]) * x
        for hop in range(HOPS):
            # h_v = x[agg_scatter_index_hop]  (gather)
            h_v = jnp.take(x, scatter_idx[hop], axis=0)
            # scatter_reduce(reduce='sum', include_self=True): base is x itself
            h = x.at[node_idx[hop]].add(h_v)
            # MLP with mlp_layer=1, no bias, no act
            h = h @ Ws[l][hop]
            # hop_pool == 'sum'
            out = out + h
        x = out
    # GNN node head: single linear
    return out @ W_head

if __name__ == "__main__":
    import jax
    _d = setup_inputs()
    print(jax.jit(kernel)(*tuple(_d.values())))

</pallas_src>

<mosaic_0001>
#map = affine_map<(d0, d1) -> (0, 0)>
#map1 = affine_map<(d0, d1) -> (0, 0, 0, 0)>
#map2 = affine_map<(d0, d1) -> (0, 0, 0)>
module attributes {stable_mosaic.version = 14 : i64} {
  func.func @_spmm(%arg0: i32, %arg1: i32, %arg2: memref<10000x128xf32, #tpu.memory_space<hbm>>, %arg3: memref<2x16x632x32xi32, #tpu.memory_space<hbm>>, %arg4: memref<2x16x632x32xi32, #tpu.memory_space<hbm>>, %arg5: memref<2x10000x128xf32, #tpu.memory_space<hbm>>, %arg6: memref<8x32xi32, #tpu.memory_space<vmem>>, %arg7: memref<8x32xi32, #tpu.memory_space<vmem>>, %arg8: memref<32x128xf32, #tpu.memory_space<vmem>>, %arg9: memref<32x128xf32, #tpu.memory_space<vmem>>, %arg10: memref<10000x128xf32, #tpu.memory_space<vmem_shared>>, %arg11: memref<5016x128xf32, #tpu.memory_space<vmem_shared>>, %arg12: memref<!tpu.dma_semaphore, #tpu.memory_space<semaphore_mem>>, %arg13: memref<!tpu.dma_semaphore, #tpu.memory_space<semaphore_mem>>) attributes {dimension_semantics = [#tpu.dimension_semantics<core_parallel>, #tpu.dimension_semantics<subcore_parallel>], iteration_bounds = array<i64: 2, 16>, scalar_prefetch = 0 : i64, scratch_operands = 8 : i64, tpu.core_type = #tpu.core_type<sc_vector_subcore>, window_params = [{transform_indices = #map}, {transform_indices = #map1}, {transform_indices = #map1}, {transform_indices = #map2}]} {
    %mul3A = arith.constant 5000 : i32
    %mul3A_0 = arith.muli %arg0, %mul3A : i32
    %multiple_of3A = tpu.assume_multiple %mul3A_0, 8 : i32
    %add3A = arith.constant 5000 : i32
    %add3A_1 = arith.addi %add3A, %arg1 : i32
    %eq3A = arith.constant 15 : i32
    %eq3A_2 = arith.cmpi eq, %arg1, %eq3A : i32
    %mul3A_3 = arith.constant 632 : i32
    %mul3A_4 = arith.muli %arg1, %mul3A_3 : i32
    %jit3A = arith.constant 9368 : i32
    %select_n3A = arith.select %eq3A_2, %jit3A, %mul3A_4 : i32
    %multiple_of3A_5 = tpu.assume_multiple %select_n3A, 8 : i32
    %eq3A_6 = arith.constant 15 : i32
    %eq3A_7 = arith.cmpi eq, %arg1, %eq3A_6 : i32
    %mul3A_8 = arith.constant 320 : i32
    %mul3A_9 = arith.muli %arg1, %mul3A_8 : i32
    %jit3A_10 = arith.constant 4680 : i32
    %select_n3A_11 = arith.select %eq3A_7, %jit3A_10, %mul3A_9 : i32
    %multiple_of3A_12 = tpu.assume_multiple %select_n3A_11, 8 : i32
    "tpu.region"() ({
      %run_scoped3A_37 = tpu.sem_alloc : memref<!tpu.dma_semaphore, #tpu.memory_space<semaphore_mem>>
      %dma_start3A = arith.constant 0 : i32
      %dma_start3A_38 = tpu.memref_slice %arg10[%multiple_of3A_5, %dma_start3A] : memref<10000x128xf32, #tpu.memory_space<vmem_shared>> -> memref<632x128xf32, #tpu.memory_space<vmem_shared>>
      %dma_start3A_39 = arith.constant 0 : i32
      %dma_start3A_40 = tpu.memref_slice %arg2[%multiple_of3A_5, %dma_start3A_39] : memref<10000x128xf32, #tpu.memory_space<hbm>> -> memref<632x128xf32, #tpu.memory_space<hbm>>
      tpu.enqueue_dma source(%dma_start3A_40 : memref<632x128xf32, #tpu.memory_space<hbm>>) target(%dma_start3A_38 : memref<632x128xf32, #tpu.memory_space<vmem_shared>>) target_semaphore(%run_scoped3A_37 : memref<!tpu.dma_semaphore, #tpu.memory_space<semaphore_mem>>)
      %dma_wait3A = arith.constant 0 : i32
      %dma_wait3A_41 = tpu.memref_slice %arg10[%multiple_of3A_5, %dma_wait3A] : memref<10000x128xf32, #tpu.memory_space<vmem_shared>> -> memref<632x128xf32, #tpu.memory_space<vmem_shared>>
      %dma_wait3A_42 = arith.constant 0 : i32
      %dma_wait3A_43 = tpu.memref_slice %arg2[%multiple_of3A_5, %dma_wait3A_42] : memref<10000x128xf32, #tpu.memory_space<hbm>> -> memref<632x128xf32, #tpu.memory_space<hbm>>
      tpu.wait_dma2 semaphore(%run_scoped3A_37 : memref<!tpu.dma_semaphore, #tpu.memory_space<semaphore_mem>>) src(%dma_wait3A_43 : memref<632x128xf32, #tpu.memory_space<hbm>>) dst(%dma_wait3A_41 : memref<632x128xf32, #tpu.memory_space<vmem_shared>>)
      tpu.yield
    }) : () -> ()
    %add3A_13 = arith.addi %multiple_of3A, %multiple_of3A_12 : i32
    %multiple_of3A_14 = tpu.assume_multiple %add3A_13, 8 : i32
    "tpu.region"() ({
      %run_scoped3A_37 = tpu.sem_alloc : memref<!tpu.dma_semaphore, #tpu.memory_space<semaphore_mem>>
      %dma_start3A = arith.constant 0 : i32
      %dma_start3A_38 = tpu.memref_slice %arg11[%multiple_of3A_12, %dma_start3A] : memref<5016x128xf32, #tpu.memory_space<vmem_shared>> -> memref<320x128xf32, #tpu.memory_space<vmem_shared>>
      %dma_start3A_39 = arith.constant 0 : i32
      %dma_start3A_40 = tpu.memref_slice %arg2[%multiple_of3A_14, %dma_start3A_39] : memref<10000x128xf32, #tpu.memory_space<hbm>> -> memref<320x128xf32, #tpu.memory_space<hbm>>
      tpu.enqueue_dma source(%dma_start3A_40 : memref<320x128xf32, #tpu.memory_space<hbm>>) target(%dma_start3A_38 : memref<320x128xf32, #tpu.memory_space<vmem_shared>>) target_semaphore(%run_scoped3A_37 : memref<!tpu.dma_semaphore, #tpu.memory_space<semaphore_mem>>)
      %dma_wait3A = arith.constant 0 : i32
      %dma_wait3A_41 = tpu.memref_slice %arg11[%multiple_of3A_12, %dma_wait3A] : memref<5016x128xf32, #tpu.memory_space<vmem_shared>> -> memref<320x128xf32, #tpu.memory_space<vmem_shared>>
      %dma_wait3A_42 = arith.constant 0 : i32
      %dma_wait3A_43 = tpu.memref_slice %arg2[%multiple_of3A_14, %dma_wait3A_42] : memref<10000x128xf32, #tpu.memory_space<hbm>> -> memref<320x128xf32, #tpu.memory_space<hbm>>
      tpu.wait_dma2 semaphore(%run_scoped3A_37 : memref<!tpu.dma_semaphore, #tpu.memory_space<semaphore_mem>>) src(%dma_wait3A_43 : memref<320x128xf32, #tpu.memory_space<hbm>>) dst(%dma_wait3A_41 : memref<320x128xf32, #tpu.memory_space<vmem_shared>>)
      tpu.yield
    }) : () -> ()
    %barrier3A = arith.constant 0 : index
    tpu.barrier barrier_id(%barrier3A)
    %scan3A = arith.constant 0 : i32
    %scan3A_15 = arith.constant 0 : i32
    %scan3A_16 = arith.constant 79 : i32
    %scan3A_17 = arith.addi %scan3A_15, %scan3A_16 : i32
    %scan3A_18 = arith.constant 1 : i32
    scf.for %scan3A_37 = %scan3A_15 to %scan3A_17 step %scan3A_18  : i32 {
      %mul3A_38 = arith.constant 8 : i32
      %mul3A_39 = arith.muli %scan3A_37, %mul3A_38 : i32
      %multiple_of3A_40 = tpu.assume_multiple %mul3A_39, 8 : i32
      %run_scoped3A_41 = arith.constant 0 : i32
      "tpu.region"() ({
        %run_scoped3A_60 = tpu.sem_alloc : memref<!tpu.dma_semaphore, #tpu.memory_space<semaphore_mem>>
        %dma_start3A_61 = arith.constant 0 : i32
        %dma_start3A_62 = tpu.memref_slice %arg3[%run_scoped3A_41, %arg1, %multiple_of3A_40, %dma_start3A_61] : memref<2x16x632x32xi32, #tpu.memory_space<hbm>> -> memref<1x1x8x32xi32, #tpu.memory_space<hbm>>
        %dma_start3A_63 = tpu.memref_squeeze %dma_start3A_62 : memref<1x1x8x32xi32, #tpu.memory_space<hbm>> -> memref<8x32xi32, #tpu.memory_space<hbm>>
        %dma_start3A_64 = arith.constant 0 : i32
        %dma_start3A_65 = tpu.memref_slice %arg3[%run_scoped3A_41, %arg1, %multiple_of3A_40, %dma_start3A_64] : memref<2x16x632x32xi32, #tpu.memory_space<hbm>> -> memref<1x1x8x32xi32, #tpu.memory_space<hbm>>
        %dma_start3A_66 = tpu.memref_squeeze %dma_start3A_65 : memref<1x1x8x32xi32, #tpu.memory_space<hbm>> -> memref<8x32xi32, #tpu.memory_space<hbm>>
        tpu.enqueue_dma source(%dma_start3A_66 : memref<8x32xi32, #tpu.memory_space<hbm>>) target(%arg6 : memref<8x32xi32, #tpu.memory_space<vmem>>) target_semaphore(%run_scoped3A_60 : memref<!tpu.dma_semaphore, #tpu.memory_space<semaphore_mem>>)
        %dma_wait3A = arith.constant 0 : i32
        %dma_wait3A_67 = tpu.memref_slice %arg3[%run_scoped3A_41, %arg1, %multiple_of3A_40, %dma_wait3A] : memref<2x16x632x32xi32, #tpu.memory_space<hbm>> -> memref<1x1x8x32xi32, #tpu.memory_space<hbm>>
        %dma_wait3A_68 = tpu.memref_squeeze %dma_wait3A_67 : memref<1x1x8x32xi32, #tpu.memory_space<hbm>> -> memref<8x32xi32, #tpu.memory_space<hbm>>
        %dma_wait3A_69 = arith.constant 0 : i32
        %dma_wait3A_70 = tpu.memref_slice %arg3[%run_scoped3A_41, %arg1, %multiple_of3A_40, %dma_wait3A_69] : memref<2x16x632x32xi32, #tpu.memory_space<hbm>> -> memref<1x1x8x32xi32, #tpu.memory_space<hbm>>
        %dma_wait3A_71 = tpu.memref_squeeze %dma_wait3A_70 : memref<1x1x8x32xi32, #tpu.memory_space<hbm>> -> memref<8x32xi32, #tpu.memory_space<hbm>>
        tpu.wait_dma2 semaphore(%run_scoped3A_60 : memref<!tpu.dma_semaphore, #tpu.memory_space<semaphore_mem>>) src(%dma_wait3A_71 : memref<8x32xi32, #tpu.memory_space<hbm>>) dst(%arg6 : memref<8x32xi32, #tpu.memory_space<vmem>>)
        tpu.yield
      }) : () -> ()
      %run_scoped3A_42 = arith.constant 0 : i32
      "tpu.region"() ({
        %run_scoped3A_60 = tpu.sem_alloc : memref<!tpu.dma_semaphore, #tpu.memory_space<semaphore_mem>>
        %dma_start3A_61 = arith.constant 0 : i32
        %dma_start3A_62 = tpu.memref_slice %arg4[%run_scoped3A_42, %arg1, %multiple_of3A_40, %dma_start3A_61] : memref<2x16x632x32xi32, #tpu.memory_space<hbm>> -> memref<1x1x8x32xi32, #tpu.memory_space<hbm>>
        %dma_start3A_63 = tpu.memref_squeeze %dma_start3A_62 : memref<1x1x8x32xi32, #tpu.memory_space<hbm>> -> memref<8x32xi32, #tpu.memory_space<hbm>>
        %dma_start3A_64 = arith.constant 0 : i32
        %dma_start3A_65 = tpu.memref_slice %arg4[%run_scoped3A_42, %arg1, %multiple_of3A_40, %dma_start3A_64] : memref<2x16x632x32xi32, #tpu.memory_space<hbm>> -> memref<1x1x8x32xi32, #tpu.memory_space<hbm>>
        %dma_start3A_66 = tpu.memref_squeeze %dma_start3A_65 : memref<1x1x8x32xi32, #tpu.memory_space<hbm>> -> memref<8x32xi32, #tpu.memory_space<hbm>>
        tpu.enqueue_dma source(%dma_start3A_66 : memref<8x32xi32, #tpu.memory_space<hbm>>) target(%arg7 : memref<8x32xi32, #tpu.memory_space<vmem>>) target_semaphore(%run_scoped3A_60 : memref<!tpu.dma_semaphore, #tpu.memory_space<semaphore_mem>>)
        %dma_wait3A = arith.constant 0 : i32
        %dma_wait3A_67 = tpu.memref_slice %arg4[%run_scoped3A_42, %arg1, %multiple_of3A_40, %dma_wait3A] : memref<2x16x632x32xi32, #tpu.memory_space<hbm>> -> memref<1x1x8x32xi32, #tpu.memory_space<hbm>>
        %dma_wait3A_68 = tpu.memref_squeeze %dma_wait3A_67 : memref<1x1x8x32xi32, #tpu.memory_space<hbm>> -> memref<8x32xi32, #tpu.memory_space<hbm>>
        %dma_wait3A_69 = arith.constant 0 : i32
        %dma_wait3A_70 = tpu.memref_slice %arg4[%run_scoped3A_42, %arg1, %multiple_of3A_40, %dma_wait3A_69] : memref<2x16x632x32xi32, #tpu.memory_space<hbm>> -> memref<1x1x8x32xi32, #tpu.memory_space<hbm>>
        %dma_wait3A_71 = tpu.memref_squeeze %dma_wait3A_70 : memref<1x1x8x32xi32, #tpu.memory_space<hbm>> -> memref<8x32xi32, #tpu.memory_space<hbm>>
        tpu.wait_dma2 semaphore(%run_scoped3A_60 : memref<!tpu.dma_semaphore, #tpu.memory_space<semaphore_mem>>) src(%dma_wait3A_71 : memref<8x32xi32, #tpu.memory_space<hbm>>) dst(%arg7 : memref<8x32xi32, #tpu.memory_space<vmem>>)
        tpu.yield
      }) : () -> ()
      %scan3A_43 = arith.constant 0 : i32
      %scan3A_44 = arith.constant 8 : i32
      %scan3A_45 = arith.addi %scan3A_43, %scan3A_44 : i32
      %scan3A_46 = arith.constant 1 : i32
      scf.for %scan3A_60 = %scan3A_43 to %scan3A_45 step %scan3A_46  : i32 {
        %scan3A_61 = arith.constant 0 : i32
        %scan3A_62 = arith.constant 2 : i32
        %scan3A_63 = arith.addi %scan3A_61, %scan3A_62 : i32
        %scan3A_64 = arith.constant 1 : i32
        scf.for %scan3A_66 = %scan3A_61 to %scan3A_63 step %scan3A_64  : i32 {
          %mul3A_67 = arith.constant 16 : i32
          %mul3A_68 = arith.muli %scan3A_66, %mul3A_67 : i32
          %get3A = arith.index_cast %scan3A_60 : i32 to index
          %get3A_69 = arith.index_cast %mul3A_68 : i32 to index
          %get3A_70 = tpu.vector_load %arg7[%get3A, %get3A_69] {strides = array<i32>} : memref<8x32xi32, #tpu.memory_space<vmem>>, vector<1x16xi32>,
          %get3A_71 = vector.shape_cast %get3A_70 : vector<1x16xi32> to vector<16xi32>
          %sub3A = vector.broadcast %multiple_of3A : i32 to vector<16xi32>
          %sub3A_72 = arith.subi %get3A_71, %sub3A : vector<16xi32>
          %ge3A = arith.constant 0 : i32
          %ge3A_73 = vector.broadcast %ge3A : i32 to vector<16xi32>
          %ge3A_74 = arith.cmpi sge, %sub3A_72, %ge3A_73 : vector<16xi32>
          %lt3A = arith.constant 5000 : i32
          %lt3A_75 = vector.broadcast %lt3A : i32 to vector<16xi32>
          %lt3A_76 = arith.cmpi slt, %sub3A_72, %lt3A_75 : vector<16xi32>
          %and3A = arith.andi %ge3A_74, %lt3A_76 : vector<16xi1>
          %broadcast_in_dim3A = vector.broadcast %add3A_1 : i32 to vector<16xi32>
          %select_n3A_77 = arith.select %and3A, %sub3A_72, %broadcast_in_dim3A : vector<16xi1>, vector<16xi32>
          %mul3A_78 = arith.constant 16 : i32
          %mul3A_79 = arith.muli %scan3A_66, %mul3A_78 : i32
          %swap3A = arith.index_cast %scan3A_60 : i32 to index
          %swap3A_80 = arith.index_cast %mul3A_79 : i32 to index
          %swap3A_81 = tpu.vector_load %arg7[%swap3A, %swap3A_80] {strides = array<i32>} : memref<8x32xi32, #tpu.memory_space<vmem>>, vector<1x16xi32>,
          %swap3A_82 = vector.shape_cast %swap3A_81 : vector<1x16xi32> to vector<16xi32>
          %swap3A_83 = vector.shape_cast %select_n3A_77 : vector<16xi32> to vector<1x16xi32>
          tpu.vector_store %arg7[%swap3A, %swap3A_80], %swap3A_83 {strides = array<i32>} : memref<8x32xi32, #tpu.memory_space<vmem>>, vector<1x16xi32>,
        }
        %scan3A_65 = arith.constant 2 : i32
      }
      %scan3A_47 = arith.constant 8 : i32
      %dma_start3A = arith.constant 0 : i32
      %dma_start3A_48 = arith.constant 0 : i32
      %dma_start3A_49 = tpu.memref_slice %arg6[%dma_start3A, %dma_start3A_48] : memref<8x32xi32, #tpu.memory_space<vmem>> -> memref<1x32xi32, #tpu.memory_space<vmem>>
      %dma_start3A_50 = tpu.memref_squeeze %dma_start3A_49 : memref<1x32xi32, #tpu.memory_space<vmem>> -> memref<32xi32, #tpu.memory_space<vmem>>
      %dma_start3A_51 = arith.constant 0 : i32
      %dma_start3A_52 = arith.constant 0 : i32
      %dma_start3A_53 = tpu.memref_slice %arg10[%dma_start3A_51, %dma_start3A_52] : memref<10000x128xf32, #tpu.memory_space<vmem_shared>> -> memref<10000x128xf32, #tpu.memory_space<vmem_shared>>
      tpu.enqueue_indirect_dma source(%dma_start3A_53 : memref<10000x128xf32, #tpu.memory_space<vmem_shared>>) target(%arg8 : memref<32x128xf32, #tpu.memory_space<vmem>>) offsets(%dma_start3A_50 : memref<32xi32, #tpu.memory_space<vmem>>) semaphore(%arg12 : memref<!tpu.dma_semaphore, #tpu.memory_space<semaphore_mem>>)
      %scan3A_54 = arith.constant 0 : i32
      %scan3A_55 = arith.constant 0 : i32
      %scan3A_56 = arith.constant 4 : i32
      %scan3A_57 = arith.addi %scan3A_55, %scan3A_56 : i32
      %scan3A_58 = arith.constant 1 : i32
      scf.for %scan3A_60 = %scan3A_55 to %scan3A_57 step %scan3A_58  : i32 {
        %mul3A_61 = arith.constant 2 : i32
        %mul3A_62 = arith.muli %mul3A_61, %scan3A_60 : i32
        %add3A_63 = arith.constant 1 : i32
        %add3A_64 = arith.addi %mul3A_62, %add3A_63 : i32
        %dma_start3A_65 = arith.constant 0 : i32
        %dma_start3A_66 = tpu.memref_slice %arg6[%add3A_64, %dma_start3A_65] : memref<8x32xi32, #tpu.memory_space<vmem>> -> memref<1x32xi32, #tpu.memory_space<vmem>>
        %dma_start3A_67 = tpu.memref_squeeze %dma_start3A_66 : memref<1x32xi32, #tpu.memory_space<vmem>> -> memref<32xi32, #tpu.memory_space<vmem>>
        %dma_start3A_68 = arith.constant 0 : i32
        %dma_start3A_69 = arith.constant 0 : i32
        %dma_start3A_70 = tpu.memref_slice %arg10[%dma_start3A_68, %dma_start3A_69] : memref<10000x128xf32, #tpu.memory_space<vmem_shared>> -> memref<10000x128xf32, #tpu.memory_space<vmem_shared>>
        tpu.enqueue_indirect_dma source(%dma_start3A_70 : memref<10000x128xf32, #tpu.memory_space<vmem_shared>>) target(%arg9 : memref<32x128xf32, #tpu.memory_space<vmem>>) offsets(%dma_start3A_67 : memref<32xi32, #tpu.memory_space<vmem>>) semaphore(%arg13 : memref<!tpu.dma_semaphore, #tpu.memory_space<semaphore_mem>>)
        %dma_wait3A = arith.constant 0 : i32
        %dma_wait3A_71 = tpu.memref_slice %arg6[%mul3A_62, %dma_wait3A] : memref<8x32xi32, #tpu.memory_space<vmem>> -> memref<1x32xi32, #tpu.memory_space<vmem>>
        %dma_wait3A_72 = tpu.memref_squeeze %dma_wait3A_71 : memref<1x32xi32, #tpu.memory_space<vmem>> -> memref<32xi32, #tpu.memory_space<vmem>>
        %dma_wait3A_73 = arith.constant 0 : i32
        %dma_wait3A_74 = arith.constant 0 : i32
        %dma_wait3A_75 = tpu.memref_slice %arg10[%dma_wait3A_73, %dma_wait3A_74] : memref<10000x128xf32, #tpu.memory_space<vmem_shared>> -> memref<10000x128xf32, #tpu.memory_space<vmem_shared>>
        tpu.wait_indirect_dma semaphore(%arg12 : memref<!tpu.dma_semaphore, #tpu.memory_space<semaphore_mem>>) src(%dma_wait3A_75 : memref<10000x128xf32, #tpu.memory_space<vmem_shared>>) dst(%arg8 : memref<32x128xf32, #tpu.memory_space<vmem>>)
        "tpu.region"() ({
          %run_scoped3A_90 = tpu.sem_alloc : memref<!tpu.dma_semaphore, #tpu.memory_space<semaphore_mem>>
          %dma_start3A_91 = arith.constant 0 : i32
          %dma_start3A_92 = tpu.memref_slice %arg7[%mul3A_62, %dma_start3A_91] : memref<8x32xi32, #tpu.memory_space<vmem>> -> memref<1x32xi32, #tpu.memory_space<vmem>>
          %dma_start3A_93 = tpu.memref_squeeze %dma_start3A_92 : memref<1x32xi32, #tpu.memory_space<vmem>> -> memref<32xi32, #tpu.memory_space<vmem>>
          %dma_start3A_94 = arith.constant 0 : i32
          %dma_start3A_95 = arith.constant 0 : i32
          %dma_start3A_96 = tpu.memref_slice %arg11[%dma_start3A_94, %dma_start3A_95] : memref<5016x128xf32, #tpu.memory_space<vmem_shared>> -> memref<5016x128xf32, #tpu.memory_space<vmem_shared>>
          tpu.enqueue_indirect_dma source(%arg8 : memref<32x128xf32, #tpu.memory_space<vmem>>) target(%dma_start3A_96 : memref<5016x128xf32, #tpu.memory_space<vmem_shared>>) offsets(%dma_start3A_93 : memref<32xi32, #tpu.memory_space<vmem>>) semaphore(%run_scoped3A_90 : memref<!tpu.dma_semaphore, #tpu.memory_space<semaphore_mem>>) {add = true}
          %dma_wait3A_97 = arith.constant 0 : i32
          %dma_wait3A_98 = tpu.memref_slice %arg7[%mul3A_62, %dma_wait3A_97] : memref<8x32xi32, #tpu.memory_space<vmem>> -> memref<1x32xi32, #tpu.memory_space<vmem>>
          %dma_wait3A_99 = tpu.memref_squeeze %dma_wait3A_98 : memref<1x32xi32, #tpu.memory_space<vmem>> -> memref<32xi32, #tpu.memory_space<vmem>>
          %dma_wait3A_100 = arith.constant 0 : i32
          %dma_wait3A_101 = arith.constant 0 : i32
          %dma_wait3A_102 = tpu.memref_slice %arg11[%dma_wait3A_100, %dma_wait3A_101] : memref<5016x128xf32, #tpu.memory_space<vmem_shared>> -> memref<5016x128xf32, #tpu.memory_space<vmem_shared>>
          tpu.wait_indirect_dma semaphore(%run_scoped3A_90 : memref<!tpu.dma_semaphore, #tpu.memory_space<semaphore_mem>>) src(%arg8 : memref<32x128xf32, #tpu.memory_space<vmem>>) dst(%dma_wait3A_102 : memref<5016x128xf32, #tpu.memory_space<vmem_shared>>)
          tpu.yield
        }) : () -> ()
        %add3A_76 = arith.constant 2 : i32
        %add3A_77 = arith.addi %mul3A_62, %add3A_76 : i32
        %lt3A = arith.constant 8 : i32
        %lt3A_78 = arith.cmpi slt, %add3A_77, %lt3A : i32
        %convert_element_type3A = arith.extui %lt3A_78 : i1 to i32
        %cond3A = arith.constant 0 : i32
        %cond3A_79 = arith.cmpi ne, %convert_element_type3A, %cond3A : i32
        scf.if %cond3A_79 {
          %add3A_90 = arith.constant 2 : i32
          %add3A_91 = arith.addi %mul3A_62, %add3A_90 : i32
          %dma_start3A_92 = arith.constant 0 : i32
          %dma_start3A_93 = tpu.memref_slice %arg6[%add3A_91, %dma_start3A_92] : memref<8x32xi32, #tpu.memory_space<vmem>> -> memref<1x32xi32, #tpu.memory_space<vmem>>
          %dma_start3A_94 = tpu.memref_squeeze %dma_start3A_93 : memref<1x32xi32, #tpu.memory_space<vmem>> -> memref<32xi32, #tpu.memory_space<vmem>>
          %dma_start3A_95 = arith.constant 0 : i32
          %dma_start3A_96 = arith.constant 0 : i32
          %dma_start3A_97 = tpu.memref_slice %arg10[%dma_start3A_95, %dma_start3A_96] : memref<10000x128xf32, #tpu.memory_space<vmem_shared>> -> memref<10000x128xf32, #tpu.memory_space<vmem_shared>>
          tpu.enqueue_indirect_dma source(%dma_start3A_97 : memref<10000x128xf32, #tpu.memory_space<vmem_shared>>) target(%arg8 : memref<32x128xf32, #tpu.memory_space<vmem>>) offsets(%dma_start3A_94 : memref<32xi32, #tpu.memory_space<vmem>>) semaphore(%arg12 : memref<!tpu.dma_semaphore, #tpu.memory_space<semaphore_mem>>)
        } else {
        }
        %add3A_80 = arith.constant 1 : i32
        %add3A_81 = arith.addi %mul3A_62, %add3A_80 : i32
        %dma_wait3A_82 = arith.constant 0 : i32
        %dma_wait3A_83 = tpu.memref_slice %arg6[%add3A_81, %dma_wait3A_82] : memref<8x32xi32, #tpu.memory_space<vmem>> -> memref<1x32xi32, #tpu.memory_space<vmem>>
        %dma_wait3A_84 = tpu.memref_squeeze %dma_wait3A_83 : memref<1x32xi32, #tpu.memory_space<vmem>> -> memref<32xi32, #tpu.memory_space<vmem>>
        %dma_wait3A_85 = arith.constant 0 : i32
        %dma_wait3A_86 = arith.constant 0 : i32
        %dma_wait3A_87 = tpu.memref_slice %arg10[%dma_wait3A_85, %dma_wait3A_86] : memref<10000x128xf32, #tpu.memory_space<vmem_shared>> -> memref<10000x128xf32, #tpu.memory_space<vmem_shared>>
        tpu.wait_indirect_dma semaphore(%arg13 : memref<!tpu.dma_semaphore, #tpu.memory_space<semaphore_mem>>) src(%dma_wait3A_87 : memref<10000x128xf32, #tpu.memory_space<vmem_shared>>) dst(%arg9 : memref<32x128xf32, #tpu.memory_space<vmem>>)
        %add3A_88 = arith.constant 1 : i32
        %add3A_89 = arith.addi %mul3A_62, %add3A_88 : i32
        "tpu.region"() ({
          %run_scoped3A_90 = tpu.sem_alloc : memref<!tpu.dma_semaphore, #tpu.memory_space<semaphore_mem>>
          %dma_start3A_91 = arith.constant 0 : i32
          %dma_start3A_92 = tpu.memref_slice %arg7[%add3A_89, %dma_start3A_91] : memref<8x32xi32, #tpu.memory_space<vmem>> -> memref<1x32xi32, #tpu.memory_space<vmem>>
          %dma_start3A_93 = tpu.memref_squeeze %dma_start3A_92 : memref<1x32xi32, #tpu.memory_space<vmem>> -> memref<32xi32, #tpu.memory_space<vmem>>
          %dma_start3A_94 = arith.constant 0 : i32
          %dma_start3A_95 = arith.constant 0 : i32
          %dma_start3A_96 = tpu.memref_slice %arg11[%dma_start3A_94, %dma_start3A_95] : memref<5016x128xf32, #tpu.memory_space<vmem_shared>> -> memref<5016x128xf32, #tpu.memory_space<vmem_shared>>
          tpu.enqueue_indirect_dma source(%arg9 : memref<32x128xf32, #tpu.memory_space<vmem>>) target(%dma_start3A_96 : memref<5016x128xf32, #tpu.memory_space<vmem_shared>>) offsets(%dma_start3A_93 : memref<32xi32, #tpu.memory_space<vmem>>) semaphore(%run_scoped3A_90 : memref<!tpu.dma_semaphore, #tpu.memory_space<semaphore_mem>>) {add = true}
          %dma_wait3A_97 = arith.constant 0 : i32
          %dma_wait3A_98 = tpu.memref_slice %arg7[%add3A_89, %dma_wait3A_97] : memref<8x32xi32, #tpu.memory_space<vmem>> -> memref<1x32xi32, #tpu.memory_space<vmem>>
          %dma_wait3A_99 = tpu.memref_squeeze %dma_wait3A_98 : memref<1x32xi32, #tpu.memory_space<vmem>> -> memref<32xi32, #tpu.memory_space<vmem>>
          %dma_wait3A_100 = arith.constant 0 : i32
          %dma_wait3A_101 = arith.constant 0 : i32
          %dma_wait3A_102 = tpu.memref_slice %arg11[%dma_wait3A_100, %dma_wait3A_101] : memref<5016x128xf32, #tpu.memory_space<vmem_shared>> -> memref<5016x128xf32, #tpu.memory_space<vmem_shared>>
          tpu.wait_indirect_dma semaphore(%run_scoped3A_90 : memref<!tpu.dma_semaphore, #tpu.memory_space<semaphore_mem>>) src(%arg9 : memref<32x128xf32, #tpu.memory_space<vmem>>) dst(%dma_wait3A_102 : memref<5016x128xf32, #tpu.memory_space<vmem_shared>>)
          tpu.yield
        }) : () -> ()
      }
      %scan3A_59 = arith.constant 4 : i32
    }
    %scan3A_19 = arith.constant 79 : i32
    %barrier3A_20 = arith.constant 0 : index
    tpu.barrier barrier_id(%barrier3A_20)
    %add3A_21 = arith.addi %multiple_of3A, %multiple_of3A_12 : i32
    %multiple_of3A_22 = tpu.assume_multiple %add3A_21, 8 : i32
    %run_scoped3A = arith.constant 0 : i32
    "tpu.region"() ({
      %run_scoped3A_37 = tpu.sem_alloc : memref<!tpu.dma_semaphore, #tpu.memory_space<semaphore_mem>>
      %dma_start3A = arith.constant 0 : i32
      %dma_start3A_38 = tpu.memref_slice %arg5[%run_scoped3A, %multiple_of3A_22, %dma_start3A] : memref<2x10000x128xf32, #tpu.memory_space<hbm>> -> memref<1x320x128xf32, #tpu.memory_space<hbm>>
      %dma_start3A_39 = tpu.memref_squeeze %dma_start3A_38 : memref<1x320x128xf32, #tpu.memory_space<hbm>> -> memref<320x128xf32, #tpu.memory_space<hbm>>
      %dma_start3A_40 = arith.constant 0 : i32
      %dma_start3A_41 = tpu.memref_slice %arg11[%multiple_of3A_12, %dma_start3A_40] : memref<5016x128xf32, #tpu.memory_space<vmem_shared>> -> memref<320x128xf32, #tpu.memory_space<vmem_shared>>
      tpu.enqueue_dma source(%dma_start3A_41 : memref<320x128xf32, #tpu.memory_space<vmem_shared>>) target(%dma_start3A_39 : memref<320x128xf32, #tpu.memory_space<hbm>>) target_semaphore(%run_scoped3A_37 : memref<!tpu.dma_semaphore, #tpu.memory_space<semaphore_mem>>)
      %dma_wait3A = arith.constant 0 : i32
      %dma_wait3A_42 = tpu.memref_slice %arg5[%run_scoped3A, %multiple_of3A_22, %dma_wait3A] : memref<2x10000x128xf32, #tpu.memory_space<hbm>> -> memref<1x320x128xf32, #tpu.memory_space<hbm>>
      %dma_wait3A_43 = tpu.memref_squeeze %dma_wait3A_42 : memref<1x320x128xf32, #tpu.memory_space<hbm>> -> memref<320x128xf32, #tpu.memory_space<hbm>>
      %dma_wait3A_44 = arith.constant 0 : i32
      %dma_wait3A_45 = tpu.memref_slice %arg11[%multiple_of3A_12, %dma_wait3A_44] : memref<5016x128xf32, #tpu.memory_space<vmem_shared>> -> memref<320x128xf32, #tpu.memory_space<vmem_shared>>
      tpu.wait_dma2 semaphore(%run_scoped3A_37 : memref<!tpu.dma_semaphore, #tpu.memory_space<semaphore_mem>>) src(%dma_wait3A_45 : memref<320x128xf32, #tpu.memory_space<vmem_shared>>) dst(%dma_wait3A_43 : memref<320x128xf32, #tpu.memory_space<hbm>>)
      tpu.yield
    }) : () -> ()
    %barrier3A_23 = arith.constant 0 : index
    tpu.barrier barrier_id(%barrier3A_23)
    %add3A_24 = arith.addi %multiple_of3A, %multiple_of3A_12 : i32
    %multiple_of3A_25 = tpu.assume_multiple %add3A_24, 8 : i32
    "tpu.region"() ({
      %run_scoped3A_37 = tpu.sem_alloc : memref<!tpu.dma_semaphore, #tpu.memory_space<semaphore_mem>>
      %dma_start3A = arith.constant 0 : i32
      %dma_start3A_38 = tpu.memref_slice %arg11[%multiple_of3A_12, %dma_start3A] : memref<5016x128xf32, #tpu.memory_space<vmem_shared>> -> memref<320x128xf32, #tpu.memory_space<vmem_shared>>
      %dma_start3A_39 = arith.constant 0 : i32
      %dma_start3A_40 = tpu.memref_slice %arg2[%multiple_of3A_25, %dma_start3A_39] : memref<10000x128xf32, #tpu.memory_space<hbm>> -> memref<320x128xf32, #tpu.memory_space<hbm>>
      tpu.enqueue_dma source(%dma_start3A_40 : memref<320x128xf32, #tpu.memory_space<hbm>>) target(%dma_start3A_38 : memref<320x128xf32, #tpu.memory_space<vmem_shared>>) target_semaphore(%run_scoped3A_37 : memref<!tpu.dma_semaphore, #tpu.memory_space<semaphore_mem>>)
      %dma_wait3A = arith.constant 0 : i32
      %dma_wait3A_41 = tpu.memref_slice %arg11[%multiple_of3A_12, %dma_wait3A] : memref<5016x128xf32, #tpu.memory_space<vmem_shared>> -> memref<320x128xf32, #tpu.memory_space<vmem_shared>>
      %dma_wait3A_42 = arith.constant 0 : i32
      %dma_wait3A_43 = tpu.memref_slice %arg2[%multiple_of3A_25, %dma_wait3A_42] : memref<10000x128xf32, #tpu.memory_space<hbm>> -> memref<320x128xf32, #tpu.memory_space<hbm>>
      tpu.wait_dma2 semaphore(%run_scoped3A_37 : memref<!tpu.dma_semaphore, #tpu.memory_space<semaphore_mem>>) src(%dma_wait3A_43 : memref<320x128xf32, #tpu.memory_space<hbm>>) dst(%dma_wait3A_41 : memref<320x128xf32, #tpu.memory_space<vmem_shared>>)
      tpu.yield
    }) : () -> ()
    %barrier3A_26 = arith.constant 0 : index
    tpu.barrier barrier_id(%barrier3A_26)
    %scan3A_27 = arith.constant 0 : i32
    %scan3A_28 = arith.constant 0 : i32
    %scan3A_29 = arith.constant 79 : i32
    %scan3A_30 = arith.addi %scan3A_28, %scan3A_29 : i32
    %scan3A_31 = arith.constant 1 : i32
    scf.for %scan3A_37 = %scan3A_28 to %scan3A_30 step %scan3A_31  : i32 {
      %mul3A_38 = arith.constant 8 : i32
      %mul3A_39 = arith.muli %scan3A_37, %mul3A_38 : i32
      %multiple_of3A_40 = tpu.assume_multiple %mul3A_39, 8 : i32
      %run_scoped3A_41 = arith.constant 1 : i32
      "tpu.region"() ({
        %run_scoped3A_60 = tpu.sem_alloc : memref<!tpu.dma_semaphore, #tpu.memory_space<semaphore_mem>>
        %dma_start3A_61 = arith.constant 0 : i32
        %dma_start3A_62 = tpu.memref_slice %arg3[%run_scoped3A_41, %arg1, %multiple_of3A_40, %dma_start3A_61] : memref<2x16x632x32xi32, #tpu.memory_space<hbm>> -> memref<1x1x8x32xi32, #tpu.memory_space<hbm>>
        %dma_start3A_63 = tpu.memref_squeeze %dma_start3A_62 : memref<1x1x8x32xi32, #tpu.memory_space<hbm>> -> memref<8x32xi32, #tpu.memory_space<hbm>>
        %dma_start3A_64 = arith.constant 0 : i32
        %dma_start3A_65 = tpu.memref_slice %arg3[%run_scoped3A_41, %arg1, %multiple_of3A_40, %dma_start3A_64] : memref<2x16x632x32xi32, #tpu.memory_space<hbm>> -> memref<1x1x8x32xi32, #tpu.memory_space<hbm>>
        %dma_start3A_66 = tpu.memref_squeeze %dma_start3A_65 : memref<1x1x8x32xi32, #tpu.memory_space<hbm>> -> memref<8x32xi32, #tpu.memory_space<hbm>>
        tpu.enqueue_dma source(%dma_start3A_66 : memref<8x32xi32, #tpu.memory_space<hbm>>) target(%arg6 : memref<8x32xi32, #tpu.memory_space<vmem>>) target_semaphore(%run_scoped3A_60 : memref<!tpu.dma_semaphore, #tpu.memory_space<semaphore_mem>>)
        %dma_wait3A = arith.constant 0 : i32
        %dma_wait3A_67 = tpu.memref_slice %arg3[%run_scoped3A_41, %arg1, %multiple_of3A_40, %dma_wait3A] : memref<2x16x632x32xi32, #tpu.memory_space<hbm>> -> memref<1x1x8x32xi32, #tpu.memory_space<hbm>>
        %dma_wait3A_68 = tpu.memref_squeeze %dma_wait3A_67 : memref<1x1x8x32xi32, #tpu.memory_space<hbm>> -> memref<8x32xi32, #tpu.memory_space<hbm>>
        %dma_wait3A_69 = arith.constant 0 : i32
        %dma_wait3A_70 = tpu.memref_slice %arg3[%run_scoped3A_41, %arg1, %multiple_of3A_40, %dma_wait3A_69] : memref<2x16x632x32xi32, #tpu.memory_space<hbm>> -> memref<1x1x8x32xi32, #tpu.memory_space<hbm>>
        %dma_wait3A_71 = tpu.memref_squeeze %dma_wait3A_70 : memref<1x1x8x32xi32, #tpu.memory_space<hbm>> -> memref<8x32xi32, #tpu.memory_space<hbm>>
        tpu.wait_dma2 semaphore(%run_scoped3A_60 : memref<!tpu.dma_semaphore, #tpu.memory_space<semaphore_mem>>) src(%dma_wait3A_71 : memref<8x32xi32, #tpu.memory_space<hbm>>) dst(%arg6 : memref<8x32xi32, #tpu.memory_space<vmem>>)
        tpu.yield
      }) : () -> ()
      %run_scoped3A_42 = arith.constant 1 : i32
      "tpu.region"() ({
        %run_scoped3A_60 = tpu.sem_alloc : memref<!tpu.dma_semaphore, #tpu.memory_space<semaphore_mem>>
        %dma_start3A_61 = arith.constant 0 : i32
        %dma_start3A_62 = tpu.memref_slice %arg4[%run_scoped3A_42, %arg1, %multiple_of3A_40, %dma_start3A_61] : memref<2x16x632x32xi32, #tpu.memory_space<hbm>> -> memref<1x1x8x32xi32, #tpu.memory_space<hbm>>
        %dma_start3A_63 = tpu.memref_squeeze %dma_start3A_62 : memref<1x1x8x32xi32, #tpu.memory_space<hbm>> -> memref<8x32xi32, #tpu.memory_space<hbm>>
        %dma_start3A_64 = arith.constant 0 : i32
        %dma_start3A_65 = tpu.memref_slice %arg4[%run_scoped3A_42, %arg1, %multiple_of3A_40, %dma_start3A_64] : memref<2x16x632x32xi32, #tpu.memory_space<hbm>> -> memref<1x1x8x32xi32, #tpu.memory_space<hbm>>
        %dma_start3A_66 = tpu.memref_squeeze %dma_start3A_65 : memref<1x1x8x32xi32, #tpu.memory_space<hbm>> -> memref<8x32xi32, #tpu.memory_space<hbm>>
        tpu.enqueue_dma source(%dma_start3A_66 : memref<8x32xi32, #tpu.memory_space<hbm>>) target(%arg7 : memref<8x32xi32, #tpu.memory_space<vmem>>) target_semaphore(%run_scoped3A_60 : memref<!tpu.dma_semaphore, #tpu.memory_space<semaphore_mem>>)
        %dma_wait3A = arith.constant 0 : i32
        %dma_wait3A_67 = tpu.memref_slice %arg4[%run_scoped3A_42, %arg1, %multiple_of3A_40, %dma_wait3A] : memref<2x16x632x32xi32, #tpu.memory_space<hbm>> -> memref<1x1x8x32xi32, #tpu.memory_space<hbm>>
        %dma_wait3A_68 = tpu.memref_squeeze %dma_wait3A_67 : memref<1x1x8x32xi32, #tpu.memory_space<hbm>> -> memref<8x32xi32, #tpu.memory_space<hbm>>
        %dma_wait3A_69 = arith.constant 0 : i32
        %dma_wait3A_70 = tpu.memref_slice %arg4[%run_scoped3A_42, %arg1, %multiple_of3A_40, %dma_wait3A_69] : memref<2x16x632x32xi32, #tpu.memory_space<hbm>> -> memref<1x1x8x32xi32, #tpu.memory_space<hbm>>
        %dma_wait3A_71 = tpu.memref_squeeze %dma_wait3A_70 : memref<1x1x8x32xi32, #tpu.memory_space<hbm>> -> memref<8x32xi32, #tpu.memory_space<hbm>>
        tpu.wait_dma2 semaphore(%run_scoped3A_60 : memref<!tpu.dma_semaphore, #tpu.memory_space<semaphore_mem>>) src(%dma_wait3A_71 : memref<8x32xi32, #tpu.memory_space<hbm>>) dst(%arg7 : memref<8x32xi32, #tpu.memory_space<vmem>>)
        tpu.yield
      }) : () -> ()
      %scan3A_43 = arith.constant 0 : i32
      %scan3A_44 = arith.constant 8 : i32
      %scan3A_45 = arith.addi %scan3A_43, %scan3A_44 : i32
      %scan3A_46 = arith.constant 1 : i32
      scf.for %scan3A_60 = %scan3A_43 to %scan3A_45 step %scan3A_46  : i32 {
        %scan3A_61 = arith.constant 0 : i32
        %scan3A_62 = arith.constant 2 : i32
        %scan3A_63 = arith.addi %scan3A_61, %scan3A_62 : i32
        %scan3A_64 = arith.constant 1 : i32
        scf.for %scan3A_66 = %scan3A_61 to %scan3A_63 step %scan3A_64  : i32 {
          %mul3A_67 = arith.constant 16 : i32
          %mul3A_68 = arith.muli %scan3A_66, %mul3A_67 : i32
          %get3A = arith.index_cast %scan3A_60 : i32 to index
          %get3A_69 = arith.index_cast %mul3A_68 : i32 to index
          %get3A_70 = tpu.vector_load %arg7[%get3A, %get3A_69] {strides = array<i32>} : memref<8x32xi32, #tpu.memory_space<vmem>>, vector<1x16xi32>,
          %get3A_71 = vector.shape_cast %get3A_70 : vector<1x16xi32> to vector<16xi32>
          %sub3A = vector.broadcast %multiple_of3A : i32 to vector<16xi32>
          %sub3A_72 = arith.subi %get3A_71, %sub3A : vector<16xi32>
          %ge3A = arith.constant 0 : i32
          %ge3A_73 = vector.broadcast %ge3A : i32 to vector<16xi32>
          %ge3A_74 = arith.cmpi sge, %sub3A_72, %ge3A_73 : vector<16xi32>
          %lt3A = arith.constant 5000 : i32
          %lt3A_75 = vector.broadcast %lt3A : i32 to vector<16xi32>
          %lt3A_76 = arith.cmpi slt, %sub3A_72, %lt3A_75 : vector<16xi32>
          %and3A = arith.andi %ge3A_74, %lt3A_76 : vector<16xi1>
          %broadcast_in_dim3A = vector.broadcast %add3A_1 : i32 to vector<16xi32>
          %select_n3A_77 = arith.select %and3A, %sub3A_72, %broadcast_in_dim3A : vector<16xi1>, vector<16xi32>
          %mul3A_78 = arith.constant 16 : i32
          %mul3A_79 = arith.muli %scan3A_66, %mul3A_78 : i32
          %swap3A = arith.index_cast %scan3A_60 : i32 to index
          %swap3A_80 = arith.index_cast %mul3A_79 : i32 to index
          %swap3A_81 = tpu.vector_load %arg7[%swap3A, %swap3A_80] {strides = array<i32>} : memref<8x32xi32, #tpu.memory_space<vmem>>, vector<1x16xi32>,
          %swap3A_82 = vector.shape_cast %swap3A_81 : vector<1x16xi32> to vector<16xi32>
          %swap3A_83 = vector.shape_cast %select_n3A_77 : vector<16xi32> to vector<1x16xi32>
          tpu.vector_store %arg7[%swap3A, %swap3A_80], %swap3A_83 {strides = array<i32>} : memref<8x32xi32, #tpu.memory_space<vmem>>, vector<1x16xi32>,
        }
        %scan3A_65 = arith.constant 2 : i32
      }
      %scan3A_47 = arith.constant 8 : i32
      %dma_start3A = arith.constant 0 : i32
      %dma_start3A_48 = arith.constant 0 : i32
      %dma_start3A_49 = tpu.memref_slice %arg6[%dma_start3A, %dma_start3A_48] : memref<8x32xi32, #tpu.memory_space<vmem>> -> memref<1x32xi32, #tpu.memory_space<vmem>>
      %dma_start3A_50 = tpu.memref_squeeze %dma_start3A_49 : memref<1x32xi32, #tpu.memory_space<vmem>> -> memref<32xi32, #tpu.memory_space<vmem>>
      %dma_start3A_51 = arith.constant 0 : i32
      %dma_start3A_52 = arith.constant 0 : i32
      %dma_start3A_53 = tpu.memref_slice %arg10[%dma_start3A_51, %dma_start3A_52] : memref<10000x128xf32, #tpu.memory_space<vmem_shared>> -> memref<10000x128xf32, #tpu.memory_space<vmem_shared>>
      tpu.enqueue_indirect_dma source(%dma_start3A_53 : memref<10000x128xf32, #tpu.memory_space<vmem_shared>>) target(%arg8 : memref<32x128xf32, #tpu.memory_space<vmem>>) offsets(%dma_start3A_50 : memref<32xi32, #tpu.memory_space<vmem>>) semaphore(%arg12 : memref<!tpu.dma_semaphore, #tpu.memory_space<semaphore_mem>>)
      %scan3A_54 = arith.constant 0 : i32
      %scan3A_55 = arith.constant 0 : i32
      %scan3A_56 = arith.constant 4 : i32
      %scan3A_57 = arith.addi %scan3A_55, %scan3A_56 : i32
      %scan3A_58 = arith.constant 1 : i32
      scf.for %scan3A_60 = %scan3A_55 to %scan3A_57 step %scan3A_58  : i32 {
        %mul3A_61 = arith.constant 2 : i32
        %mul3A_62 = arith.muli %mul3A_61, %scan3A_60 : i32
        %add3A_63 = arith.constant 1 : i32
        %add3A_64 = arith.addi %mul3A_62, %add3A_63 : i32
        %dma_start3A_65 = arith.constant 0 : i32
        %dma_start3A_66 = tpu.memref_slice %arg6[%add3A_64, %dma_start3A_65] : memref<8x32xi32, #tpu.memory_space<vmem>> -> memref<1x32xi32, #tpu.memory_space<vmem>>
        %dma_start3A_67 = tpu.memref_squeeze %dma_start3A_66 : memref<1x32xi32, #tpu.memory_space<vmem>> -> memref<32xi32, #tpu.memory_space<vmem>>
        %dma_start3A_68 = arith.constant 0 : i32
        %dma_start3A_69 = arith.constant 0 : i32
        %dma_start3A_70 = tpu.memref_slice %arg10[%dma_start3A_68, %dma_start3A_69] : memref<10000x128xf32, #tpu.memory_space<vmem_shared>> -> memref<10000x128xf32, #tpu.memory_space<vmem_shared>>
        tpu.enqueue_indirect_dma source(%dma_start3A_70 : memref<10000x128xf32, #tpu.memory_space<vmem_shared>>) target(%arg9 : memref<32x128xf32, #tpu.memory_space<vmem>>) offsets(%dma_start3A_67 : memref<32xi32, #tpu.memory_space<vmem>>) semaphore(%arg13 : memref<!tpu.dma_semaphore, #tpu.memory_space<semaphore_mem>>)
        %dma_wait3A = arith.constant 0 : i32
        %dma_wait3A_71 = tpu.memref_slice %arg6[%mul3A_62, %dma_wait3A] : memref<8x32xi32, #tpu.memory_space<vmem>> -> memref<1x32xi32, #tpu.memory_space<vmem>>
        %dma_wait3A_72 = tpu.memref_squeeze %dma_wait3A_71 : memref<1x32xi32, #tpu.memory_space<vmem>> -> memref<32xi32, #tpu.memory_space<vmem>>
        %dma_wait3A_73 = arith.constant 0 : i32
        %dma_wait3A_74 = arith.constant 0 : i32
        %dma_wait3A_75 = tpu.memref_slice %arg10[%dma_wait3A_73, %dma_wait3A_74] : memref<10000x128xf32, #tpu.memory_space<vmem_shared>> -> memref<10000x128xf32, #tpu.memory_space<vmem_shared>>
        tpu.wait_indirect_dma semaphore(%arg12 : memref<!tpu.dma_semaphore, #tpu.memory_space<semaphore_mem>>) src(%dma_wait3A_75 : memref<10000x128xf32, #tpu.memory_space<vmem_shared>>) dst(%arg8 : memref<32x128xf32, #tpu.memory_space<vmem>>)
        "tpu.region"() ({
          %run_scoped3A_90 = tpu.sem_alloc : memref<!tpu.dma_semaphore, #tpu.memory_space<semaphore_mem>>
          %dma_start3A_91 = arith.constant 0 : i32
          %dma_start3A_92 = tpu.memref_slice %arg7[%mul3A_62, %dma_start3A_91] : memref<8x32xi32, #tpu.memory_space<vmem>> -> memref<1x32xi32, #tpu.memory_space<vmem>>
          %dma_start3A_93 = tpu.memref_squeeze %dma_start3A_92 : memref<1x32xi32, #tpu.memory_space<vmem>> -> memref<32xi32, #tpu.memory_space<vmem>>
          %dma_start3A_94 = arith.constant 0 : i32
          %dma_start3A_95 = arith.constant 0 : i32
          %dma_start3A_96 = tpu.memref_slice %arg11[%dma_start3A_94, %dma_start3A_95] : memref<5016x128xf32, #tpu.memory_space<vmem_shared>> -> memref<5016x128xf32, #tpu.memory_space<vmem_shared>>
          tpu.enqueue_indirect_dma source(%arg8 : memref<32x128xf32, #tpu.memory_space<vmem>>) target(%dma_start3A_96 : memref<5016x128xf32, #tpu.memory_space<vmem_shared>>) offsets(%dma_start3A_93 : memref<32xi32, #tpu.memory_space<vmem>>) semaphore(%run_scoped3A_90 : memref<!tpu.dma_semaphore, #tpu.memory_space<semaphore_mem>>) {add = true}
          %dma_wait3A_97 = arith.constant 0 : i32
          %dma_wait3A_98 = tpu.memref_slice %arg7[%mul3A_62, %dma_wait3A_97] : memref<8x32xi32, #tpu.memory_space<vmem>> -> memref<1x32xi32, #tpu.memory_space<vmem>>
          %dma_wait3A_99 = tpu.memref_squeeze %dma_wait3A_98 : memref<1x32xi32, #tpu.memory_space<vmem>> -> memref<32xi32, #tpu.memory_space<vmem>>
          %dma_wait3A_100 = arith.constant 0 : i32
          %dma_wait3A_101 = arith.constant 0 : i32
          %dma_wait3A_102 = tpu.memref_slice %arg11[%dma_wait3A_100, %dma_wait3A_101] : memref<5016x128xf32, #tpu.memory_space<vmem_shared>> -> memref<5016x128xf32, #tpu.memory_space<vmem_shared>>
          tpu.wait_indirect_dma semaphore(%run_scoped3A_90 : memref<!tpu.dma_semaphore, #tpu.memory_space<semaphore_mem>>) src(%arg8 : memref<32x128xf32, #tpu.memory_space<vmem>>) dst(%dma_wait3A_102 : memref<5016x128xf32, #tpu.memory_space<vmem_shared>>)
          tpu.yield
        }) : () -> ()
        %add3A_76 = arith.constant 2 : i32
        %add3A_77 = arith.addi %mul3A_62, %add3A_76 : i32
        %lt3A = arith.constant 8 : i32
        %lt3A_78 = arith.cmpi slt, %add3A_77, %lt3A : i32
        %convert_element_type3A = arith.extui %lt3A_78 : i1 to i32
        %cond3A = arith.constant 0 : i32
        %cond3A_79 = arith.cmpi ne, %convert_element_type3A, %cond3A : i32
        scf.if %cond3A_79 {
          %add3A_90 = arith.constant 2 : i32
          %add3A_91 = arith.addi %mul3A_62, %add3A_90 : i32
          %dma_start3A_92 = arith.constant 0 : i32
          %dma_start3A_93 = tpu.memref_slice %arg6[%add3A_91, %dma_start3A_92] : memref<8x32xi32, #tpu.memory_space<vmem>> -> memref<1x32xi32, #tpu.memory_space<vmem>>
          %dma_start3A_94 = tpu.memref_squeeze %dma_start3A_93 : memref<1x32xi32, #tpu.memory_space<vmem>> -> memref<32xi32, #tpu.memory_space<vmem>>
          %dma_start3A_95 = arith.constant 0 : i32
          %dma_start3A_96 = arith.constant 0 : i32
          %dma_start3A_97 = tpu.memref_slice %arg10[%dma_start3A_95, %dma_start3A_96] : memref<10000x128xf32, #tpu.memory_space<vmem_shared>> -> memref<10000x128xf32, #tpu.memory_space<vmem_shared>>
          tpu.enqueue_indirect_dma source(%dma_start3A_97 : memref<10000x128xf32, #tpu.memory_space<vmem_shared>>) target(%arg8 : memref<32x128xf32, #tpu.memory_space<vmem>>) offsets(%dma_start3A_94 : memref<32xi32, #tpu.memory_space<vmem>>) semaphore(%arg12 : memref<!tpu.dma_semaphore, #tpu.memory_space<semaphore_mem>>)
        } else {
        }
        %add3A_80 = arith.constant 1 : i32
        %add3A_81 = arith.addi %mul3A_62, %add3A_80 : i32
        %dma_wait3A_82 = arith.constant 0 : i32
        %dma_wait3A_83 = tpu.memref_slice %arg6[%add3A_81, %dma_wait3A_82] : memref<8x32xi32, #tpu.memory_space<vmem>> -> memref<1x32xi32, #tpu.memory_space<vmem>>
        %dma_wait3A_84 = tpu.memref_squeeze %dma_wait3A_83 : memref<1x32xi32, #tpu.memory_space<vmem>> -> memref<32xi32, #tpu.memory_space<vmem>>
        %dma_wait3A_85 = arith.constant 0 : i32
        %dma_wait3A_86 = arith.constant 0 : i32
        %dma_wait3A_87 = tpu.memref_slice %arg10[%dma_wait3A_85, %dma_wait3A_86] : memref<10000x128xf32, #tpu.memory_space<vmem_shared>> -> memref<10000x128xf32, #tpu.memory_space<vmem_shared>>
        tpu.wait_indirect_dma semaphore(%arg13 : memref<!tpu.dma_semaphore, #tpu.memory_space<semaphore_mem>>) src(%dma_wait3A_87 : memref<10000x128xf32, #tpu.memory_space<vmem_shared>>) dst(%arg9 : memref<32x128xf32, #tpu.memory_space<vmem>>)
        %add3A_88 = arith.constant 1 : i32
        %add3A_89 = arith.addi %mul3A_62, %add3A_88 : i32
        "tpu.region"() ({
          %run_scoped3A_90 = tpu.sem_alloc : memref<!tpu.dma_semaphore, #tpu.memory_space<semaphore_mem>>
          %dma_start3A_91 = arith.constant 0 : i32
          %dma_start3A_92 = tpu.memref_slice %arg7[%add3A_89, %dma_start3A_91] : memref<8x32xi32, #tpu.memory_space<vmem>> -> memref<1x32xi32, #tpu.memory_space<vmem>>
          %dma_start3A_93 = tpu.memref_squeeze %dma_start3A_92 : memref<1x32xi32, #tpu.memory_space<vmem>> -> memref<32xi32, #tpu.memory_space<vmem>>
          %dma_start3A_94 = arith.constant 0 : i32
          %dma_start3A_95 = arith.constant 0 : i32
          %dma_start3A_96 = tpu.memref_slice %arg11[%dma_start3A_94, %dma_start3A_95] : memref<5016x128xf32, #tpu.memory_space<vmem_shared>> -> memref<5016x128xf32, #tpu.memory_space<vmem_shared>>
          tpu.enqueue_indirect_dma source(%arg9 : memref<32x128xf32, #tpu.memory_space<vmem>>) target(%dma_start3A_96 : memref<5016x128xf32, #tpu.memory_space<vmem_shared>>) offsets(%dma_start3A_93 : memref<32xi32, #tpu.memory_space<vmem>>) semaphore(%run_scoped3A_90 : memref<!tpu.dma_semaphore, #tpu.memory_space<semaphore_mem>>) {add = true}
          %dma_wait3A_97 = arith.constant 0 : i32
          %dma_wait3A_98 = tpu.memref_slice %arg7[%add3A_89, %dma_wait3A_97] : memref<8x32xi32, #tpu.memory_space<vmem>> -> memref<1x32xi32, #tpu.memory_space<vmem>>
          %dma_wait3A_99 = tpu.memref_squeeze %dma_wait3A_98 : memref<1x32xi32, #tpu.memory_space<vmem>> -> memref<32xi32, #tpu.memory_space<vmem>>
          %dma_wait3A_100 = arith.constant 0 : i32
          %dma_wait3A_101 = arith.constant 0 : i32
          %dma_wait3A_102 = tpu.memref_slice %arg11[%dma_wait3A_100, %dma_wait3A_101] : memref<5016x128xf32, #tpu.memory_space<vmem_shared>> -> memref<5016x128xf32, #tpu.memory_space<vmem_shared>>
          tpu.wait_indirect_dma semaphore(%run_scoped3A_90 : memref<!tpu.dma_semaphore, #tpu.memory_space<semaphore_mem>>) src(%arg9 : memref<32x128xf32, #tpu.memory_space<vmem>>) dst(%dma_wait3A_102 : memref<5016x128xf32, #tpu.memory_space<vmem_shared>>)
          tpu.yield
        }) : () -> ()
      }
      %scan3A_59 = arith.constant 4 : i32
    }
    %scan3A_32 = arith.constant 79 : i32
    %barrier3A_33 = arith.constant 0 : index
    tpu.barrier barrier_id(%barrier3A_33)
    %add3A_34 = arith.addi %multiple_of3A, %multiple_of3A_12 : i32
    %multiple_of3A_35 = tpu.assume_multiple %add3A_34, 8 : i32
    %run_scoped3A_36 = arith.constant 1 : i32
    "tpu.region"() ({
      %run_scoped3A_37 = tpu.sem_alloc : memref<!tpu.dma_semaphore, #tpu.memory_space<semaphore_mem>>
      %dma_start3A = arith.constant 0 : i32
      %dma_start3A_38 = tpu.memref_slice %arg5[%run_scoped3A_36, %multiple_of3A_35, %dma_start3A] : memref<2x10000x128xf32, #tpu.memory_space<hbm>> -> memref<1x320x128xf32, #tpu.memory_space<hbm>>
      %dma_start3A_39 = tpu.memref_squeeze %dma_start3A_38 : memref<1x320x128xf32, #tpu.memory_space<hbm>> -> memref<320x128xf32, #tpu.memory_space<hbm>>
      %dma_start3A_40 = arith.constant 0 : i32
      %dma_start3A_41 = tpu.memref_slice %arg11[%multiple_of3A_12, %dma_start3A_40] : memref<5016x128xf32, #tpu.memory_space<vmem_shared>> -> memref<320x128xf32, #tpu.memory_space<vmem_shared>>
      tpu.enqueue_dma source(%dma_start3A_41 : memref<320x128xf32, #tpu.memory_space<vmem_shared>>) target(%dma_start3A_39 : memref<320x128xf32, #tpu.memory_space<hbm>>) target_semaphore(%run_scoped3A_37 : memref<!tpu.dma_semaphore, #tpu.memory_space<semaphore_mem>>)
      %dma_wait3A = arith.constant 0 : i32
      %dma_wait3A_42 = tpu.memref_slice %arg5[%run_scoped3A_36, %multiple_of3A_35, %dma_wait3A] : memref<2x10000x128xf32, #tpu.memory_space<hbm>> -> memref<1x320x128xf32, #tpu.memory_space<hbm>>
      %dma_wait3A_43 = tpu.memref_squeeze %dma_wait3A_42 : memref<1x320x128xf32, #tpu.memory_space<hbm>> -> memref<320x128xf32, #tpu.memory_space<hbm>>
      %dma_wait3A_44 = arith.constant 0 : i32
      %dma_wait3A_45 = tpu.memref_slice %arg11[%multiple_of3A_12, %dma_wait3A_44] : memref<5016x128xf32, #tpu.memory_space<vmem_shared>> -> memref<320x128xf32, #tpu.memory_space<vmem_shared>>
      tpu.wait_dma2 semaphore(%run_scoped3A_37 : memref<!tpu.dma_semaphore, #tpu.memory_space<semaphore_mem>>) src(%dma_wait3A_45 : memref<320x128xf32, #tpu.memory_space<vmem_shared>>) dst(%dma_wait3A_43 : memref<320x128xf32, #tpu.memory_space<hbm>>)
      tpu.yield
    }) : () -> ()
    return
  }
}

#map = affine_map<(d0, d1) -> (0, 0)>
#map1 = affine_map<(d0, d1) -> (0, 0, 0, 0)>
#map2 = affine_map<(d0, d1) -> (0, 0, 0)>
module attributes {stable_mosaic.version = 14 : i64} {
  func.func @_spmm(%arg0: i32, %arg1: i32, %arg2: memref<10000x128xf32, #tpu.memory_space<hbm>>, %arg3: memref<2x16x632x32xi32, #tpu.memory_space<hbm>>, %arg4: memref<2x16x632x32xi32, #tpu.memory_space<hbm>>, %arg5: memref<2x10000x128xf32, #tpu.memory_space<hbm>>, %arg6: memref<8x32xi32, #tpu.memory_space<vmem>>, %arg7: memref<8x32xi32, #tpu.memory_space<vmem>>, %arg8: memref<32x128xf32, #tpu.memory_space<vmem>>, %arg9: memref<32x128xf32, #tpu.memory_space<vmem>>, %arg10: memref<10000x128xf32, #tpu.memory_space<vmem_shared>>, %arg11: memref<5016x128xf32, #tpu.memory_space<vmem_shared>>, %arg12: memref<!tpu.dma_semaphore, #tpu.memory_space<semaphore_mem>>, %arg13: memref<!tpu.dma_semaphore, #tpu.memory_space<semaphore_mem>>) attributes {dimension_semantics = [#tpu.dimension_semantics<core_parallel>, #tpu.dimension_semantics<subcore_parallel>], iteration_bounds = array<i64: 2, 16>, scalar_prefetch = 0 : i64, scratch_operands = 8 : i64, tpu.core_type = #tpu.core_type<sc_vector_subcore>, window_params = [{transform_indices = #map}, {transform_indices = #map1}, {transform_indices = #map1}, {transform_indices = #map2}]} {
    %mul3A = arith.constant 5000 : i32
    %mul3A_0 = arith.muli %arg0, %mul3A : i32
    %multiple_of3A = tpu.assume_multiple %mul3A_0, 8 : i32
    %add3A = arith.constant 5000 : i32
    %add3A_1 = arith.addi %add3A, %arg1 : i32
    %eq3A = arith.constant 15 : i32
    %eq3A_2 = arith.cmpi eq, %arg1, %eq3A : i32
    %mul3A_3 = arith.constant 632 : i32
    %mul3A_4 = arith.muli %arg1, %mul3A_3 : i32
    %jit3A = arith.constant 9368 : i32
    %select_n3A = arith.select %eq3A_2, %jit3A, %mul3A_4 : i32
    %multiple_of3A_5 = tpu.assume_multiple %select_n3A, 8 : i32
    %eq3A_6 = arith.constant 15 : i32
    %eq3A_7 = arith.cmpi eq, %arg1, %eq3A_6 : i32
    %mul3A_8 = arith.constant 320 : i32
    %mul3A_9 = arith.muli %arg1, %mul3A_8 : i32
    %jit3A_10 = arith.constant 4680 : i32
    %select_n3A_11 = arith.select %eq3A_7, %jit3A_10, %mul3A_9 : i32
    %multiple_of3A_12 = tpu.assume_multiple %select_n3A_11, 8 : i32
    "tpu.region"() ({
      %run_scoped3A_37 = tpu.sem_alloc : memref<!tpu.dma_semaphore, #tpu.memory_space<semaphore_mem>>
      %dma_start3A = arith.constant 0 : i32
      %dma_start3A_38 = tpu.memref_slice %arg10[%multiple_of3A_5, %dma_start3A] : memref<10000x128xf32, #tpu.memory_space<vmem_shared>> -> memref<632x128xf32, #tpu.memory_space<vmem_shared>>
      %dma_start3A_39 = arith.constant 0 : i32
      %dma_start3A_40 = tpu.memref_slice %arg2[%multiple_of3A_5, %dma_start3A_39] : memref<10000x128xf32, #tpu.memory_space<hbm>> -> memref<632x128xf32, #tpu.memory_space<hbm>>
      tpu.enqueue_dma source(%dma_start3A_40 : memref<632x128xf32, #tpu.memory_space<hbm>>) target(%dma_start3A_38 : memref<632x128xf32, #tpu.memory_space<vmem_shared>>) target_semaphore(%run_scoped3A_37 : memref<!tpu.dma_semaphore, #tpu.memory_space<semaphore_mem>>)
      %dma_wait3A = arith.constant 0 : i32
      %dma_wait3A_41 = tpu.memref_slice %arg10[%multiple_of3A_5, %dma_wait3A] : memref<10000x128xf32, #tpu.memory_space<vmem_shared>> -> memref<632x128xf32, #tpu.memory_space<vmem_shared>>
      %dma_wait3A_42 = arith.constant 0 : i32
      %dma_wait3A_43 = tpu.memref_slice %arg2[%multiple_of3A_5, %dma_wait3A_42] : memref<10000x128xf32, #tpu.memory_space<hbm>> -> memref<632x128xf32, #tpu.memory_space<hbm>>
      tpu.wait_dma2 semaphore(%run_scoped3A_37 : memref<!tpu.dma_semaphore, #tpu.memory_space<semaphore_mem>>) src(%dma_wait3A_43 : memref<632x128xf32, #tpu.memory_space<hbm>>) dst(%dma_wait3A_41 : memref<632x128xf32, #tpu.memory_space<vmem_shared>>)
      tpu.yield
    }) : () -> ()
    %add3A_13 = arith.addi %multiple_of3A, %multiple_of3A_12 : i32
    %multiple_of3A_14 = tpu.assume_multiple %add3A_13, 8 : i32
    "tpu.region"() ({
      %run_scoped3A_37 = tpu.sem_alloc : memref<!tpu.dma_semaphore, #tpu.memory_space<semaphore_mem>>
      %dma_start3A = arith.constant 0 : i32
      %dma_start3A_38 = tpu.memref_slice %arg11[%multiple_of3A_12, %dma_start3A] : memref<5016x128xf32, #tpu.memory_space<vmem_shared>> -> memref<320x128xf32, #tpu.memory_space<vmem_shared>>
      %dma_start3A_39 = arith.constant 0 : i32
      %dma_start3A_40 = tpu.memref_slice %arg2[%multiple_of3A_14, %dma_start3A_39] : memref<10000x128xf32, #tpu.memory_space<hbm>> -> memref<320x128xf32, #tpu.memory_space<hbm>>
      tpu.enqueue_dma source(%dma_start3A_40 : memref<320x128xf32, #tpu.memory_space<hbm>>) target(%dma_start3A_38 : memref<320x128xf32, #tpu.memory_space<vmem_shared>>) target_semaphore(%run_scoped3A_37 : memref<!tpu.dma_semaphore, #tpu.memory_space<semaphore_mem>>)
      %dma_wait3A = arith.constant 0 : i32
      %dma_wait3A_41 = tpu.memref_slice %arg11[%multiple_of3A_12, %dma_wait3A] : memref<5016x128xf32, #tpu.memory_space<vmem_shared>> -> memref<320x128xf32, #tpu.memory_space<vmem_shared>>
      %dma_wait3A_42 = arith.constant 0 : i32
      %dma_wait3A_43 = tpu.memref_slice %arg2[%multiple_of3A_14, %dma_wait3A_42] : memref<10000x128xf32, #tpu.memory_space<hbm>> -> memref<320x128xf32, #tpu.memory_space<hbm>>
      tpu.wait_dma2 semaphore(%run_scoped3A_37 : memref<!tpu.dma_semaphore, #tpu.memory_space<semaphore_mem>>) src(%dma_wait3A_43 : memref<320x128xf32, #tpu.memory_space<hbm>>) dst(%dma_wait3A_41 : memref<320x128xf32, #tpu.memory_space<vmem_shared>>)
      tpu.yield
    }) : () -> ()
    %barrier3A = arith.constant 0 : index
    tpu.barrier barrier_id(%barrier3A)
    %scan3A = arith.constant 0 : i32
    %scan3A_15 = arith.constant 0 : i32
    %scan3A_16 = arith.constant 79 : i32
    %scan3A_17 = arith.addi %scan3A_15, %scan3A_16 : i32
    %scan3A_18 = arith.constant 1 : i32
    scf.for %scan3A_37 = %scan3A_15 to %scan3A_17 step %scan3A_18  : i32 {
      %mul3A_38 = arith.constant 8 : i32
      %mul3A_39 = arith.muli %scan3A_37, %mul3A_38 : i32
      %multiple_of3A_40 = tpu.assume_multiple %mul3A_39, 8 : i32
      %run_scoped3A_41 = arith.constant 0 : i32
      "tpu.region"() ({
        %run_scoped3A_60 = tpu.sem_alloc : memref<!tpu.dma_semaphore, #tpu.memory_space<semaphore_mem>>
        %dma_start3A_61 = arith.constant 0 : i32
        %dma_start3A_62 = tpu.memref_slice %arg3[%run_scoped3A_41, %arg1, %multiple_of3A_40, %dma_start3A_61] : memref<2x16x632x32xi32, #tpu.memory_space<hbm>> -> memref<1x1x8x32xi32, #tpu.memory_space<hbm>>
        %dma_start3A_63 = tpu.memref_squeeze %dma_start3A_62 : memref<1x1x8x32xi32, #tpu.memory_space<hbm>> -> memref<8x32xi32, #tpu.memory_space<hbm>>
        %dma_start3A_64 = arith.constant 0 : i32
        %dma_start3A_65 = tpu.memref_slice %arg3[%run_scoped3A_41, %arg1, %multiple_of3A_40, %dma_start3A_64] : memref<2x16x632x32xi32, #tpu.memory_space<hbm>> -> memref<1x1x8x32xi32, #tpu.memory_space<hbm>>
        %dma_start3A_66 = tpu.memref_squeeze %dma_start3A_65 : memref<1x1x8x32xi32, #tpu.memory_space<hbm>> -> memref<8x32xi32, #tpu.memory_space<hbm>>
        tpu.enqueue_dma source(%dma_start3A_66 : memref<8x32xi32, #tpu.memory_space<hbm>>) target(%arg6 : memref<8x32xi32, #tpu.memory_space<vmem>>) target_semaphore(%run_scoped3A_60 : memref<!tpu.dma_semaphore, #tpu.memory_space<semaphore_mem>>)
        %dma_wait3A = arith.constant 0 : i32
        %dma_wait3A_67 = tpu.memref_slice %arg3[%run_scoped3A_41, %arg1, %multiple_of3A_40, %dma_wait3A] : memref<2x16x632x32xi32, #tpu.memory_space<hbm>> -> memref<1x1x8x32xi32, #tpu.memory_space<hbm>>
        %dma_wait3A_68 = tpu.memref_squeeze %dma_wait3A_67 : memref<1x1x8x32xi32, #tpu.memory_space<hbm>> -> memref<8x32xi32, #tpu.memory_space<hbm>>
        %dma_wait3A_69 = arith.constant 0 : i32
        %dma_wait3A_70 = tpu.memref_slice %arg3[%run_scoped3A_41, %arg1, %multiple_of3A_40, %dma_wait3A_69] : memref<2x16x632x32xi32, #tpu.memory_space<hbm>> -> memref<1x1x8x32xi32, #tpu.memory_space<hbm>>
        %dma_wait3A_71 = tpu.memref_squeeze %dma_wait3A_70 : memref<1x1x8x32xi32, #tpu.memory_space<hbm>> -> memref<8x32xi32, #tpu.memory_space<hbm>>
        tpu.wait_dma2 semaphore(%run_scoped3A_60 : memref<!tpu.dma_semaphore, #tpu.memory_space<semaphore_mem>>) src(%dma_wait3A_71 : memref<8x32xi32, #tpu.memory_space<hbm>>) dst(%arg6 : memref<8x32xi32, #tpu.memory_space<vmem>>)
        tpu.yield
      }) : () -> ()
      %run_scoped3A_42 = arith.constant 0 : i32
      "tpu.region"() ({
        %run_scoped3A_60 = tpu.sem_alloc : memref<!tpu.dma_semaphore, #tpu.memory_space<semaphore_mem>>
        %dma_start3A_61 = arith.constant 0 : i32
        %dma_start3A_62 = tpu.memref_slice %arg4[%run_scoped3A_42, %arg1, %multiple_of3A_40, %dma_start3A_61] : memref<2x16x632x32xi32, #tpu.memory_space<hbm>> -> memref<1x1x8x32xi32, #tpu.memory_space<hbm>>
        %dma_start3A_63 = tpu.memref_squeeze %dma_start3A_62 : memref<1x1x8x32xi32, #tpu.memory_space<hbm>> -> memref<8x32xi32, #tpu.memory_space<hbm>>
        %dma_start3A_64 = arith.constant 0 : i32
        %dma_start3A_65 = tpu.memref_slice %arg4[%run_scoped3A_42, %arg1, %multiple_of3A_40, %dma_start3A_64] : memref<2x16x632x32xi32, #tpu.memory_space<hbm>> -> memref<1x1x8x32xi32, #tpu.memory_space<hbm>>
        %dma_start3A_66 = tpu.memref_squeeze %dma_start3A_65 : memref<1x1x8x32xi32, #tpu.memory_space<hbm>> -> memref<8x32xi32, #tpu.memory_space<hbm>>
        tpu.enqueue_dma source(%dma_start3A_66 : memref<8x32xi32, #tpu.memory_space<hbm>>) target(%arg7 : memref<8x32xi32, #tpu.memory_space<vmem>>) target_semaphore(%run_scoped3A_60 : memref<!tpu.dma_semaphore, #tpu.memory_space<semaphore_mem>>)
        %dma_wait3A = arith.constant 0 : i32
        %dma_wait3A_67 = tpu.memref_slice %arg4[%run_scoped3A_42, %arg1, %multiple_of3A_40, %dma_wait3A] : memref<2x16x632x32xi32, #tpu.memory_space<hbm>> -> memref<1x1x8x32xi32, #tpu.memory_space<hbm>>
        %dma_wait3A_68 = tpu.memref_squeeze %dma_wait3A_67 : memref<1x1x8x32xi32, #tpu.memory_space<hbm>> -> memref<8x32xi32, #tpu.memory_space<hbm>>
        %dma_wait3A_69 = arith.constant 0 : i32
        %dma_wait3A_70 = tpu.memref_slice %arg4[%run_scoped3A_42, %arg1, %multiple_of3A_40, %dma_wait3A_69] : memref<2x16x632x32xi32, #tpu.memory_space<hbm>> -> memref<1x1x8x32xi32, #tpu.memory_space<hbm>>
        %dma_wait3A_71 = tpu.memref_squeeze %dma_wait3A_70 : memref<1x1x8x32xi32, #tpu.memory_space<hbm>> -> memref<8x32xi32, #tpu.memory_space<hbm>>
        tpu.wait_dma2 semaphore(%run_scoped3A_60 : memref<!tpu.dma_semaphore, #tpu.memory_space<semaphore_mem>>) src(%dma_wait3A_71 : memref<8x32xi32, #tpu.memory_space<hbm>>) dst(%arg7 : memref<8x32xi32, #tpu.memory_space<vmem>>)
        tpu.yield
      }) : () -> ()
      %scan3A_43 = arith.constant 0 : i32
      %scan3A_44 = arith.constant 8 : i32
      %scan3A_45 = arith.addi %scan3A_43, %scan3A_44 : i32
      %scan3A_46 = arith.constant 1 : i32
      scf.for %scan3A_60 = %scan3A_43 to %scan3A_45 step %scan3A_46  : i32 {
        %scan3A_61 = arith.constant 0 : i32
        %scan3A_62 = arith.constant 2 : i32
        %scan3A_63 = arith.addi %scan3A_61, %scan3A_62 : i32
        %scan3A_64 = arith.constant 1 : i32
        scf.for %scan3A_66 = %scan3A_61 to %scan3A_63 step %scan3A_64  : i32 {
          %mul3A_67 = arith.constant 16 : i32
          %mul3A_68 = arith.muli %scan3A_66, %mul3A_67 : i32
          %get3A = arith.index_cast %scan3A_60 : i32 to index
          %get3A_69 = arith.index_cast %mul3A_68 : i32 to index
          %get3A_70 = tpu.vector_load %arg7[%get3A, %get3A_69] {strides = array<i32>} : memref<8x32xi32, #tpu.memory_space<vmem>>, vector<1x16xi32>,
          %get3A_71 = vector.shape_cast %get3A_70 : vector<1x16xi32> to vector<16xi32>
          %sub3A = vector.broadcast %multiple_of3A : i32 to vector<16xi32>
          %sub3A_72 = arith.subi %get3A_71, %sub3A : vector<16xi32>
          %ge3A = arith.constant 0 : i32
          %ge3A_73 = vector.broadcast %ge3A : i32 to vector<16xi32>
          %ge3A_74 = arith.cmpi sge, %sub3A_72, %ge3A_73 : vector<16xi32>
          %lt3A = arith.constant 5000 : i32
          %lt3A_75 = vector.broadcast %lt3A : i32 to vector<16xi32>
          %lt3A_76 = arith.cmpi slt, %sub3A_72, %lt3A_75 : vector<16xi32>
          %and3A = arith.andi %ge3A_74, %lt3A_76 : vector<16xi1>
          %broadcast_in_dim3A = vector.broadcast %add3A_1 : i32 to vector<16xi32>
          %select_n3A_77 = arith.select %and3A, %sub3A_72, %broadcast_in_dim3A : vector<16xi1>, vector<16xi32>
          %mul3A_78 = arith.constant 16 : i32
          %mul3A_79 = arith.muli %scan3A_66, %mul3A_78 : i32
          %swap3A = arith.index_cast %scan3A_60 : i32 to index
          %swap3A_80 = arith.index_cast %mul3A_79 : i32 to index
          %swap3A_81 = tpu.vector_load %arg7[%swap3A, %swap3A_80] {strides = array<i32>} : memref<8x32xi32, #tpu.memory_space<vmem>>, vector<1x16xi32>,
          %swap3A_82 = vector.shape_cast %swap3A_81 : vector<1x16xi32> to vector<16xi32>
          %swap3A_83 = vector.shape_cast %select_n3A_77 : vector<16xi32> to vector<1x16xi32>
          tpu.vector_store %arg7[%swap3A, %swap3A_80], %swap3A_83 {strides = array<i32>} : memref<8x32xi32, #tpu.memory_space<vmem>>, vector<1x16xi32>,
        }
        %scan3A_65 = arith.constant 2 : i32
      }
      %scan3A_47 = arith.constant 8 : i32
      %dma_start3A = arith.constant 0 : i32
      %dma_start3A_48 = arith.constant 0 : i32
      %dma_start3A_49 = tpu.memref_slice %arg6[%dma_start3A, %dma_start3A_48] : memref<8x32xi32, #tpu.memory_space<vmem>> -> memref<1x32xi32, #tpu.memory_space<vmem>>
      %dma_start3A_50 = tpu.memref_squeeze %dma_start3A_49 : memref<1x32xi32, #tpu.memory_space<vmem>> -> memref<32xi32, #tpu.memory_space<vmem>>
      %dma_start3A_51 = arith.constant 0 : i32
      %dma_start3A_52 = arith.constant 0 : i32
      %dma_start3A_53 = tpu.memref_slice %arg10[%dma_start3A_51, %dma_start3A_52] : memref<10000x128xf32, #tpu.memory_space<vmem_shared>> -> memref<10000x128xf32, #tpu.memory_space<vmem_shared>>
      tpu.enqueue_indirect_dma source(%dma_start3A_53 : memref<10000x128xf32, #tpu.memory_space<vmem_shared>>) target(%arg8 : memref<32x128xf32, #tpu.memory_space<vmem>>) offsets(%dma_start3A_50 : memref<32xi32, #tpu.memory_space<vmem>>) semaphore(%arg12 : memref<!tpu.dma_semaphore, #tpu.memory_space<semaphore_mem>>)
      %scan3A_54 = arith.constant 0 : i32
      %scan3A_55 = arith.constant 0 : i32
      %scan3A_56 = arith.constant 4 : i32
      %scan3A_57 = arith.addi %scan3A_55, %scan3A_56 : i32
      %scan3A_58 = arith.constant 1 : i32
      scf.for %scan3A_60 = %scan3A_55 to %scan3A_57 step %scan3A_58  : i32 {
        %mul3A_61 = arith.constant 2 : i32
        %mul3A_62 = arith.muli %mul3A_61, %scan3A_60 : i32
        %add3A_63 = arith.constant 1 : i32
        %add3A_64 = arith.addi %mul3A_62, %add3A_63 : i32
        %dma_start3A_65 = arith.constant 0 : i32
        %dma_start3A_66 = tpu.memref_slice %arg6[%add3A_64, %dma_start3A_65] : memref<8x32xi32, #tpu.memory_space<vmem>> -> memref<1x32xi32, #tpu.memory_space<vmem>>
        %dma_start3A_67 = tpu.memref_squeeze %dma_start3A_66 : memref<1x32xi32, #tpu.memory_space<vmem>> -> memref<32xi32, #tpu.memory_space<vmem>>
        %dma_start3A_68 = arith.constant 0 : i32
        %dma_start3A_69 = arith.constant 0 : i32
        %dma_start3A_70 = tpu.memref_slice %arg10[%dma_start3A_68, %dma_start3A_69] : memref<10000x128xf32, #tpu.memory_space<vmem_shared>> -> memref<10000x128xf32, #tpu.memory_space<vmem_shared>>
        tpu.enqueue_indirect_dma source(%dma_start3A_70 : memref<10000x128xf32, #tpu.memory_space<vmem_shared>>) target(%arg9 : memref<32x128xf32, #tpu.memory_space<vmem>>) offsets(%dma_start3A_67 : memref<32xi32, #tpu.memory_space<vmem>>) semaphore(%arg13 : memref<!tpu.dma_semaphore, #tpu.memory_space<semaphore_mem>>)
        %dma_wait3A = arith.constant 0 : i32
        %dma_wait3A_71 = tpu.memref_slice %arg6[%mul3A_62, %dma_wait3A] : memref<8x32xi32, #tpu.memory_space<vmem>> -> memref<1x32xi32, #tpu.memory_space<vmem>>
        %dma_wait3A_72 = tpu.memref_squeeze %dma_wait3A_71 : memref<1x32xi32, #tpu.memory_space<vmem>> -> memref<32xi32, #tpu.memory_space<vmem>>
        %dma_wait3A_73 = arith.constant 0 : i32
        %dma_wait3A_74 = arith.constant 0 : i32
        %dma_wait3A_75 = tpu.memref_slice %arg10[%dma_wait3A_73, %dma_wait3A_74] : memref<10000x128xf32, #tpu.memory_space<vmem_shared>> -> memref<10000x128xf32, #tpu.memory_space<vmem_shared>>
        tpu.wait_indirect_dma semaphore(%arg12 : memref<!tpu.dma_semaphore, #tpu.memory_space<semaphore_mem>>) src(%dma_wait3A_75 : memref<10000x128xf32, #tpu.memory_space<vmem_shared>>) dst(%arg8 : memref<32x128xf32, #tpu.memory_space<vmem>>)
        "tpu.region"() ({
          %run_scoped3A_90 = tpu.sem_alloc : memref<!tpu.dma_semaphore, #tpu.memory_space<semaphore_mem>>
          %dma_start3A_91 = arith.constant 0 : i32
          %dma_start3A_92 = tpu.memref_slice %arg7[%mul3A_62, %dma_start3A_91] : memref<8x32xi32, #tpu.memory_space<vmem>> -> memref<1x32xi32, #tpu.memory_space<vmem>>
          %dma_start3A_93 = tpu.memref_squeeze %dma_start3A_92 : memref<1x32xi32, #tpu.memory_space<vmem>> -> memref<32xi32, #tpu.memory_space<vmem>>
          %dma_start3A_94 = arith.constant 0 : i32
          %dma_start3A_95 = arith.constant 0 : i32
          %dma_start3A_96 = tpu.memref_slice %arg11[%dma_start3A_94, %dma_start3A_95] : memref<5016x128xf32, #tpu.memory_space<vmem_shared>> -> memref<5016x128xf32, #tpu.memory_space<vmem_shared>>
          tpu.enqueue_indirect_dma source(%arg8 : memref<32x128xf32, #tpu.memory_space<vmem>>) target(%dma_start3A_96 : memref<5016x128xf32, #tpu.memory_space<vmem_shared>>) offsets(%dma_start3A_93 : memref<32xi32, #tpu.memory_space<vmem>>) semaphore(%run_scoped3A_90 : memref<!tpu.dma_semaphore, #tpu.memory_space<semaphore_mem>>) {add = true}
          %dma_wait3A_97 = arith.constant 0 : i32
          %dma_wait3A_98 = tpu.memref_slice %arg7[%mul3A_62, %dma_wait3A_97] : memref<8x32xi32, #tpu.memory_space<vmem>> -> memref<1x32xi32, #tpu.memory_space<vmem>>
          %dma_wait3A_99 = tpu.memref_squeeze %dma_wait3A_98 : memref<1x32xi32, #tpu.memory_space<vmem>> -> memref<32xi32, #tpu.memory_space<vmem>>
          %dma_wait3A_100 = arith.constant 0 : i32
          %dma_wait3A_101 = arith.constant 0 : i32
          %dma_wait3A_102 = tpu.memref_slice %arg11[%dma_wait3A_100, %dma_wait3A_101] : memref<5016x128xf32, #tpu.memory_space<vmem_shared>> -> memref<5016x128xf32, #tpu.memory_space<vmem_shared>>
          tpu.wait_indirect_dma semaphore(%run_scoped3A_90 : memref<!tpu.dma_semaphore, #tpu.memory_space<semaphore_mem>>) src(%arg8 : memref<32x128xf32, #tpu.memory_space<vmem>>) dst(%dma_wait3A_102 : memref<5016x128xf32, #tpu.memory_space<vmem_shared>>)
          tpu.yield
        }) : () -> ()
        %add3A_76 = arith.constant 2 : i32
        %add3A_77 = arith.addi %mul3A_62, %add3A_76 : i32
        %lt3A = arith.constant 8 : i32
        %lt3A_78 = arith.cmpi slt, %add3A_77, %lt3A : i32
        %convert_element_type3A = arith.extui %lt3A_78 : i1 to i32
        %cond3A = arith.constant 0 : i32
        %cond3A_79 = arith.cmpi ne, %convert_element_type3A, %cond3A : i32
        scf.if %cond3A_79 {
          %add3A_90 = arith.constant 2 : i32
          %add3A_91 = arith.addi %mul3A_62, %add3A_90 : i32
          %dma_start3A_92 = arith.constant 0 : i32
          %dma_start3A_93 = tpu.memref_slice %arg6[%add3A_91, %dma_start3A_92] : memref<8x32xi32, #tpu.memory_space<vmem>> -> memref<1x32xi32, #tpu.memory_space<vmem>>
          %dma_start3A_94 = tpu.memref_squeeze %dma_start3A_93 : memref<1x32xi32, #tpu.memory_space<vmem>> -> memref<32xi32, #tpu.memory_space<vmem>>
          %dma_start3A_95 = arith.constant 0 : i32
          %dma_start3A_96 = arith.constant 0 : i32
          %dma_start3A_97 = tpu.memref_slice %arg10[%dma_start3A_95, %dma_start3A_96] : memref<10000x128xf32, #tpu.memory_space<vmem_shared>> -> memref<10000x128xf32, #tpu.memory_space<vmem_shared>>
          tpu.enqueue_indirect_dma source(%dma_start3A_97 : memref<10000x128xf32, #tpu.memory_space<vmem_shared>>) target(%arg8 : memref<32x128xf32, #tpu.memory_space<vmem>>) offsets(%dma_start3A_94 : memref<32xi32, #tpu.memory_space<vmem>>) semaphore(%arg12 : memref<!tpu.dma_semaphore, #tpu.memory_space<semaphore_mem>>)
        } else {
        }
        %add3A_80 = arith.constant 1 : i32
        %add3A_81 = arith.addi %mul3A_62, %add3A_80 : i32
        %dma_wait3A_82 = arith.constant 0 : i32
        %dma_wait3A_83 = tpu.memref_slice %arg6[%add3A_81, %dma_wait3A_82] : memref<8x32xi32, #tpu.memory_space<vmem>> -> memref<1x32xi32, #tpu.memory_space<vmem>>
        %dma_wait3A_84 = tpu.memref_squeeze %dma_wait3A_83 : memref<1x32xi32, #tpu.memory_space<vmem>> -> memref<32xi32, #tpu.memory_space<vmem>>
        %dma_wait3A_85 = arith.constant 0 : i32
        %dma_wait3A_86 = arith.constant 0 : i32
        %dma_wait3A_87 = tpu.memref_slice %arg10[%dma_wait3A_85, %dma_wait3A_86] : memref<10000x128xf32, #tpu.memory_space<vmem_shared>> -> memref<10000x128xf32, #tpu.memory_space<vmem_shared>>
        tpu.wait_indirect_dma semaphore(%arg13 : memref<!tpu.dma_semaphore, #tpu.memory_space<semaphore_mem>>) src(%dma_wait3A_87 : memref<10000x128xf32, #tpu.memory_space<vmem_shared>>) dst(%arg9 : memref<32x128xf32, #tpu.memory_space<vmem>>)
        %add3A_88 = arith.constant 1 : i32
        %add3A_89 = arith.addi %mul3A_62, %add3A_88 : i32
        "tpu.region"() ({
          %run_scoped3A_90 = tpu.sem_alloc : memref<!tpu.dma_semaphore, #tpu.memory_space<semaphore_mem>>
          %dma_start3A_91 = arith.constant 0 : i32
          %dma_start3A_92 = tpu.memref_slice %arg7[%add3A_89, %dma_start3A_91] : memref<8x32xi32, #tpu.memory_space<vmem>> -> memref<1x32xi32, #tpu.memory_space<vmem>>
          %dma_start3A_93 = tpu.memref_squeeze %dma_start3A_92 : memref<1x32xi32, #tpu.memory_space<vmem>> -> memref<32xi32, #tpu.memory_space<vmem>>
          %dma_start3A_94 = arith.constant 0 : i32
          %dma_start3A_95 = arith.constant 0 : i32
          %dma_start3A_96 = tpu.memref_slice %arg11[%dma_start3A_94, %dma_start3A_95] : memref<5016x128xf32, #tpu.memory_space<vmem_shared>> -> memref<5016x128xf32, #tpu.memory_space<vmem_shared>>
          tpu.enqueue_indirect_dma source(%arg9 : memref<32x128xf32, #tpu.memory_space<vmem>>) target(%dma_start3A_96 : memref<5016x128xf32, #tpu.memory_space<vmem_shared>>) offsets(%dma_start3A_93 : memref<32xi32, #tpu.memory_space<vmem>>) semaphore(%run_scoped3A_90 : memref<!tpu.dma_semaphore, #tpu.memory_space<semaphore_mem>>) {add = true}
          %dma_wait3A_97 = arith.constant 0 : i32
          %dma_wait3A_98 = tpu.memref_slice %arg7[%add3A_89, %dma_wait3A_97] : memref<8x32xi32, #tpu.memory_space<vmem>> -> memref<1x32xi32, #tpu.memory_space<vmem>>
          %dma_wait3A_99 = tpu.memref_squeeze %dma_wait3A_98 : memref<1x32xi32, #tpu.memory_space<vmem>> -> memref<32xi32, #tpu.memory_space<vmem>>
          %dma_wait3A_100 = arith.constant 0 : i32
          %dma_wait3A_101 = arith.constant 0 : i32
          %dma_wait3A_102 = tpu.memref_slice %arg11[%dma_wait3A_100, %dma_wait3A_101] : memref<5016x128xf32, #tpu.memory_space<vmem_shared>> -> memref<5016x128xf32, #tpu.memory_space<vmem_shared>>
          tpu.wait_indirect_dma semaphore(%run_scoped3A_90 : memref<!tpu.dma_semaphore, #tpu.memory_space<semaphore_mem>>) src(%arg9 : memref<32x128xf32, #tpu.memory_space<vmem>>) dst(%dma_wait3A_102 : memref<5016x128xf32, #tpu.memory_space<vmem_shared>>)
          tpu.yield
        }) : () -> ()
      }
      %scan3A_59 = arith.constant 4 : i32
    }
    %scan3A_19 = arith.constant 79 : i32
    %barrier3A_20 = arith.constant 0 : index
    tpu.barrier barrier_id(%barrier3A_20)
    %add3A_21 = arith.addi %multiple_of3A, %multiple_of3A_12 : i32
    %multiple_of3A_22 = tpu.assume_multiple %add3A_21, 8 : i32
    %run_scoped3A = arith.constant 0 : i32
    "tpu.region"() ({
      %run_scoped3A_37 = tpu.sem_alloc : memref<!tpu.dma_semaphore, #tpu.memory_space<semaphore_mem>>
      %dma_start3A = arith.constant 0 : i32
      %dma_start3A_38 = tpu.memref_slice %arg5[%run_scoped3A, %multiple_of3A_22, %dma_start3A] : memref<2x10000x128xf32, #tpu.memory_space<hbm>> -> memref<1x320x128xf32, #tpu.memory_space<hbm>>
      %dma_start3A_39 = tpu.memref_squeeze %dma_start3A_38 : memref<1x320x128xf32, #tpu.memory_space<hbm>> -> memref<320x128xf32, #tpu.memory_space<hbm>>
      %dma_start3A_40 = arith.constant 0 : i32
      %dma_start3A_41 = tpu.memref_slice %arg11[%multiple_of3A_12, %dma_start3A_40] : memref<5016x128xf32, #tpu.memory_space<vmem_shared>> -> memref<320x128xf32, #tpu.memory_space<vmem_shared>>
      tpu.enqueue_dma source(%dma_start3A_41 : memref<320x128xf32, #tpu.memory_space<vmem_shared>>) target(%dma_start3A_39 : memref<320x128xf32, #tpu.memory_space<hbm>>) target_semaphore(%run_scoped3A_37 : memref<!tpu.dma_semaphore, #tpu.memory_space<semaphore_mem>>)
      %dma_wait3A = arith.constant 0 : i32
      %dma_wait3A_42 = tpu.memref_slice %arg5[%run_scoped3A, %multiple_of3A_22, %dma_wait3A] : memref<2x10000x128xf32, #tpu.memory_space<hbm>> -> memref<1x320x128xf32, #tpu.memory_space<hbm>>
      %dma_wait3A_43 = tpu.memref_squeeze %dma_wait3A_42 : memref<1x320x128xf32, #tpu.memory_space<hbm>> -> memref<320x128xf32, #tpu.memory_space<hbm>>
      %dma_wait3A_44 = arith.constant 0 : i32
      %dma_wait3A_45 = tpu.memref_slice %arg11[%multiple_of3A_12, %dma_wait3A_44] : memref<5016x128xf32, #tpu.memory_space<vmem_shared>> -> memref<320x128xf32, #tpu.memory_space<vmem_shared>>
      tpu.wait_dma2 semaphore(%run_scoped3A_37 : memref<!tpu.dma_semaphore, #tpu.memory_space<semaphore_mem>>) src(%dma_wait3A_45 : memref<320x128xf32, #tpu.memory_space<vmem_shared>>) dst(%dma_wait3A_43 : memref<320x128xf32, #tpu.memory_space<hbm>>)
      tpu.yield
    }) : () -> ()
    %barrier3A_23 = arith.constant 0 : index
    tpu.barrier barrier_id(%barrier3A_23)
    %add3A_24 = arith.addi %multiple_of3A, %multiple_of3A_12 : i32
    %multiple_of3A_25 = tpu.assume_multiple %add3A_24, 8 : i32
    "tpu.region"() ({
      %run_scoped3A_37 = tpu.sem_alloc : memref<!tpu.dma_semaphore, #tpu.memory_space<semaphore_mem>>
      %dma_start3A = arith.constant 0 : i32
      %dma_start3A_38 = tpu.memref_slice %arg11[%multiple_of3A_12, %dma_start3A] : memref<5016x128xf32, #tpu.memory_space<vmem_shared>> -> memref<320x128xf32, #tpu.memory_space<vmem_shared>>
      %dma_start3A_39 = arith.constant 0 : i32
      %dma_start3A_40 = tpu.memref_slice %arg2[%multiple_of3A_25, %dma_start3A_39] : memref<10000x128xf32, #tpu.memory_space<hbm>> -> memref<320x128xf32, #tpu.memory_space<hbm>>
      tpu.enqueue_dma source(%dma_start3A_40 : memref<320x128xf32, #tpu.memory_space<hbm>>) target(%dma_start3A_38 : memref<320x128xf32, #tpu.memory_space<vmem_shared>>) target_semaphore(%run_scoped3A_37 : memref<!tpu.dma_semaphore, #tpu.memory_space<semaphore_mem>>)
      %dma_wait3A = arith.constant 0 : i32
      %dma_wait3A_41 = tpu.memref_slice %arg11[%multiple_of3A_12, %dma_wait3A] : memref<5016x128xf32, #tpu.memory_space<vmem_shared>> -> memref<320x128xf32, #tpu.memory_space<vmem_shared>>
      %dma_wait3A_42 = arith.constant 0 : i32
      %dma_wait3A_43 = tpu.memref_slice %arg2[%multiple_of3A_25, %dma_wait3A_42] : memref<10000x128xf32, #tpu.memory_space<hbm>> -> memref<320x128xf32, #tpu.memory_space<hbm>>
      tpu.wait_dma2 semaphore(%run_scoped3A_37 : memref<!tpu.dma_semaphore, #tpu.memory_space<semaphore_mem>>) src(%dma_wait3A_43 : memref<320x128xf32, #tpu.memory_space<hbm>>) dst(%dma_wait3A_41 : memref<320x128xf32, #tpu.memory_space<vmem_shared>>)
      tpu.yield
    }) : () -> ()
    %barrier3A_26 = arith.constant 0 : index
    tpu.barrier barrier_id(%barrier3A_26)
    %scan3A_27 = arith.constant 0 : i32
    %scan3A_28 = arith.constant 0 : i32
    %scan3A_29 = arith.constant 79 : i32
    %scan3A_30 = arith.addi %scan3A_28, %scan3A_29 : i32
    %scan3A_31 = arith.constant 1 : i32
    scf.for %scan3A_37 = %scan3A_28 to %scan3A_30 step %scan3A_31  : i32 {
      %mul3A_38 = arith.constant 8 : i32
      %mul3A_39 = arith.muli %scan3A_37, %mul3A_38 : i32
      %multiple_of3A_40 = tpu.assume_multiple %mul3A_39, 8 : i32
      %run_scoped3A_41 = arith.constant 1 : i32
      "tpu.region"() ({
        %run_scoped3A_60 = tpu.sem_alloc : memref<!tpu.dma_semaphore, #tpu.memory_space<semaphore_mem>>
        %dma_start3A_61 = arith.constant 0 : i32
        %dma_start3A_62 = tpu.memref_slice %arg3[%run_scoped3A_41, %arg1, %multiple_of3A_40, %dma_start3A_61] : memref<2x16x632x32xi32, #tpu.memory_space<hbm>> -> memref<1x1x8x32xi32, #tpu.memory_space<hbm>>
        %dma_start3A_63 = tpu.memref_squeeze %dma_start3A_62 : memref<1x1x8x32xi32, #tpu.memory_space<hbm>> -> memref<8x32xi32, #tpu.memory_space<hbm>>
        %dma_start3A_64 = arith.constant 0 : i32
        %dma_start3A_65 = tpu.memref_slice %arg3[%run_scoped3A_41, %arg1, %multiple_of3A_40, %dma_start3A_64] : memref<2x16x632x32xi32, #tpu.memory_space<hbm>> -> memref<1x1x8x32xi32, #tpu.memory_space<hbm>>
        %dma_start3A_66 = tpu.memref_squeeze %dma_start3A_65 : memref<1x1x8x32xi32, #tpu.memory_space<hbm>> -> memref<8x32xi32, #tpu.memory_space<hbm>>
        tpu.enqueue_dma source(%dma_start3A_66 : memref<8x32xi32, #tpu.memory_space<hbm>>) target(%arg6 : memref<8x32xi32, #tpu.memory_space<vmem>>) target_semaphore(%run_scoped3A_60 : memref<!tpu.dma_semaphore, #tpu.memory_space<semaphore_mem>>)
        %dma_wait3A = arith.constant 0 : i32
        %dma_wait3A_67 = tpu.memref_slice %arg3[%run_scoped3A_41, %arg1, %multiple_of3A_40, %dma_wait3A] : memref<2x16x632x32xi32, #tpu.memory_space<hbm>> -> memref<1x1x8x32xi32, #tpu.memory_space<hbm>>
        %dma_wait3A_68 = tpu.memref_squeeze %dma_wait3A_67 : memref<1x1x8x32xi32, #tpu.memory_space<hbm>> -> memref<8x32xi32, #tpu.memory_space<hbm>>
        %dma_wait3A_69 = arith.constant 0 : i32
        %dma_wait3A_70 = tpu.memref_slice %arg3[%run_scoped3A_41, %arg1, %multiple_of3A_40, %dma_wait3A_69] : memref<2x16x632x32xi32, #tpu.memory_space<hbm>> -> memref<1x1x8x32xi32, #tpu.memory_space<hbm>>
        %dma_wait3A_71 = tpu.memref_squeeze %dma_wait3A_70 : memref<1x1x8x32xi32, #tpu.memory_space<hbm>> -> memref<8x32xi32, #tpu.memory_space<hbm>>
        tpu.wait_dma2 semaphore(%run_scoped3A_60 : memref<!tpu.dma_semaphore, #tpu.memory_space<semaphore_mem>>) src(%dma_wait3A_71 : memref<8x32xi32, #tpu.memory_space<hbm>>) dst(%arg6 : memref<8x32xi32, #tpu.memory_space<vmem>>)
        tpu.yield
      }) : () -> ()
      %run_scoped3A_42 = arith.constant 1 : i32
      "tpu.region"() ({
        %run_scoped3A_60 = tpu.sem_alloc : memref<!tpu.dma_semaphore, #tpu.memory_space<semaphore_mem>>
        %dma_start3A_61 = arith.constant 0 : i32
        %dma_start3A_62 = tpu.memref_slice %arg4[%run_scoped3A_42, %arg1, %multiple_of3A_40, %dma_start3A_61] : memref<2x16x632x32xi32, #tpu.memory_space<hbm>> -> memref<1x1x8x32xi32, #tpu.memory_space<hbm>>
        %dma_start3A_63 = tpu.memref_squeeze %dma_start3A_62 : memref<1x1x8x32xi32, #tpu.memory_space<hbm>> -> memref<8x32xi32, #tpu.memory_space<hbm>>
        %dma_start3A_64 = arith.constant 0 : i32
        %dma_start3A_65 = tpu.memref_slice %arg4[%run_scoped3A_42, %arg1, %multiple_of3A_40, %dma_start3A_64] : memref<2x16x632x32xi32, #tpu.memory_space<hbm>> -> memref<1x1x8x32xi32, #tpu.memory_space<hbm>>
        %dma_start3A_66 = tpu.memref_squeeze %dma_start3A_65 : memref<1x1x8x32xi32, #tpu.memory_space<hbm>> -> memref<8x32xi32, #tpu.memory_space<hbm>>
        tpu.enqueue_dma source(%dma_start3A_66 : memref<8x32xi32, #tpu.memory_space<hbm>>) target(%arg7 : memref<8x32xi32, #tpu.memory_space<vmem>>) target_semaphore(%run_scoped3A_60 : memref<!tpu.dma_semaphore, #tpu.memory_space<semaphore_mem>>)
        %dma_wait3A = arith.constant 0 : i32
        %dma_wait3A_67 = tpu.memref_slice %arg4[%run_scoped3A_42, %arg1, %multiple_of3A_40, %dma_wait3A] : memref<2x16x632x32xi32, #tpu.memory_space<hbm>> -> memref<1x1x8x32xi32, #tpu.memory_space<hbm>>
        %dma_wait3A_68 = tpu.memref_squeeze %dma_wait3A_67 : memref<1x1x8x32xi32, #tpu.memory_space<hbm>> -> memref<8x32xi32, #tpu.memory_space<hbm>>
        %dma_wait3A_69 = arith.constant 0 : i32
        %dma_wait3A_70 = tpu.memref_slice %arg4[%run_scoped3A_42, %arg1, %multiple_of3A_40, %dma_wait3A_69] : memref<2x16x632x32xi32, #tpu.memory_space<hbm>> -> memref<1x1x8x32xi32, #tpu.memory_space<hbm>>
        %dma_wait3A_71 = tpu.memref_squeeze %dma_wait3A_70 : memref<1x1x8x32xi32, #tpu.memory_space<hbm>> -> memref<8x32xi32, #tpu.memory_space<hbm>>
        tpu.wait_dma2 semaphore(%run_scoped3A_60 : memref<!tpu.dma_semaphore, #tpu.memory_space<semaphore_mem>>) src(%dma_wait3A_71 : memref<8x32xi32, #tpu.memory_space<hbm>>) dst(%arg7 : memref<8x32xi32, #tpu.memory_space<vmem>>)
        tpu.yield
      }) : () -> ()
      %scan3A_43 = arith.constant 0 : i32
      %scan3A_44 = arith.constant 8 : i32
      %scan3A_45 = arith.addi %scan3A_43, %scan3A_44 : i32
      %scan3A_46 = arith.constant 1 : i32
      scf.for %scan3A_60 = %scan3A_43 to %scan3A_45 step %scan3A_46  : i32 {
        %scan3A_61 = arith.constant 0 : i32
        %scan3A_62 = arith.constant 2 : i32
        %scan3A_63 = arith.addi %scan3A_61, %scan3A_62 : i32
        %scan3A_64 = arith.constant 1 : i32
        scf.for %scan3A_66 = %scan3A_61 to %scan3A_63 step %scan3A_64  : i32 {
          %mul3A_67 = arith.constant 16 : i32
          %mul3A_68 = arith.muli %scan3A_66, %mul3A_67 : i32
          %get3A = arith.index_cast %scan3A_60 : i32 to index
          %get3A_69 = arith.index_cast %mul3A_68 : i32 to index
          %get3A_70 = tpu.vector_load %arg7[%get3A, %get3A_69] {strides = array<i32>} : memref<8x32xi32, #tpu.memory_space<vmem>>, vector<1x16xi32>,
          %get3A_71 = vector.shape_cast %get3A_70 : vector<1x16xi32> to vector<16xi32>
          %sub3A = vector.broadcast %multiple_of3A : i32 to vector<16xi32>
          %sub3A_72 = arith.subi %get3A_71, %sub3A : vector<16xi32>
          %ge3A = arith.constant 0 : i32
          %ge3A_73 = vector.broadcast %ge3A : i32 to vector<16xi32>
          %ge3A_74 = arith.cmpi sge, %sub3A_72, %ge3A_73 : vector<16xi32>
          %lt3A = arith.constant 5000 : i32
          %lt3A_75 = vector.broadcast %lt3A : i32 to vector<16xi32>
          %lt3A_76 = arith.cmpi slt, %sub3A_72, %lt3A_75 : vector<16xi32>
          %and3A = arith.andi %ge3A_74, %lt3A_76 : vector<16xi1>
          %broadcast_in_dim3A = vector.broadcast %add3A_1 : i32 to vector<16xi32>
          %select_n3A_77 = arith.select %and3A, %sub3A_72, %broadcast_in_dim3A : vector<16xi1>, vector<16xi32>
          %mul3A_78 = arith.constant 16 : i32
          %mul3A_79 = arith.muli %scan3A_66, %mul3A_78 : i32
          %swap3A = arith.index_cast %scan3A_60 : i32 to index
          %swap3A_80 = arith.index_cast %mul3A_79 : i32 to index
          %swap3A_81 = tpu.vector_load %arg7[%swap3A, %swap3A_80] {strides = array<i32>} : memref<8x32xi32, #tpu.memory_space<vmem>>, vector<1x16xi32>,
          %swap3A_82 = vector.shape_cast %swap3A_81 : vector<1x16xi32> to vector<16xi32>
          %swap3A_83 = vector.shape_cast %select_n3A_77 : vector<16xi32> to vector<1x16xi32>
          tpu.vector_store %arg7[%swap3A, %swap3A_80], %swap3A_83 {strides = array<i32>} : memref<8x32xi32, #tpu.memory_space<vmem>>, vector<1x16xi32>,
        }
        %scan3A_65 = arith.constant 2 : i32
      }
      %scan3A_47 = arith.constant 8 : i32
      %dma_start3A = arith.constant 0 : i32
      %dma_start3A_48 = arith.constant 0 : i32
      %dma_start3A_49 = tpu.memref_slice %arg6[%dma_start3A, %dma_start3A_48] : memref<8x32xi32, #tpu.memory_space<vmem>> -> memref<1x32xi32, #tpu.memory_space<vmem>>
      %dma_start3A_50 = tpu.memref_squeeze %dma_start3A_49 : memref<1x32xi32, #tpu.memory_space<vmem>> -> memref<32xi32, #tpu.memory_space<vmem>>
      %dma_start3A_51 = arith.constant 0 : i32
      %dma_start3A_52 = arith.constant 0 : i32
      %dma_start3A_53 = tpu.memref_slice %arg10[%dma_start3A_51, %dma_start3A_52] : memref<10000x128xf32, #tpu.memory_space<vmem_shared>> -> memref<10000x128xf32, #tpu.memory_space<vmem_shared>>
      tpu.enqueue_indirect_dma source(%dma_start3A_53 : memref<10000x128xf32, #tpu.memory_space<vmem_shared>>) target(%arg8 : memref<32x128xf32, #tpu.memory_space<vmem>>) offsets(%dma_start3A_50 : memref<32xi32, #tpu.memory_space<vmem>>) semaphore(%arg12 : memref<!tpu.dma_semaphore, #tpu.memory_space<semaphore_mem>>)
      %scan3A_54 = arith.constant 0 : i32
      %scan3A_55 = arith.constant 0 : i32
      %scan3A_56 = arith.constant 4 : i32
      %scan3A_57 = arith.addi %scan3A_55, %scan3A_56 : i32
      %scan3A_58 = arith.constant 1 : i32
      scf.for %scan3A_60 = %scan3A_55 to %scan3A_57 step %scan3A_58  : i32 {
        %mul3A_61 = arith.constant 2 : i32
        %mul3A_62 = arith.muli %mul3A_61, %scan3A_60 : i32
        %add3A_63 = arith.constant 1 : i32
        %add3A_64 = arith.addi %mul3A_62, %add3A_63 : i32
        %dma_start3A_65 = arith.constant 0 : i32
        %dma_start3A_66 = tpu.memref_slice %arg6[%add3A_64, %dma_start3A_65] : memref<8x32xi32, #tpu.memory_space<vmem>> -> memref<1x32xi32, #tpu.memory_space<vmem>>
        %dma_start3A_67 = tpu.memref_squeeze %dma_start3A_66 : memref<1x32xi32, #tpu.memory_space<vmem>> -> memref<32xi32, #tpu.memory_space<vmem>>
        %dma_start3A_68 = arith.constant 0 : i32
        %dma_start3A_69 = arith.constant 0 : i32
        %dma_start3A_70 = tpu.memref_slice %arg10[%dma_start3A_68, %dma_start3A_69] : memref<10000x128xf32, #tpu.memory_space<vmem_shared>> -> memref<10000x128xf32, #tpu.memory_space<vmem_shared>>
        tpu.enqueue_indirect_dma source(%dma_start3A_70 : memref<10000x128xf32, #tpu.memory_space<vmem_shared>>) target(%arg9 : memref<32x128xf32, #tpu.memory_space<vmem>>) offsets(%dma_start3A_67 : memref<32xi32, #tpu.memory_space<vmem>>) semaphore(%arg13 : memref<!tpu.dma_semaphore, #tpu.memory_space<semaphore_mem>>)
        %dma_wait3A = arith.constant 0 : i32
        %dma_wait3A_71 = tpu.memref_slice %arg6[%mul3A_62, %dma_wait3A] : memref<8x32xi32, #tpu.memory_space<vmem>> -> memref<1x32xi32, #tpu.memory_space<vmem>>
        %dma_wait3A_72 = tpu.memref_squeeze %dma_wait3A_71 : memref<1x32xi32, #tpu.memory_space<vmem>> -> memref<32xi32, #tpu.memory_space<vmem>>
        %dma_wait3A_73 = arith.constant 0 : i32
        %dma_wait3A_74 = arith.constant 0 : i32
        %dma_wait3A_75 = tpu.memref_slice %arg10[%dma_wait3A_73, %dma_wait3A_74] : memref<10000x128xf32, #tpu.memory_space<vmem_shared>> -> memref<10000x128xf32, #tpu.memory_space<vmem_shared>>
        tpu.wait_indirect_dma semaphore(%arg12 : memref<!tpu.dma_semaphore, #tpu.memory_space<semaphore_mem>>) src(%dma_wait3A_75 : memref<10000x128xf32, #tpu.memory_space<vmem_shared>>) dst(%arg8 : memref<32x128xf32, #tpu.memory_space<vmem>>)
        "tpu.region"() ({
          %run_scoped3A_90 = tpu.sem_alloc : memref<!tpu.dma_semaphore, #tpu.memory_space<semaphore_mem>>
          %dma_start3A_91 = arith.constant 0 : i32
          %dma_start3A_92 = tpu.memref_slice %arg7[%mul3A_62, %dma_start3A_91] : memref<8x32xi32, #tpu.memory_space<vmem>> -> memref<1x32xi32, #tpu.memory_space<vmem>>
          %dma_start3A_93 = tpu.memref_squeeze %dma_start3A_92 : memref<1x32xi32, #tpu.memory_space<vmem>> -> memref<32xi32, #tpu.memory_space<vmem>>
          %dma_start3A_94 = arith.constant 0 : i32
          %dma_start3A_95 = arith.constant 0 : i32
          %dma_start3A_96 = tpu.memref_slice %arg11[%dma_start3A_94, %dma_start3A_95] : memref<5016x128xf32, #tpu.memory_space<vmem_shared>> -> memref<5016x128xf32, #tpu.memory_space<vmem_shared>>
          tpu.enqueue_indirect_dma source(%arg8 : memref<32x128xf32, #tpu.memory_space<vmem>>) target(%dma_start3A_96 : memref<5016x128xf32, #tpu.memory_space<vmem_shared>>) offsets(%dma_start3A_93 : memref<32xi32, #tpu.memory_space<vmem>>) semaphore(%run_scoped3A_90 : memref<!tpu.dma_semaphore, #tpu.memory_space<semaphore_mem>>) {add = true}
          %dma_wait3A_97 = arith.constant 0 : i32
          %dma_wait3A_98 = tpu.memref_slice %arg7[%mul3A_62, %dma_wait3A_97] : memref<8x32xi32, #tpu.memory_space<vmem>> -> memref<1x32xi32, #tpu.memory_space<vmem>>
          %dma_wait3A_99 = tpu.memref_squeeze %dma_wait3A_98 : memref<1x32xi32, #tpu.memory_space<vmem>> -> memref<32xi32, #tpu.memory_space<vmem>>
          %dma_wait3A_100 = arith.constant 0 : i32
          %dma_wait3A_101 = arith.constant 0 : i32
          %dma_wait3A_102 = tpu.memref_slice %arg11[%dma_wait3A_100, %dma_wait3A_101] : memref<5016x128xf32, #tpu.memory_space<vmem_shared>> -> memref<5016x128xf32, #tpu.memory_space<vmem_shared>>
          tpu.wait_indirect_dma semaphore(%run_scoped3A_90 : memref<!tpu.dma_semaphore, #tpu.memory_space<semaphore_mem>>) src(%arg8 : memref<32x128xf32, #tpu.memory_space<vmem>>) dst(%dma_wait3A_102 : memref<5016x128xf32, #tpu.memory_space<vmem_shared>>)
          tpu.yield
        }) : () -> ()
        %add3A_76 = arith.constant 2 : i32
        %add3A_77 = arith.addi %mul3A_62, %add3A_76 : i32
        %lt3A = arith.constant 8 : i32
        %lt3A_78 = arith.cmpi slt, %add3A_77, %lt3A : i32
        %convert_element_type3A = arith.extui %lt3A_78 : i1 to i32
        %cond3A = arith.constant 0 : i32
        %cond3A_79 = arith.cmpi ne, %convert_element_type3A, %cond3A : i32
        scf.if %cond3A_79 {
          %add3A_90 = arith.constant 2 : i32
          %add3A_91 = arith.addi %mul3A_62, %add3A_90 : i32
          %dma_start3A_92 = arith.constant 0 : i32
          %dma_start3A_93 = tpu.memref_slice %arg6[%add3A_91, %dma_start3A_92] : memref<8x32xi32, #tpu.memory_space<vmem>> -> memref<1x32xi32, #tpu.memory_space<vmem>>
          %dma_start3A_94 = tpu.memref_squeeze %dma_start3A_93 : memref<1x32xi32, #tpu.memory_space<vmem>> -> memref<32xi32, #tpu.memory_space<vmem>>
          %dma_start3A_95 = arith.constant 0 : i32
          %dma_start3A_96 = arith.constant 0 : i32
          %dma_start3A_97 = tpu.memref_slice %arg10[%dma_start3A_95, %dma_start3A_96] : memref<10000x128xf32, #tpu.memory_space<vmem_shared>> -> memref<10000x128xf32, #tpu.memory_space<vmem_shared>>
          tpu.enqueue_indirect_dma source(%dma_start3A_97 : memref<10000x128xf32, #tpu.memory_space<vmem_shared>>) target(%arg8 : memref<32x128xf32, #tpu.memory_space<vmem>>) offsets(%dma_start3A_94 : memref<32xi32, #tpu.memory_space<vmem>>) semaphore(%arg12 : memref<!tpu.dma_semaphore, #tpu.memory_space<semaphore_mem>>)
        } else {
        }
        %add3A_80 = arith.constant 1 : i32
        %add3A_81 = arith.addi %mul3A_62, %add3A_80 : i32
        %dma_wait3A_82 = arith.constant 0 : i32
        %dma_wait3A_83 = tpu.memref_slice %arg6[%add3A_81, %dma_wait3A_82] : memref<8x32xi32, #tpu.memory_space<vmem>> -> memref<1x32xi32, #tpu.memory_space<vmem>>
        %dma_wait3A_84 = tpu.memref_squeeze %dma_wait3A_83 : memref<1x32xi32, #tpu.memory_space<vmem>> -> memref<32xi32, #tpu.memory_space<vmem>>
        %dma_wait3A_85 = arith.constant 0 : i32
        %dma_wait3A_86 = arith.constant 0 : i32
        %dma_wait3A_87 = tpu.memref_slice %arg10[%dma_wait3A_85, %dma_wait3A_86] : memref<10000x128xf32, #tpu.memory_space<vmem_shared>> -> memref<10000x128xf32, #tpu.memory_space<vmem_shared>>
        tpu.wait_indirect_dma semaphore(%arg13 : memref<!tpu.dma_semaphore, #tpu.memory_space<semaphore_mem>>) src(%dma_wait3A_87 : memref<10000x128xf32, #tpu.memory_space<vmem_shared>>) dst(%arg9 : memref<32x128xf32, #tpu.memory_space<vmem>>)
        %add3A_88 = arith.constant 1 : i32
        %add3A_89 = arith.addi %mul3A_62, %add3A_88 : i32
        "tpu.region"() ({
          %run_scoped3A_90 = tpu.sem_alloc : memref<!tpu.dma_semaphore, #tpu.memory_space<semaphore_mem>>
          %dma_start3A_91 = arith.constant 0 : i32
          %dma_start3A_92 = tpu.memref_slice %arg7[%add3A_89, %dma_start3A_91] : memref<8x32xi32, #tpu.memory_space<vmem>> -> memref<1x32xi32, #tpu.memory_space<vmem>>
          %dma_start3A_93 = tpu.memref_squeeze %dma_start3A_92 : memref<1x32xi32, #tpu.memory_space<vmem>> -> memref<32xi32, #tpu.memory_space<vmem>>
          %dma_start3A_94 = arith.constant 0 : i32
          %dma_start3A_95 = arith.constant 0 : i32
          %dma_start3A_96 = tpu.memref_slice %arg11[%dma_start3A_94, %dma_start3A_95] : memref<5016x128xf32, #tpu.memory_space<vmem_shared>> -> memref<5016x128xf32, #tpu.memory_space<vmem_shared>>
          tpu.enqueue_indirect_dma source(%arg9 : memref<32x128xf32, #tpu.memory_space<vmem>>) target(%dma_start3A_96 : memref<5016x128xf32, #tpu.memory_space<vmem_shared>>) offsets(%dma_start3A_93 : memref<32xi32, #tpu.memory_space<vmem>>) semaphore(%run_scoped3A_90 : memref<!tpu.dma_semaphore, #tpu.memory_space<semaphore_mem>>) {add = true}
          %dma_wait3A_97 = arith.constant 0 : i32
          %dma_wait3A_98 = tpu.memref_slice %arg7[%add3A_89, %dma_wait3A_97] : memref<8x32xi32, #tpu.memory_space<vmem>> -> memref<1x32xi32, #tpu.memory_space<vmem>>
          %dma_wait3A_99 = tpu.memref_squeeze %dma_wait3A_98 : memref<1x32xi32, #tpu.memory_space<vmem>> -> memref<32xi32, #tpu.memory_space<vmem>>
          %dma_wait3A_100 = arith.constant 0 : i32
          %dma_wait3A_101 = arith.constant 0 : i32
          %dma_wait3A_102 = tpu.memref_slice %arg11[%dma_wait3A_100, %dma_wait3A_101] : memref<5016x128xf32, #tpu.memory_space<vmem_shared>> -> memref<5016x128xf32, #tpu.memory_space<vmem_shared>>
          tpu.wait_indirect_dma semaphore(%run_scoped3A_90 : memref<!tpu.dma_semaphore, #tpu.memory_space<semaphore_mem>>) src(%arg9 : memref<32x128xf32, #tpu.memory_space<vmem>>) dst(%dma_wait3A_102 : memref<5016x128xf32, #tpu.memory_space<vmem_shared>>)
          tpu.yield
        }) : () -> ()
      }
      %scan3A_59 = arith.constant 4 : i32
    }
    %scan3A_32 = arith.constant 79 : i32
    %barrier3A_33 = arith.constant 0 : index
    tpu.barrier barrier_id(%barrier3A_33)
    %add3A_34 = arith.addi %multiple_of3A, %multiple_of3A_12 : i32
    %multiple_of3A_35 = tpu.assume_multiple %add3A_34, 8 : i32
    %run_scoped3A_36 = arith.constant 1 : i32
    "tpu.region"() ({
      %run_scoped3A_37 = tpu.sem_alloc : memref<!tpu.dma_semaphore, #tpu.memory_space<semaphore_mem>>
      %dma_start3A = arith.constant 0 : i32
      %dma_start3A_38 = tpu.memref_slice %arg5[%run_scoped3A_36, %multiple_of3A_35, %dma_start3A] : memref<2x10000x128xf32, #tpu.memory_space<hbm>> -> memref<1x320x128xf32, #tpu.memory_space<hbm>>
      %dma_start3A_39 = tpu.memref_squeeze %dma_start3A_38 : memref<1x320x128xf32, #tpu.memory_space<hbm>> -> memref<320x128xf32, #tpu.memory_space<hbm>>
      %dma_start3A_40 = arith.constant 0 : i32
      %dma_start3A_41 = tpu.memref_slice %arg11[%multiple_of3A_12, %dma_start3A_40] : memref<5016x128xf32, #tpu.memory_space<vmem_shared>> -> memref<320x128xf32, #tpu.memory_space<vmem_shared>>
      tpu.enqueue_dma source(%dma_start3A_41 : memref<320x128xf32, #tpu.memory_space<vmem_shared>>) target(%dma_start3A_39 : memref<320x128xf32, #tpu.memory_space<hbm>>) target_semaphore(%run_scoped3A_37 : memref<!tpu.dma_semaphore, #tpu.memory_space<semaphore_mem>>)
      %dma_wait3A = arith.constant 0 : i32
      %dma_wait3A_42 = tpu.memref_slice %arg5[%run_scoped3A_36, %multiple_of3A_35, %dma_wait3A] : memref<2x10000x128xf32, #tpu.memory_space<hbm>> -> memref<1x320x128xf32, #tpu.memory_space<hbm>>
      %dma_wait3A_43 = tpu.memref_squeeze %dma_wait3A_42 : memref<1x320x128xf32, #tpu.memory_space<hbm>> -> memref<320x128xf32, #tpu.memory_space<hbm>>
      %dma_wait3A_44 = arith.constant 0 : i32
      %dma_wait3A_45 = tpu.memref_slice %arg11[%multiple_of3A_12, %dma_wait3A_44] : memref<5016x128xf32, #tpu.memory_space<vmem_shared>> -> memref<320x128xf32, #tpu.memory_space<vmem_shared>>
      tpu.wait_dma2 semaphore(%run_scoped3A_37 : memref<!tpu.dma_semaphore, #tpu.memory_space<semaphore_mem>>) src(%dma_wait3A_45 : memref<320x128xf32, #tpu.memory_space<vmem_shared>>) dst(%dma_wait3A_43 : memref<320x128xf32, #tpu.memory_space<hbm>>)
      tpu.yield
    }) : () -> ()
    return
  }
}

module attributes {stable_mosaic.version = 14 : i64} {
  func.func @_combine_body(%arg0: i32, %arg1: memref<1x1xf32, #tpu.memory_space<smem>>, %arg2: memref<2000x128xf32, #tpu.memory_space<vmem>>, %arg3: memref<2x2000x128xf32, #tpu.memory_space<vmem>>, %arg4: memref<128x128xf32, #tpu.memory_space<vmem>>, %arg5: memref<128x128xf32, #tpu.memory_space<vmem>>, %arg6: memref<2000x128xf32, #tpu.memory_space<vmem>>) attributes {dimension_semantics = [#tpu.dimension_semantics<arbitrary>], iteration_bounds = array<i64: 5>, scalar_prefetch = 0 : i64, scratch_operands = 0 : i64, tpu.core_type = #tpu.core_type<tc>, window_params = [{transform_indices = @transform_0, window_bounds = array<i64: 1, 1>}, {transform_indices = @transform_1, window_bounds = array<i64: 2000, 128>}, {transform_indices = @transform_2, window_bounds = array<i64: 2, 2000, 128>}, {pipeline_mode = #tpu.pipeline_mode<synchronous>, transform_indices = @transform_3, window_bounds = array<i64: 128, 128>}, {pipeline_mode = #tpu.pipeline_mode<synchronous>, transform_indices = @transform_4, window_bounds = array<i64: 128, 128>}, {transform_indices = @transform_5, window_bounds = array<i64: 2000, 128>}]} {
    %get3A = arith.constant 0 : index
    %get3A_0 = arith.constant 0 : index
    %get3A_1 = memref.load %arg1[%get3A, %get3A_0] : memref<1x1xf32, #tpu.memory_space<smem>>
    %add3A = arith.constant 1.000000e+00 : f32
    %add3A_2 = arith.addf %add3A, %get3A_1 : f32
    %get3A_3 = arith.constant 0 : index
    %get3A_4 = arith.constant 0 : index
    %get3A_5 = vector.load %arg2[%get3A_3, %get3A_4] : memref<2000x128xf32, #tpu.memory_space<vmem>>, vector<2000x128xf32>
    %mul3A = vector.broadcast %add3A_2 : f32 to vector<2000x128xf32>
    %mul3A_6 = arith.mulf %mul3A, %get3A_5 : vector<2000x128xf32>
    %get3A_7 = arith.constant 0 : index
    %get3A_8 = arith.constant 0 : index
    %get3A_9 = arith.constant 0 : index
    %get3A_10 = vector.load %arg3[%get3A_7, %get3A_8, %get3A_9] : memref<2x2000x128xf32, #tpu.memory_space<vmem>>, vector<1x2000x128xf32>
    %get3A_11 = vector.shape_cast %get3A_10 : vector<1x2000x128xf32> to vector<2000x128xf32>
    %get3A_12 = arith.constant 0 : index
    %get3A_13 = arith.constant 0 : index
    %get3A_14 = vector.load %arg4[%get3A_12, %get3A_13] : memref<128x128xf32, #tpu.memory_space<vmem>>, vector<128x128xf32>
    %dot_general3A = arith.constant dense<0.000000e+00> : vector<2000x128xf32>
    %dot_general3A_15 = tpu.matmul %get3A_11, %get3A_14, %dot_general3A {dimension_numbers = #tpu.dot_dimension_numbers<[1], [0], [0], [1], [0, 0, 1, 1], [], []>, transpose_lhs_hint = false} : vector<2000x128xf32>, vector<128x128xf32>, vector<2000x128xf32> -> vector<2000x128xf32>
    %add3A_16 = arith.addf %mul3A_6, %dot_general3A_15 : vector<2000x128xf32>
    %get3A_17 = arith.constant 1 : index
    %get3A_18 = arith.constant 0 : index
    %get3A_19 = arith.constant 0 : index
    %get3A_20 = vector.load %arg3[%get3A_17, %get3A_18, %get3A_19] : memref<2x2000x128xf32, #tpu.memory_space<vmem>>, vector<1x2000x128xf32>
    %get3A_21 = vector.shape_cast %get3A_20 : vector<1x2000x128xf32> to vector<2000x128xf32>
    %get3A_22 = arith.constant 0 : index
    %get3A_23 = arith.constant 0 : index
    %get3A_24 = vector.load %arg5[%get3A_22, %get3A_23] : memref<128x128xf32, #tpu.memory_space<vmem>>, vector<128x128xf32>
    %dot_general3A_25 = arith.constant dense<0.000000e+00> : vector<2000x128xf32>
    %dot_general3A_26 = tpu.matmul %get3A_21, %get3A_24, %dot_general3A_25 {dimension_numbers = #tpu.dot_dimension_numbers<[1], [0], [0], [1], [0, 0, 1, 1], [], []>, transpose_lhs_hint = false} : vector<2000x128xf32>, vector<128x128xf32>, vector<2000x128xf32> -> vector<2000x128xf32>
    %add3A_27 = arith.addf %add3A_16, %dot_general3A_26 : vector<2000x128xf32>
    %swap3A = arith.constant 0 : index
    %swap3A_28 = arith.constant 0 : index
    %swap3A_29 = vector.load %arg6[%swap3A, %swap3A_28] : memref<2000x128xf32, #tpu.memory_space<vmem>>, vector<2000x128xf32>
    tpu.vector_store %arg6[%swap3A, %swap3A_28], %add3A_27 {strides = array<i32>} : memref<2000x128xf32, #tpu.memory_space<vmem>>, vector<2000x128xf32>,
    return
  }
  func.func @transform_0(%arg0: i32) -> (i32, i32) {
    %c0_i32 = arith.constant 0 : i32
    %c0_i32_0 = arith.constant 0 : i32
    %c0_i32_1 = arith.constant 0 : i32
    return %c0_i32, %c0_i32_0 : i32, i32
  }
  func.func @transform_1(%arg0: i32) -> (i32, i32) {
    %c0_i32 = arith.constant 0 : i32
    %c0_i32_0 = arith.constant 0 : i32
    return %arg0, %c0_i32 : i32, i32
  }
  func.func @transform_2(%arg0: i32) -> (i32, i32, i32) {
    %c0_i32 = arith.constant 0 : i32
    %c0_i32_0 = arith.constant 0 : i32
    %c0_i32_1 = arith.constant 0 : i32
    return %c0_i32, %arg0, %c0_i32_0 : i32, i32, i32
  }
  func.func @transform_3(%arg0: i32) -> (i32, i32) {
    %c0_i32 = arith.constant 0 : i32
    %c0_i32_0 = arith.constant 0 : i32
    %c0_i32_1 = arith.constant 0 : i32
    return %c0_i32, %c0_i32_0 : i32, i32
  }
  func.func @transform_4(%arg0: i32) -> (i32, i32) {
    %c0_i32 = arith.constant 0 : i32
    %c0_i32_0 = arith.constant 0 : i32
    %c0_i32_1 = arith.constant 0 : i32
    return %c0_i32, %c0_i32_0 : i32, i32
  }
  func.func @transform_5(%arg0: i32) -> (i32, i32) {
    %c0_i32 = arith.constant 0 : i32
    %c0_i32_0 = arith.constant 0 : i32
    return %arg0, %c0_i32 : i32, i32
  }
}

module attributes {stable_mosaic.version = 14 : i64} {
  func.func @_combine_head_body(%arg0: i32, %arg1: memref<1x1xf32, #tpu.memory_space<smem>>, %arg2: memref<2000x128xf32, #tpu.memory_space<vmem>>, %arg3: memref<2x2000x128xf32, #tpu.memory_space<vmem>>, %arg4: memref<128x128xf32, #tpu.memory_space<vmem>>, %arg5: memref<128x128xf32, #tpu.memory_space<vmem>>, %arg6: memref<128x64xf32, #tpu.memory_space<vmem>>, %arg7: memref<2000x64xf32, #tpu.memory_space<vmem>>) attributes {dimension_semantics = [#tpu.dimension_semantics<arbitrary>], iteration_bounds = array<i64: 5>, scalar_prefetch = 0 : i64, scratch_operands = 0 : i64, tpu.core_type = #tpu.core_type<tc>, window_params = [{transform_indices = @transform_0, window_bounds = array<i64: 1, 1>}, {transform_indices = @transform_1, window_bounds = array<i64: 2000, 128>}, {transform_indices = @transform_2, window_bounds = array<i64: 2, 2000, 128>}, {pipeline_mode = #tpu.pipeline_mode<synchronous>, transform_indices = @transform_3, window_bounds = array<i64: 128, 128>}, {pipeline_mode = #tpu.pipeline_mode<synchronous>, transform_indices = @transform_4, window_bounds = array<i64: 128, 128>}, {pipeline_mode = #tpu.pipeline_mode<synchronous>, transform_indices = @transform_5, window_bounds = array<i64: 128, 64>}, {transform_indices = @transform_6, window_bounds = array<i64: 2000, 64>}]} {
    %get3A = arith.constant 0 : index
    %get3A_0 = arith.constant 0 : index
    %get3A_1 = memref.load %arg1[%get3A, %get3A_0] : memref<1x1xf32, #tpu.memory_space<smem>>
    %add3A = arith.constant 1.000000e+00 : f32
    %add3A_2 = arith.addf %add3A, %get3A_1 : f32
    %get3A_3 = arith.constant 0 : index
    %get3A_4 = arith.constant 0 : index
    %get3A_5 = vector.load %arg2[%get3A_3, %get3A_4] : memref<2000x128xf32, #tpu.memory_space<vmem>>, vector<2000x128xf32>
    %mul3A = vector.broadcast %add3A_2 : f32 to vector<2000x128xf32>
    %mul3A_6 = arith.mulf %mul3A, %get3A_5 : vector<2000x128xf32>
    %get3A_7 = arith.constant 0 : index
    %get3A_8 = arith.constant 0 : index
    %get3A_9 = arith.constant 0 : index
    %get3A_10 = vector.load %arg3[%get3A_7, %get3A_8, %get3A_9] : memref<2x2000x128xf32, #tpu.memory_space<vmem>>, vector<1x2000x128xf32>
    %get3A_11 = vector.shape_cast %get3A_10 : vector<1x2000x128xf32> to vector<2000x128xf32>
    %get3A_12 = arith.constant 0 : index
    %get3A_13 = arith.constant 0 : index
    %get3A_14 = vector.load %arg4[%get3A_12, %get3A_13] : memref<128x128xf32, #tpu.memory_space<vmem>>, vector<128x128xf32>
    %dot_general3A = arith.constant dense<0.000000e+00> : vector<2000x128xf32>
    %dot_general3A_15 = tpu.matmul %get3A_11, %get3A_14, %dot_general3A {dimension_numbers = #tpu.dot_dimension_numbers<[1], [0], [0], [1], [0, 0, 1, 1], [], []>, transpose_lhs_hint = false} : vector<2000x128xf32>, vector<128x128xf32>, vector<2000x128xf32> -> vector<2000x128xf32>
    %add3A_16 = arith.addf %mul3A_6, %dot_general3A_15 : vector<2000x128xf32>
    %get3A_17 = arith.constant 1 : index
    %get3A_18 = arith.constant 0 : index
    %get3A_19 = arith.constant 0 : index
    %get3A_20 = vector.load %arg3[%get3A_17, %get3A_18, %get3A_19] : memref<2x2000x128xf32, #tpu.memory_space<vmem>>, vector<1x2000x128xf32>
    %get3A_21 = vector.shape_cast %get3A_20 : vector<1x2000x128xf32> to vector<2000x128xf32>
    %get3A_22 = arith.constant 0 : index
    %get3A_23 = arith.constant 0 : index
    %get3A_24 = vector.load %arg5[%get3A_22, %get3A_23] : memref<128x128xf32, #tpu.memory_space<vmem>>, vector<128x128xf32>
    %dot_general3A_25 = arith.constant dense<0.000000e+00> : vector<2000x128xf32>
    %dot_general3A_26 = tpu.matmul %get3A_21, %get3A_24, %dot_general3A_25 {dimension_numbers = #tpu.dot_dimension_numbers<[1], [0], [0], [1], [0, 0, 1, 1], [], []>, transpose_lhs_hint = false} : vector<2000x128xf32>, vector<128x128xf32>, vector<2000x128xf32> -> vector<2000x128xf32>
    %add3A_27 = arith.addf %add3A_16, %dot_general3A_26 : vector<2000x128xf32>
    %get3A_28 = arith.constant 0 : index
    %get3A_29 = arith.constant 0 : index
    %get3A_30 = vector.load %arg6[%get3A_28, %get3A_29] : memref<128x64xf32, #tpu.memory_space<vmem>>, vector<128x64xf32>
    %dot_general3A_31 = arith.constant dense<0.000000e+00> : vector<2000x64xf32>
    %dot_general3A_32 = tpu.matmul %add3A_27, %get3A_30, %dot_general3A_31 {dimension_numbers = #tpu.dot_dimension_numbers<[1], [0], [0], [1], [0, 0, 1, 1], [], []>, transpose_lhs_hint = false} : vector<2000x128xf32>, vector<128x64xf32>, vector<2000x64xf32> -> vector<2000x64xf32>
    %swap3A = arith.constant 0 : index
    %swap3A_33 = arith.constant 0 : index
    %swap3A_34 = vector.load %arg7[%swap3A, %swap3A_33] : memref<2000x64xf32, #tpu.memory_space<vmem>>, vector<2000x64xf32>
    tpu.vector_store %arg7[%swap3A, %swap3A_33], %dot_general3A_32 {strides = array<i32>} : memref<2000x64xf32, #tpu.memory_space<vmem>>, vector<2000x64xf32>,
    return
  }
  func.func @transform_0(%arg0: i32) -> (i32, i32) {
    %c0_i32 = arith.constant 0 : i32
    %c0_i32_0 = arith.constant 0 : i32
    %c0_i32_1 = arith.constant 0 : i32
    return %c0_i32, %c0_i32_0 : i32, i32
  }
  func.func @transform_1(%arg0: i32) -> (i32, i32) {
    %c0_i32 = arith.constant 0 : i32
    %c0_i32_0 = arith.constant 0 : i32
    return %arg0, %c0_i32 : i32, i32
  }
  func.func @transform_2(%arg0: i32) -> (i32, i32, i32) {
    %c0_i32 = arith.constant 0 : i32
    %c0_i32_0 = arith.constant 0 : i32
    %c0_i32_1 = arith.constant 0 : i32
    return %c0_i32, %arg0, %c0_i32_0 : i32, i32, i32
  }
  func.func @transform_3(%arg0: i32) -> (i32, i32) {
    %c0_i32 = arith.constant 0 : i32
    %c0_i32_0 = arith.constant 0 : i32
    %c0_i32_1 = arith.constant 0 : i32
    return %c0_i32, %c0_i32_0 : i32, i32
  }
  func.func @transform_4(%arg0: i32) -> (i32, i32) {
    %c0_i32 = arith.constant 0 : i32
    %c0_i32_0 = arith.constant 0 : i32
    %c0_i32_1 = arith.constant 0 : i32
    return %c0_i32, %c0_i32_0 : i32, i32
  }
  func.func @transform_5(%arg0: i32) -> (i32, i32) {
    %c0_i32 = arith.constant 0 : i32
    %c0_i32_0 = arith.constant 0 : i32
    %c0_i32_1 = arith.constant 0 : i32
    return %c0_i32, %c0_i32_0 : i32, i32
  }
  func.func @transform_6(%arg0: i32) -> (i32, i32) {
    %c0_i32 = arith.constant 0 : i32
    %c0_i32_0 = arith.constant 0 : i32
    return %arg0, %c0_i32 : i32, i32
  }
}

</mosaic_0001>

<sc_bundles>
// kernel: kernel.6.cloned.1.call-start
scs
__scs_entry_jumppad:
0x0: {  	(pc) =	sbr.rel $0x88, $3  }
0x1: {  	(tag) =	ssettag $0x0;
	lr =	simm.s32 $0x1  }
0x2: {  	[smem:$0x3F95] =	sst lr;
	_ =	strace $0xD0000000  }
0x3: {  	_ = 	snop  }
0x4: {  	_ = 	snop  }
0x5: {  	_ = 	snop  }
0x6: {  	_ = 	snop  }
0x7: {  	_ = 	snop  }
__scs_overlays_trampoline_lowered:
0x8: {  	[smem:$0x3FA4] =	sst s0  }
0x9: {  	[smem:$0x3FA5] =	sst s1  }
0xa: {  	[smem:$0x3FA6] =	sst s2  }
0xb: {  	[smem:$0x3FA7] =	sst s3  }
0xc: {  	[smem:$0x3FA8] =	sst s4  }
0xd: {  	[smem:$0x3FA9] =	sst s5  }
0xe: {  	[smem:$0x3FAA] =	sst s6  }
0xf: {  	[smem:$0x3FAB] =	sst s7  }
0x10: {  	[smem:$0x3FAC] =	sst s8  }
0x11: {  	[smem:$0x3FAD] =	sst s9;
	s0 =	simm.s32 @!p0 $0x0  }
0x12: {  	s1 =	sld [smem:$0x3F93];
	s0 =	simm.s32 @p0 $0x1  }
0x13: {  	[smem:$0x3FAE] =	sst s0;
	s0 =	simm.s32 @!p1 $0x0  }
0x14: {  	s2 =	sld [smem:$0x3F92];
	s0 =	simm.s32 @p1 $0x1  }
0x15: {  	[smem:$0x3FAF] =	sst s0;
	s0 =	simm.s32 @!p2 $0x0  }
0x16: {  	s3 =	sld [smem:$0x3FDB];
	s0 =	simm.s32 @p2 $0x1  }
0x17: {  	s4 =	simm.s32 $0x1BF5;
	[smem:$0x3FB1] =	sst s0  }
0x18: {  	s0 =	sld [smem:$0x3F94];
	_ =	swait.ge [sflag:s4], $0x0  }
0x19: {  	s7 =	sld [smem:$0x3F95]  }
0x1a: {  	s8 =	sadd.s32 $0xFFFFE003, lr  }
0x1b: {  	s9 =	sadd.s32 $0xFFFFFEF7, lr;
	s5 =	simm.s32 $0xFFFFFFFF;
	p2 =	slt.u32 s8, $0xFFFFF086  }
0x1c: {  	p1 =	slt.u32 s9, $0xF7A;
	s5 =	simm.s32 @!p2 $0x0  }
0x1d: {  	s5 =	simm.s32 @p1 $0x1;
	p0 =	seq.s32 s7, s2  }
0x1e: {  	s7 =	smul.u32 @!p0 $0xF7A, s2;
	p2 =	seq.s32 @!p0 s5, $0x0  }
0x1f: {  	s9 =	smul.u32 $0xF7A, s1;
	s8 =	simm.s32 @!p0 $0x1BF5;
	p2 =	por !p2, p0  }
0x20: {  	[sflag:s8] =	ssyncset.s32 @!p0 $0xFFFFF086;
	s6 =	sadd.s32 @!p0 s3, s7;
	s7 =	simm.s32 @!p0 $0x108  }
0x21: {  	s3 =	sadd.s32 s3, s9;
	s6 =	sadd.s32 @!p0 $0x88, s6;
	s7 =	simm.s32 @p2 $0x1082  }
0x22: {  	[simem:s7], [sflag:s8] =	dma.local @!p0 [hbm:s6], $0xF7A  }
0x23: {  	s9 =	sor.u32 $0xD0000000, s2;
	s6 =	simm.s32 $0x108;
	_ =	swait.ge @!p0 [sflag:s8], $0x0  }
0x24: {  	s3 =	sadd.s32 $0x88, s3;
	s6 =	simm.s32 @!p1 $0x1082;
	[sflag:s4] =	ssyncset.s32 $0xFFFFF086  }
0x25: {  	[simem:s6], [sflag:s4] =	dma.local [hbm:s3], $0xF7A  }
0x26: {  	[smem:$0x3F95] =	sst s1;
	(tag) =	ssettag s2;
	_ =	strace s9  }
0x27: {  	s1 =	sld [smem:$0x3FA5]  }
0x28: {  	s2 =	sld [smem:$0x3FA6]  }
0x29: {  	s4 =	sld [smem:$0x3FA8]  }
0x2a: {  	p0 =	seq.s32 s5, $0x0;
	s5 =	sld [smem:$0x3FA9]  }
0x2b: {  	s6 =	sld [smem:$0x3FAA]  }
0x2c: {  	s7 =	sld [smem:$0x3FAB]  }
0x2d: {  	s3 =	simm.s32 $0x108;
	s8 =	sld [smem:$0x3FAC]  }
0x2e: {  	s3 =	simm.s32 @!p0 $0x1082;
	s9 =	sld [smem:$0x3FAD]  }
0x2f: {  	lr =	sadd.s32 s0, s3;
	s0 =	sld [smem:$0x3FA4]  }
0x30: {  	s3 =	sld [smem:$0x3FA7]  }
0x31: {  	[smem:$0x3FB0] =	sst s10  }
0x32: {  	s10 =	sld [smem:$0x3FAE];
	_ =	sdelay $0x3  }
0x33: {  	p0 =	seq.s32 s10, $0x1;
	s10 =	sld [smem:$0x3FB0];
	_ =	sdelay $0x3  }
0x34: {  	[smem:$0x3FB0] =	sst s10  }
0x35: {  	s10 =	sld [smem:$0x3FAF];
	_ =	sdelay $0x3  }
0x36: {  	p1 =	seq.s32 s10, $0x1;
	s10 =	sld [smem:$0x3FB0];
	_ =	sdelay $0x3  }
0x37: {  	[smem:$0x3FB0] =	sst s10  }
0x38: {  	s10 =	sld [smem:$0x3FB1]  }
0x39: {  	_ = 	snop;
	(pc) =	sbr.ind lr, $3  }
0x3a: {  	_ = 	snop  }
0x3b: {  	_ = 	snop  }
0x3c: {  	p2 =	seq.s32 s10, $0x1;
	s10 =	sld [smem:$0x3FB0]  }
0x3d: {  	_ =	shalt  }
0x3e: {  	_ =	shalt  }
0x3f: {  	_ =	shalt  }
0x40: {  	_ =	shalt  }
0x41: {  	_ =	shalt  }
0x42: {  	_ =	shalt  }
0x43: {  	_ =	shalt  }
0x44: {  	_ =	shalt  }
0x45: {  	_ =	shalt  }
0x46: {  	_ =	shalt  }
0x47: {  	_ =	shalt  }
0x48: {  	_ =	shalt  }
0x49: {  	_ =	shalt  }
0x4a: {  	_ =	shalt  }
0x4b: {  	_ =	shalt  }
0x4c: {  	_ =	shalt  }
0x4d: {  	_ =	shalt  }
0x4e: {  	_ =	shalt  }
0x4f: {  	_ =	shalt  }
0x50: {  	_ =	shalt  }
0x51: {  	_ =	shalt  }
0x52: {  	_ =	shalt  }
0x53: {  	_ =	shalt  }
0x54: {  	_ =	shalt  }
0x55: {  	_ =	shalt  }
0x56: {  	_ =	shalt  }
0x57: {  	_ =	shalt  }
0x58: {  	_ =	shalt  }
0x59: {  	_ =	shalt  }
0x5a: {  	_ =	shalt  }
0x5b: {  	_ =	shalt  }
0x5c: {  	_ =	shalt  }
0x5d: {  	_ =	shalt  }
0x5e: {  	_ =	shalt  }
0x5f: {  	_ =	shalt  }
0x60: {  	_ =	shalt  }
0x61: {  	_ =	shalt  }
0x62: {  	_ =	shalt  }
0x63: {  	_ =	shalt  }
0x64: {  	_ =	shalt  }
0x65: {  	_ =	shalt  }
0x66: {  	_ =	shalt  }
0x67: {  	_ =	shalt  }
0x68: {  	_ =	shalt  }
0x69: {  	_ =	shalt  }
0x6a: {  	_ =	shalt  }
0x6b: {  	_ =	shalt  }
0x6c: {  	_ =	shalt  }
0x6d: {  	_ =	shalt  }
0x6e: {  	_ =	shalt  }
0x6f: {  	_ =	shalt  }
0x70: {  	_ =	shalt  }
0x71: {  	_ =	shalt  }
0x72: {  	_ =	shalt  }
0x73: {  	_ =	shalt  }
0x74: {  	_ =	shalt  }
0x75: {  	_ =	shalt  }
0x76: {  	_ =	shalt  }
0x77: {  	_ =	shalt  }
0x78: {  	_ =	shalt  }
0x79: {  	_ =	shalt  }
0x7a: {  	_ =	shalt  }
0x7b: {  	_ =	shalt  }
0x7c: {  	_ =	shalt  }
0x7d: {  	_ =	shalt  }
0x7e: {  	_ =	shalt  }
0x7f: {  	_ =	shalt  }
0x80: {  	_ =	shalt  }
0x81: {  	_ =	shalt  }
0x82: {  	_ =	shalt  }
0x83: {  	_ =	shalt  }
0x84: {  	_ =	shalt  }
0x85: {  	_ =	shalt  }
0x86: {  	_ =	shalt  }
0x87: {  	_ =	shalt  }
.Lfunc_end0:
.L_simem_size_0:
called_computation_lowered:
.L_overlay_start_0:
0x88: {  	s2 =	sld [smem:$0x3FD9]  }
0x89: {  	s3 =	sld [smem:$0x3FFE];
	_ =	sdelay $0x1  }
0x8a: {  	s1 =	srdreg.scid  }
0x8b: {  	s0 =	sand.u32 $0x1, s1  }
0x8c: {  	s17 =	sshll.u32 s0, $0xA;
	s2 =	sadd.s32 s3, s2  }
0x8d: {  	s2 =	sadd.s32 s2, s17  }
0x8e: {  	[smem:$0x3FBC] =	sst s2  }
0x8f: {  	_ = 	snop  }
0x90: {  	s2 =	sld [smem:$0x3FC9];
	(tm) =	ssettm $0x1  }
0x91: {  	s18 =	sld [smem:$0x3FFB];
	_ =	sdelay $0x3  }
0x92: {  	_ =	strace s18  }
0x93: {  	s3 =	sld [smem:$0x3FFC];
	_ =	sdelay $0x3  }
0x94: {  	_ =	strace s3  }
0x95: {  	s3 =	sld [smem:$0x3FFD];
	_ =	sdelay $0x3  }
0x96: {  	_ =	strace s3  }
0x97: {  	_ =	strace $0x8FFFFFFF  }
0x98: {  	s19 =	sld [smem:$0x3FDB];
	_ =	sdelay $0x1  }
0x99: {  	s4 =	simm.s32 $_scs_section_size  }
0x9a: {  	s5 =	simm.s32 $_size__tile_overlayer_lowered;
	s6 =	simm.s32 $_tile_overlayer_lowered  }
0x9b: {  	s22 =	simm.s32 $0x1BFF;
	s21 =	sshll.u32 s6, $0x1;
	s3 =	sadd.s32 s4, s19  }
0x9c: {  	s7 =	simm.s32 $0x0;
	s20 =	sshll.u32 s5, $0x1;
	s5 =	sadd.s32 s21, s3  }
0x9d: {  	[timem:s7], [sflag:s22] =	dma.local [hbm:s5], s20  }
0x9e: {  	_ =	swait.ge [sflag:s22], s20  }
0x9f: {  	s4 =	ssub.s32 $0x0, s20;
	[sflag:s22] =	ssyncset.done $0x0  }
0xa0: {  	[sflag:s22] =	ssyncadd.s32 s4;
	_ =	sdelay $0x1  }
0xa1: {  	s23 =	simm.s32 $0x1B8B  }
0xa2: {  	_ =	swait.ge [sflag:s23], $0x1  }
0xa3: {  	[sflag:s23] =	ssyncset.done $0x0  }
0xa4: {  	s25 =	simm.s32 $0x1B8E;
	s24 =	sld [smem:$0x3FFE];
	[sflag:s23] =	ssyncadd.s32 $0xFFFFFFFF  }
0xa5: {  	s26 =	simm.s32 $execute0_lowered;
	[smem:$0x3FD2] =	sst s25  }
0xa6: {  	s5 =	sshll.u32 s26, $0x1;
	_ =	strace $0x80000046;
	[dreg:$0x1] =	wrdreg $0xFFFFFFFF  }
0xa7: {  	s28 =	simm.s32 $_size_execute0_lowered;
	s3 =	sadd.s32 s3, s5;
	[dreg:$0x0] =	wrdreg $0x0  }
0xa8: {  	s5 =	sshll.u32 s28, $0x1;
	[dreg:$0x2] =	wrdreg s3  }
0xa9: {  	[dreg:$0x3] =	wrdreg s5  }
0xaa: {  	[dreg:$0x4] =	wrdreg $0xC0  }
0xab: {  	_ =	task [dreg:s7], $0x5FFFF  }
0xac: {  	[dreg:$0x1] =	wrdreg $0xFFFFFFFF  }
0xad: {  	[dreg:$0x0] =	wrdreg $0x60  }
0xae: {  	[dreg:$0x2] =	wrdreg s2  }
0xaf: {  	[dreg:$0x3] =	wrdreg s24  }
0xb0: {  	[dreg:$0x4] =	wrdreg $0x28000  }
0xb1: {  	[dreg:$0x5] =	wrdreg $0x160800  }
0xb2: {  	[dreg:$0x6] =	wrdreg $0x9  }
0xb3: {  	_ =	task.clear_ibuf [dreg:s7], $0x7FFFF;
	_ =	strace $0x90000046  }
0xb4: {  	s29 =	simm.s32 $0x9;
	_ =	strace $0x80000048  }
0xb5: {  	_ =	swait.ge [sflag:s29], $0x1  }
0xb6: {  	[sflag:s29] =	ssyncadd.s32 $0xFFFFFFFF  }
0xb7: {  	_ =	strace $0x90000048  }
0xb8: {  	_ =	sfence  }
0xb9: {  	s30 =	sld [smem:$0x0];
	_ =	sdelay $0x2  }
0xba: {  	s31 =	sshll.u32 s1, $0xD;
	s1 =	sshrl.u32 s1, $0x2  }
0xbb: {  	s3 =	sand.u32 $0x4000, s31;
	s1 =	sadd.s32 s1, s30  }
0xbc: {  	s0 =	sor.u32 s3, s0;
	s1 =	sshll.u32 s1, $0x11  }
0xbd: {  	s0 =	sor.u32 s1, s0  }
0xbe: {  	s0 =	sadd.s32 $0x8F2B, s0  }
0xbf: {  	[sflag:s0] =	ssyncadd.remote.s32 $0x1  }
0xc0: {  	_ =	sfence.sel $0xFFFF  }
0xc1: {  	[dreg:$0x0] =	wrdreg $0xFFFFFFFF;
	(pc) =	sbr.abs _section_cstart, $3  }
0xc2: {  	[dreg:$0x1] =	wrdreg $0xFFFFFFFF  }
0xc3: {  	_ =	task.clear_ibuf [dreg:s7], $0x2FFFF;
	_ =	strace $0x9FFFFFFF  }
0xc4: {  	(tm) =	ssettm $0x7FFFFFFF  }
0xc5: {  	_ =	shalt  }
tec
execute0_lowered:
.L_overlay_start_1:
0x0: {  	(tag) =	ssettag $0x1  }
0x1: {  	s0 =	rddreg [dreg:$0x0]  }
0x2: {  	s1 =	rddreg [dreg:$0x1]  }
0x3: {  	s2 =	rddreg [dreg:$0x2]  }
0x4: {  	s3 =	rddreg [dreg:$0x3]  }
0x5: {  	s12 =	stileid.u32;
	s5 =	srdreg.scid;
	s4 =	simm.s32 $0x0  }
0x6: {  	s18 =	simm.s32 $0x400;
	s19 =	simm.s32 $0x20;
	s28 =	simm.s32 $0x180  }
0x7: {  	s29 =	simm.s32 $0x500;
	s30 =	simm.s32 $0x200;
	s6 =	smul.u32 $0x140, s12  }
0x8: {  	s31 =	simm.s32 $0x580;
	s5 =	sand.u32 $0x1, s5;
	s8 =	smul.u32 $0x2780, s12  }
0x9: {  	[smem:$0x7FF] =	sst s4;
	p0 =	seq.s32 s12, $0xF;
	s10 =	smul.u32 $0x278, s12  }
0xa: {  	s15 =	sadd.s32 $0x1388, s12;
	s21 =	sshll.u32 s12, $0x6;
	s7 =	smul.u32 $0x1388, s5  }
0xb: {  	_ =	strace $0x80000047;
	s5 =	ssub.s32 $0x2, s5;
	s22 =	sor.u32 $0x1C03, s21  }
0xc: {  	s21 =	simm.s32 $0x80;
	v1 =	vmov s15;
	s15 =	simm.s32 $0x780;
	s6 =	simm.s32 @p0 $0x1248  }
0xd: {  	s8 =	sadd.s32 s8, s1;
	s11 =	sshrl.u32 s5, $0x1;
	s10 =	simm.s32 @p0 $0x2498  }
0xe: {  	[dreg:$0x6] =	wrdreg s22;
	s22 =	simm.s32 $0x1800;
	s9 =	sadd.s32 s7, s6  }
0xf: {  	s5 =	ssub.s32 s5, s11;
	s20 =	sshll.u32 s10, $0x7;
	s10 =	sshll.u32 s10, $0x4  }
0x10: {  	s6 =	sshll.u32 s6, $0x7;
	s11 =	sadd.s32 $0x51E00, s8;
	s12 =	sadd.s32 $0x2E00, s8  }
0x11: {  	s13 =	sadd.s32 $0x79600, s8;
	s14 =	sadd.s32 $0x2A600, s8;
	s8 =	simm.s32 $0x680  }
0x12: {  	v0 =	vmov s7;
	s7 =	simm.s32 $0x0;
	s9 =	sshll.u32 s9, $0x4;
	s16 =	sadd.s32 s20, s2  }
0x13: {  	s10 =	sadd.s32 s0, s10;
	s6 =	sadd.s32 s6, s3;
	s25 =	smax.u32 s5, $0x1  }
0x14: {  	s20 =	simm.s32 $0x800;
	s5 =	simm.s32 $0x300;
	[dreg:$0x5] =	wrdreg s10  }
0x15: {  	s1 =	sadd.s32 s9, s1;
	s0 =	sadd.s32 s0, s9;
	[dreg:$0xa] =	wrdreg s25  }
0x16: {  	s26 =	sshrl.u32 s16, $0x3;
	s16 =	simm.s32 $0x3;
	s17 =	sshrl.u32 s6, $0x3  }
0x17: {  	s25 =	simm.s32 $0x2;
	s9 =	simm.s32 $0x380;
	[dreg:$0x7] =	wrdreg s0  }
0x18: {  	s10 =	simm.s32 $0x700;
	s23 =	sadd.s32 $0xA0E00, s1;
	[dreg:$0xb] =	wrdreg s26  }
0x19: {  	s24 =	sadd.s32 $0xC7F00, s1;
	s26 =	simm.s32 $0x480;
	[dreg:$0xc] =	wrdreg s17  }
0x1a: {  	s0 =	simm.s32 $0x280;
	s1 =	simm.s32 $0x600;
	[dreg:$0x8] =	wrdreg s23  }
0x1b: {  	[dreg:$0x9] =	wrdreg s24;
	s23 =	simm.s32 $0x1;
	s24 =	simm.s32 $0x100  }
.LBB2_1:
0x1c: {  	[dreg:$0xd] =	wrdreg s7  }
0x1d: {  	s6 =	rddreg [dreg:$0x5]  }
0x1e: {  	s7 =	rddreg [dreg:$0xb]  }
0x1f: {  	s17 =	rddreg [dreg:$0x6]  }
0x20: {  	[spmem:s7], [sflag:s17] =	dma.local [hbm:s6], $0x2780  }
0x21: {  	_ =	swait.ge [sflag:s16], $0x2780  }
0x22: {  	[sflag:s16] =	ssyncset.done $0x0;
	s6 =	rddreg [dreg:$0x7]  }
0x23: {  	s7 =	rddreg [dreg:$0xc];
	[sflag:s16] =	ssyncadd.s32 $0xFFFFD880  }
0x24: {  	[spmem:s7], [sflag:s17] =	dma.local [hbm:s6], $0x1400  }
0x25: {  	_ =	swait.ge [sflag:s16], $0x1400  }
0x26: {  	[sflag:s16] =	ssyncset.done $0x0  }
0x27: {  	[sflag:s16] =	ssyncadd.s32 $0xFFFFEC00  }
0x28: {  	s7 =	sadd.s32 $0x0, s12;
	[bflag:$0x0] =	sbarrier.arrive $0xFFFF  }
0x29: {  	[tilespmem:s4], [sflag:$0x3] =	stream.linear.gather [hbm4b:s7+s4], $0x400, $0x38;
	[tilespmem:$0x1FD40] =	vst v63  }
0x2a: {  	_ =	swait.ge [sflag:s16], $0x400  }
0x2b: {  	[sflag:s16] =	ssyncset.done $0x0  }
0x2c: {  	s17 =	sadd.s32 $0x0, s11;
	[sflag:s16] =	ssyncadd.s32 $0xFFFFFC00  }
0x2d: {  	[tilespmem:s18], [sflag:$0x3] =	stream.linear.gather [hbm4b:s17+s4], $0x400, $0x38;
	[tilespmem:$0x1FD40] =	vst v63  }
0x2e: {  	_ =	swait.ge [sflag:s16], $0x400  }
0x2f: {  	[sflag:s16] =	ssyncset.done $0x0  }
0x30: {  	[sflag:s16] =	ssyncadd.s32 $0xFFFFFC00  }
0x31: {  	v2 =	vld [tilespmem:$0x480]  }
0x32: {  	v3 =	vld [tilespmem:$0x410]  }
0x33: {  	v4 =	vld [tilespmem:$0x490]  }
0x34: {  	v5 =	vld [tilespmem:$0x590]  }
0x35: {  	v6 =	vld [tilespmem:$0x600]  }
0x36: {  	v7 =	vld [tilespmem:$0x580];
	v2 =	vsub.s32 v2, v0  }
0x37: {  	v8 =	vld [tilespmem:$0x400];
	v3 =	vsub.s32 v3, v0;
	vm0 =	vlt.u32 v2, $0x1388  }
0x38: {  	v56 =	vld [tilespmem:$0x680];
	v4 =	vsub.s32 v4, v0;
	vm1 =	vlt.u32 v3, $0x1388;
	v2 =	vsel vm0, v2, v1  }
0x39: {  	v9 =	vld [tilespmem:$0x700];
	vm14 =	vlt.u32 v4, $0x1388;
	v3 =	vsel vm1, v3, v1;
	[tilespmem:$0x480] =	vst v2;
	v2 =	vsub.s32 v5, v0  }
0x3a: {  	v55 =	vld [tilespmem:$0x710];
	v4 =	vsel vm14, v4, v1;
	[tilespmem:$0x410] =	vst v3;
	v3 =	vsub.s32 v6, v0;
	vm15 =	vlt.u32 v2, $0x1388  }
0x3b: {  	v57 =	vld [tilespmem:$0x790];
	v7 =	vsub.s32 v7, v0;
	[tilespmem:$0x490] =	vst v4;
	vm4 =	vlt.u32 v3, $0x1388;
	v2 =	vsel vm15, v2, v1  }
0x3c: {  	v10 =	vld [tilespmem:$0x510];
	v8 =	vsub.s32 v8, v0;
	vm5 =	vlt.u32 v7, $0x1388;
	[tilespmem:$0x590] =	vst v2;
	v2 =	vsel vm4, v3, v1  }
0x3d: {  	v58 =	vld [tilespmem:$0x780];
	vm6 =	vlt.u32 v8, $0x1388;
	v6 =	vsub.s32 v56, v0;
	v3 =	vsel vm5, v7, v1;
	[tilespmem:$0x600] =	vst v2  }
0x3e: {  	v8 =	vsel vm6, v8, v1;
	vm9 =	vlt.u32 v6, $0x1388;
	v2 =	vsub.s32 v9, v0;
	[tilespmem:$0x580] =	vst v3;
	v3 =	vld [tilespmem:$0x690]  }
0x3f: {  	v59 =	vld [tilespmem:$0x610];
	v5 =	vsub.s32 v55, v0;
	[tilespmem:$0x400] =	vst v8;
	v6 =	vsel vm9, v6, v1;
	vm7 =	vlt.u32 v2, $0x1388  }
0x40: {  	v60 =	vld [tilespmem:$0x500];
	v4 =	vsub.s32 v57, v0;
	vm8 =	vlt.u32 v5, $0x1388;
	[tilespmem:$0x680] =	vst v6;
	v2 =	vsel vm7, v2, v1  }
0x41: {  	v61 =	vsub.s32 v10, v0;
	vm10 =	vlt.u32 v4, $0x1388;
	[tilespmem:$0x700] =	vst v2;
	v2 =	vsel vm8, v5, v1  }
0x42: {  	vm11 =	vlt.u32 v61, $0x1388;
	v4 =	vsel vm10, v4, v1;
	[tilespmem:$0x710] =	vst v2;
	v2 =	vsub.s32 v58, v0  }
0x43: {  	[tilespmem:$0x790] =	vst v4;
	v5 =	vsel vm11, v61, v1;
	v3 =	vsub.s32 v3, v0;
	vm12 =	vlt.u32 v2, $0x1388  }
0x44: {  	v62 =	vsub.s32 v59, v0;
	[tilespmem:$0x510] =	vst v5;
	vm13 =	vlt.u32 v3, $0x1388;
	v2 =	vsel vm12, v2, v1  }
0x45: {  	v63 =	vsub.s32 v60, v0;
	vm14 =	vlt.u32 v62, $0x1388;
	v3 =	vsel vm13, v3, v1;
	[tilespmem:$0x780] =	vst v2  }
0x46: {  	vm15 =	vlt.u32 v63, $0x1388;
	v2 =	vsel vm14, v62, v1;
	[tilespmem:$0x690] =	vst v3  }
0x47: {  	v3 =	vsel vm15, v63, v1;
	[tilespmem:$0x610] =	vst v2  }
0x48: {  	[tilespmem:$0x500] =	vst v3  }
0x49: {  	[tilespmem:s20], [sflag:$0x1] =	stream.indirect.gather [spmem:s2], $0x80, s4, s19, $0xb8;
	[tilespmem:$0x1FD40] =	vst v63  }
0x4a: {  	_ = 	snop  }
0x4b: {  	[tilespmem:s22], [sflag:$0x2] =	stream.indirect.gather [spmem:s2], $0x80, s21, s19, $0xb8;
	[tilespmem:$0x1FD40] =	vst v63  }
0x4c: {  	_ =	swait.ge [sflag:s23], $0x1000  }
0x4d: {  	[sflag:s23] =	ssyncset.done $0x0  }
0x4e: {  	[sflag:s23] =	ssyncadd.s32 $0xFFFFF000  }
0x4f: {  	[spmem:s3] =	stream.indirect.scatter.add.f32 [tilespmem:s20], [sflag:$0x3], $0x80, s18, s19, $0xb8;
	[tilespmem:$0x1FD40] =	vst v63  }
0x50: {  	_ =	swait.ge [sflag:s16], $0x1000  }
0x51: {  	[sflag:s16] =	ssyncset.done $0x0  }
0x52: {  	[sflag:s16] =	ssyncadd.s32 $0xFFFFF000  }
0x53: {  	[tilespmem:s20], [sflag:$0x1] =	stream.indirect.gather [spmem:s2], $0x80, s24, s19, $0xb8;
	[tilespmem:$0x1FD40] =	vst v63  }
0x54: {  	_ =	swait.ge [sflag:s25], $0x1000  }
0x55: {  	[sflag:s25] =	ssyncset.done $0x0  }
0x56: {  	[sflag:s25] =	ssyncadd.s32 $0xFFFFF000  }
0x57: {  	[spmem:s3] =	stream.indirect.scatter.add.f32 [tilespmem:s22], [sflag:$0x3], $0x80, s26, s19, $0xb8;
	[tilespmem:$0x1FD40] =	vst v63  }
0x58: {  	_ =	swait.ge [sflag:s16], $0x1000  }
0x59: {  	[sflag:s16] =	ssyncset.done $0x0  }
0x5a: {  	[sflag:s16] =	ssyncadd.s32 $0xFFFFF000  }
0x5b: {  	[tilespmem:s22], [sflag:$0x2] =	stream.indirect.gather [spmem:s2], $0x80, s28, s19, $0xb8;
	[tilespmem:$0x1FD40] =	vst v63  }
0x5c: {  	_ =	swait.ge [sflag:s23], $0x1000  }
0x5d: {  	[sflag:s23] =	ssyncset.done $0x0  }
0x5e: {  	[sflag:s23] =	ssyncadd.s32 $0xFFFFF000  }
0x5f: {  	[spmem:s3] =	stream.indirect.scatter.add.f32 [tilespmem:s20], [sflag:$0x3], $0x80, s29, s19, $0xb8;
	[tilespmem:$0x1FD40] =	vst v63  }
0x60: {  	_ =	swait.ge [sflag:s16], $0x1000  }
0x61: {  	[sflag:s16] =	ssyncset.done $0x0  }
0x62: {  	[sflag:s16] =	ssyncadd.s32 $0xFFFFF000  }
0x63: {  	[tilespmem:s20], [sflag:$0x1] =	stream.indirect.gather [spmem:s2], $0x80, s30, s19, $0xb8;
	[tilespmem:$0x1FD40] =	vst v63  }
0x64: {  	s17 =	simm.s32 $0x80;
	_ =	swait.ge [sflag:s25], $0x1000  }
.LBB2_2:
0x65: {  	p0 =	sne.s32 s17, $0x2700  }
0x66: {  	[sflag:s25] =	ssyncset.done $0x0;
	s6 =	smov.u32 s17;
	s17 =	sadd.s32 $0x80, s17  }
0x67: {  	[sflag:s25] =	ssyncadd.s32 $0xFFFFF000  }
0x68: {  	[spmem:s3] =	stream.indirect.scatter.add.f32 [tilespmem:s22], [sflag:$0x3], $0x80, s31, s19, $0xb8;
	[tilespmem:$0x1FD40] =	vst v63  }
0x69: {  	_ =	swait.ge [sflag:s16], $0x1000  }
0x6a: {  	[sflag:s16] =	ssyncset.done $0x0  }
0x6b: {  	[sflag:s16] =	ssyncadd.s32 $0xFFFFF000  }
0x6c: {  	[tilespmem:s22], [sflag:$0x2] =	stream.indirect.gather [spmem:s2], $0x80, s0, s19, $0xb8;
	[tilespmem:$0x1FD40] =	vst v63  }
0x6d: {  	_ =	swait.ge [sflag:s23], $0x1000  }
0x6e: {  	[sflag:s23] =	ssyncset.done $0x0  }
0x6f: {  	[sflag:s23] =	ssyncadd.s32 $0xFFFFF000  }
0x70: {  	[spmem:s3] =	stream.indirect.scatter.add.f32 [tilespmem:s20], [sflag:$0x3], $0x80, s1, s19, $0xb8;
	[tilespmem:$0x1FD40] =	vst v63  }
0x71: {  	_ =	swait.ge [sflag:s16], $0x1000  }
0x72: {  	[sflag:s16] =	ssyncset.done $0x0  }
0x73: {  	[sflag:s16] =	ssyncadd.s32 $0xFFFFF000  }
0x74: {  	[tilespmem:s20], [sflag:$0x1] =	stream.indirect.gather [spmem:s2], $0x80, s5, s19, $0xb8;
	[tilespmem:$0x1FD40] =	vst v63  }
0x75: {  	_ =	swait.ge [sflag:s25], $0x1000  }
0x76: {  	[sflag:s25] =	ssyncset.done $0x0  }
0x77: {  	[sflag:s25] =	ssyncadd.s32 $0xFFFFF000  }
0x78: {  	[spmem:s3] =	stream.indirect.scatter.add.f32 [tilespmem:s22], [sflag:$0x3], $0x80, s8, s19, $0xb8;
	[tilespmem:$0x1FD40] =	vst v63  }
0x79: {  	_ =	swait.ge [sflag:s16], $0x1000  }
0x7a: {  	[sflag:s16] =	ssyncset.done $0x0  }
0x7b: {  	[sflag:s16] =	ssyncadd.s32 $0xFFFFF000  }
0x7c: {  	[tilespmem:s22], [sflag:$0x2] =	stream.indirect.gather [spmem:s2], $0x80, s9, s19, $0xb8;
	[tilespmem:$0x1FD40] =	vst v63  }
0x7d: {  	_ =	swait.ge [sflag:s23], $0x1000  }
0x7e: {  	[sflag:s23] =	ssyncset.done $0x0  }
0x7f: {  	[sflag:s23] =	ssyncadd.s32 $0xFFFFF000  }
0x80: {  	[spmem:s3] =	stream.indirect.scatter.add.f32 [tilespmem:s20], [sflag:$0x3], $0x80, s10, s19, $0xb8;
	[tilespmem:$0x1FD40] =	vst v63  }
0x81: {  	_ =	swait.ge [sflag:s16], $0x1000  }
0x82: {  	[sflag:s16] =	ssyncset.done $0x0  }
0x83: {  	[sflag:s16] =	ssyncadd.s32 $0xFFFFF000  }
0x84: {  	_ =	swait.ge [sflag:s25], $0x1000  }
0x85: {  	[sflag:s25] =	ssyncset.done $0x0  }
0x86: {  	[sflag:s25] =	ssyncadd.s32 $0xFFFFF000  }
0x87: {  	[spmem:s3] =	stream.indirect.scatter.add.f32 [tilespmem:s22], [sflag:$0x3], $0x80, s15, s19, $0xb8;
	[tilespmem:$0x1FD40] =	vst v63  }
0x88: {  	_ =	swait.ge [sflag:s16], $0x1000  }
0x89: {  	[sflag:s16] =	ssyncset.done $0x0  }
0x8a: {  	s7 =	sadd.s32 s6, s12;
	[sflag:s16] =	ssyncadd.s32 $0xFFFFF000  }
0x8b: {  	[tilespmem:s4], [sflag:$0x3] =	stream.linear.gather [hbm4b:s7+s4], $0x400, $0x38;
	[tilespmem:$0x1FD40] =	vst v63  }
0x8c: {  	_ =	swait.ge [sflag:s16], $0x400  }
0x8d: {  	[sflag:s16] =	ssyncset.done $0x0  }
0x8e: {  	s6 =	sadd.s32 s6, s11;
	[sflag:s16] =	ssyncadd.s32 $0xFFFFFC00  }
0x8f: {  	[tilespmem:s18], [sflag:$0x3] =	stream.linear.gather [hbm4b:s6+s4], $0x400, $0x38;
	[tilespmem:$0x1FD40] =	vst v63  }
0x90: {  	_ =	swait.ge [sflag:s16], $0x400  }
0x91: {  	[sflag:s16] =	ssyncset.done $0x0  }
0x92: {  	[sflag:s16] =	ssyncadd.s32 $0xFFFFFC00  }
0x93: {  	v2 =	vld [tilespmem:$0x480]  }
0x94: {  	v3 =	vld [tilespmem:$0x490]  }
0x95: {  	v4 =	vld [tilespmem:$0x410]  }
0x96: {  	v5 =	vld [tilespmem:$0x600]  }
0x97: {  	v6 =	vld [tilespmem:$0x590]  }
0x98: {  	v7 =	vld [tilespmem:$0x580]  }
0x99: {  	v2 =	vsub.s32 v2, v0;
	v8 =	vld [tilespmem:$0x400]  }
0x9a: {  	vm0 =	vlt.u32 v2, $0x1388;
	v3 =	vsub.s32 v3, v0;
	v4 =	vsub.s32 v4, v0  }
0x9b: {  	v2 =	vsel vm0, v2, v1;
	vm0 =	vlt.u32 v3, $0x1388;
	vm1 =	vlt.u32 v4, $0x1388;
	v9 =	vld [tilespmem:$0x700]  }
0x9c: {  	v4 =	vsel vm1, v4, v1;
	[tilespmem:$0x480] =	vst v2;
	v2 =	vsel vm0, v3, v1;
	v3 =	vsub.s32 v6, v0;
	v6 =	vld [tilespmem:$0x710]  }
0x9d: {  	v5 =	vsub.s32 v5, v0;
	[tilespmem:$0x410] =	vst v4;
	v4 =	vsub.s32 v7, v0;
	vm0 =	vlt.u32 v3, $0x1388;
	v7 =	vld [tilespmem:$0x680]  }
0x9e: {  	v8 =	vsub.s32 v8, v0;
	[tilespmem:$0x490] =	vst v2;
	v2 =	vsel vm0, v3, v1;
	vm0 =	vlt.u32 v5, $0x1388;
	v3 =	vld [tilespmem:$0x790]  }
0x9f: {  	vm2 =	vlt.u32 v4, $0x1388;
	vm1 =	vlt.u32 v8, $0x1388;
	v10 =	vld [tilespmem:$0x510];
	[tilespmem:$0x590] =	vst v2;
	v2 =	vsel vm0, v5, v1  }
0xa0: {  	v4 =	vsel vm2, v4, v1;
	v5 =	vsel vm1, v8, v1;
	[tilespmem:$0x600] =	vst v2;
	v2 =	vsub.s32 v9, v0;
	v8 =	vld [tilespmem:$0x780]  }
0xa1: {  	[tilespmem:$0x580] =	vst v4;
	v4 =	vld [tilespmem:$0x690];
	vm0 =	vlt.u32 v2, $0x1388;
	v6 =	vsub.s32 v6, v0  }
0xa2: {  	[tilespmem:$0x400] =	vst v5;
	v5 =	vld [tilespmem:$0x610];
	v7 =	vsub.s32 v7, v0;
	v2 =	vsel vm0, v2, v1;
	vm0 =	vlt.u32 v6, $0x1388  }
0xa3: {  	v9 =	vld [tilespmem:$0x500];
	vm1 =	vlt.u32 v7, $0x1388;
	[tilespmem:$0x700] =	vst v2;
	v2 =	vsel vm0, v6, v1;
	v3 =	vsub.s32 v3, v0  }
0xa4: {  	v6 =	vsub.s32 v10, v0;
	v7 =	vsel vm1, v7, v1;
	[tilespmem:$0x710] =	vst v2;
	vm0 =	vlt.u32 v3, $0x1388  }
0xa5: {  	vm1 =	vlt.u32 v6, $0x1388;
	[tilespmem:$0x680] =	vst v7;
	v2 =	vsub.s32 v8, v0;
	v3 =	vsel vm0, v3, v1  }
0xa6: {  	v6 =	vsel vm1, v6, v1;
	v4 =	vsub.s32 v4, v0;
	vm0 =	vlt.u32 v2, $0x1388;
	[tilespmem:$0x790] =	vst v3  }
0xa7: {  	[tilespmem:$0x510] =	vst v6;
	v3 =	vsub.s32 v5, v0;
	vm1 =	vlt.u32 v4, $0x1388;
	v2 =	vsel vm0, v2, v1  }
0xa8: {  	v5 =	vsub.s32 v9, v0;
	vm0 =	vlt.u32 v3, $0x1388;
	v4 =	vsel vm1, v4, v1;
	[tilespmem:$0x780] =	vst v2  }
0xa9: {  	vm1 =	vlt.u32 v5, $0x1388;
	v2 =	vsel vm0, v3, v1;
	[tilespmem:$0x690] =	vst v4  }
0xaa: {  	v3 =	vsel vm1, v5, v1;
	[tilespmem:$0x610] =	vst v2  }
0xab: {  	[tilespmem:$0x500] =	vst v3  }
0xac: {  	[tilespmem:s20], [sflag:$0x1] =	stream.indirect.gather [spmem:s2], $0x80, s4, s19, $0xb8;
	[tilespmem:$0x1FD40] =	vst v63  }
0xad: {  	_ = 	snop  }
0xae: {  	[tilespmem:s22], [sflag:$0x2] =	stream.indirect.gather [spmem:s2], $0x80, s21, s19, $0xb8;
	[tilespmem:$0x1FD40] =	vst v63  }
0xaf: {  	_ =	swait.ge [sflag:s23], $0x1000  }
0xb0: {  	[sflag:s23] =	ssyncset.done $0x0  }
0xb1: {  	[sflag:s23] =	ssyncadd.s32 $0xFFFFF000  }
0xb2: {  	[spmem:s3] =	stream.indirect.scatter.add.f32 [tilespmem:s20], [sflag:$0x3], $0x80, s18, s19, $0xb8;
	[tilespmem:$0x1FD40] =	vst v63  }
0xb3: {  	_ =	swait.ge [sflag:s16], $0x1000  }
0xb4: {  	[sflag:s16] =	ssyncset.done $0x0  }
0xb5: {  	[sflag:s16] =	ssyncadd.s32 $0xFFFFF000  }
0xb6: {  	[tilespmem:s20], [sflag:$0x1] =	stream.indirect.gather [spmem:s2], $0x80, s24, s19, $0xb8;
	[tilespmem:$0x1FD40] =	vst v63  }
0xb7: {  	_ =	swait.ge [sflag:s25], $0x1000  }
0xb8: {  	[sflag:s25] =	ssyncset.done $0x0  }
0xb9: {  	[sflag:s25] =	ssyncadd.s32 $0xFFFFF000  }
0xba: {  	[spmem:s3] =	stream.indirect.scatter.add.f32 [tilespmem:s22], [sflag:$0x3], $0x80, s26, s19, $0xb8;
	[tilespmem:$0x1FD40] =	vst v63  }
0xbb: {  	_ =	swait.ge [sflag:s16], $0x1000  }
0xbc: {  	[sflag:s16] =	ssyncset.done $0x0  }
0xbd: {  	[sflag:s16] =	ssyncadd.s32 $0xFFFFF000  }
0xbe: {  	[tilespmem:s22], [sflag:$0x2] =	stream.indirect.gather [spmem:s2], $0x80, s28, s19, $0xb8;
	[tilespmem:$0x1FD40] =	vst v63  }
0xbf: {  	_ =	swait.ge [sflag:s23], $0x1000  }
0xc0: {  	[sflag:s23] =	ssyncset.done $0x0  }
0xc1: {  	[sflag:s23] =	ssyncadd.s32 $0xFFFFF000  }
0xc2: {  	[spmem:s3] =	stream.indirect.scatter.add.f32 [tilespmem:s20], [sflag:$0x3], $0x80, s29, s19, $0xb8;
	[tilespmem:$0x1FD40] =	vst v63  }
.Ltmp0:
0xc3: {  	_ =	swait.ge [sflag:s16], $0x1000;
	(pc) =	sbr.rel @p0 .LBB2_2-.Ltmp0, $4  }
0xc4: {  	[sflag:s16] =	ssyncset.done $0x0  }
0xc5: {  	[sflag:s16] =	ssyncadd.s32 $0xFFFFF000  }
0xc6: {  	[tilespmem:s20], [sflag:$0x1] =	stream.indirect.gather [spmem:s2], $0x80, s30, s19, $0xb8;
	[tilespmem:$0x1FD40] =	vst v63  }
0xc7: {  	_ =	swait.ge [sflag:s25], $0x1000  }
0xc8: {  	[sflag:s25] =	ssyncset.done $0x0  }
0xc9: {  	[sflag:s25] =	ssyncadd.s32 $0xFFFFF000  }
0xca: {  	[spmem:s3] =	stream.indirect.scatter.add.f32 [tilespmem:s22], [sflag:$0x3], $0x80, s31, s19, $0xb8;
	[tilespmem:$0x1FD40] =	vst v63  }
0xcb: {  	_ =	swait.ge [sflag:s16], $0x1000  }
0xcc: {  	[sflag:s16] =	ssyncset.done $0x0  }
0xcd: {  	[sflag:s16] =	ssyncadd.s32 $0xFFFFF000  }
0xce: {  	[tilespmem:s22], [sflag:$0x2] =	stream.indirect.gather [spmem:s2], $0x80, s0, s19, $0xb8;
	[tilespmem:$0x1FD40] =	vst v63  }
0xcf: {  	_ =	swait.ge [sflag:s23], $0x1000  }
0xd0: {  	[sflag:s23] =	ssyncset.done $0x0  }
0xd1: {  	[sflag:s23] =	ssyncadd.s32 $0xFFFFF000  }
0xd2: {  	[spmem:s3] =	stream.indirect.scatter.add.f32 [tilespmem:s20], [sflag:$0x3], $0x80, s1, s19, $0xb8;
	[tilespmem:$0x1FD40] =	vst v63  }
0xd3: {  	_ =	swait.ge [sflag:s16], $0x1000  }
0xd4: {  	[sflag:s16] =	ssyncset.done $0x0  }
0xd5: {  	[sflag:s16] =	ssyncadd.s32 $0xFFFFF000  }
0xd6: {  	[tilespmem:s20], [sflag:$0x1] =	stream.indirect.gather [spmem:s2], $0x80, s5, s19, $0xb8;
	[tilespmem:$0x1FD40] =	vst v63  }
0xd7: {  	_ =	swait.ge [sflag:s25], $0x1000  }
0xd8: {  	[sflag:s25] =	ssyncset.done $0x0  }
0xd9: {  	[sflag:s25] =	ssyncadd.s32 $0xFFFFF000  }
0xda: {  	[spmem:s3] =	stream.indirect.scatter.add.f32 [tilespmem:s22], [sflag:$0x3], $0x80, s8, s19, $0xb8;
	[tilespmem:$0x1FD40] =	vst v63  }
0xdb: {  	_ =	swait.ge [sflag:s16], $0x1000  }
0xdc: {  	[sflag:s16] =	ssyncset.done $0x0  }
0xdd: {  	[sflag:s16] =	ssyncadd.s32 $0xFFFFF000  }
0xde: {  	[tilespmem:s22], [sflag:$0x2] =	stream.indirect.gather [spmem:s2], $0x80, s9, s19, $0xb8;
	[tilespmem:$0x1FD40] =	vst v63  }
0xdf: {  	_ =	swait.ge [sflag:s23], $0x1000  }
0xe0: {  	[sflag:s23] =	ssyncset.done $0x0  }
0xe1: {  	[sflag:s23] =	ssyncadd.s32 $0xFFFFF000  }
0xe2: {  	[spmem:s3] =	stream.indirect.scatter.add.f32 [tilespmem:s20], [sflag:$0x3], $0x80, s10, s19, $0xb8;
	[tilespmem:$0x1FD40] =	vst v63  }
0xe3: {  	_ =	swait.ge [sflag:s16], $0x1000  }
0xe4: {  	[sflag:s16] =	ssyncset.done $0x0  }
0xe5: {  	[sflag:s16] =	ssyncadd.s32 $0xFFFFF000  }
0xe6: {  	_ =	swait.ge [sflag:s25], $0x1000  }
0xe7: {  	[sflag:s25] =	ssyncset.done $0x0  }
0xe8: {  	[sflag:s25] =	ssyncadd.s32 $0xFFFFF000  }
0xe9: {  	[spmem:s3] =	stream.indirect.scatter.add.f32 [tilespmem:s22], [sflag:$0x3], $0x80, s15, s19, $0xb8;
	[tilespmem:$0x1FD40] =	vst v63  }
0xea: {  	_ =	swait.ge [sflag:s16], $0x1000  }
0xeb: {  	[sflag:s16] =	ssyncset.done $0x0  }
0xec: {  	[sflag:s16] =	ssyncadd.s32 $0xFFFFF000  }
0xed: {  	[bflag:$0x0] =	sbarrier.arrive $0xFFFF  }
0xee: {  	s6 =	rddreg [dreg:$0x6]  }
0xef: {  	s7 =	rddreg [dreg:$0x8]  }
0xf0: {  	s17 =	rddreg [dreg:$0xc]  }
0xf1: {  	[hbm:s7], [sflag:s6] =	dma.local [spmem:s17], $0x1400  }
0xf2: {  	_ =	swait.ge [sflag:s16], $0x1400  }
0xf3: {  	[sflag:s16] =	ssyncset.done $0x0  }
0xf4: {  	[sflag:s16] =	ssyncadd.s32 $0xFFFFEC00  }
0xf5: {  	[bflag:$0x0] =	sbarrier.arrive $0xFFFF  }
0xf6: {  	s7 =	rddreg [dreg:$0x7]  }
0xf7: {  	[spmem:s17], [sflag:s6] =	dma.local [hbm:s7], $0x1400  }
0xf8: {  	_ =	swait.ge [sflag:s16], $0x1400  }
0xf9: {  	[sflag:s16] =	ssyncset.done $0x0  }
0xfa: {  	[sflag:s16] =	ssyncadd.s32 $0xFFFFEC00  }
0xfb: {  	s7 =	sadd.s32 $0x0, s14;
	[bflag:$0x0] =	sbarrier.arrive $0xFFFF  }
0xfc: {  	[tilespmem:s4], [sflag:$0x3] =	stream.linear.gather [hbm4b:s7+s4], $0x400, $0x38;
	[tilespmem:$0x1FD40] =	vst v63  }
0xfd: {  	_ =	swait.ge [sflag:s16], $0x400  }
0xfe: {  	[sflag:s16] =	ssyncset.done $0x0  }
0xff: {  	s17 =	sadd.s32 $0x0, s13;
	[sflag:s16] =	ssyncadd.s32 $0xFFFFFC00  }
0x100: {  	[tilespmem:s18], [sflag:$0x3] =	stream.linear.gather [hbm4b:s17+s4], $0x400, $0x38;
	[tilespmem:$0x1FD40] =	vst v63  }
0x101: {  	_ =	swait.ge [sflag:s16], $0x400  }
0x102: {  	[sflag:s16] =	ssyncset.done $0x0  }
0x103: {  	[sflag:s16] =	ssyncadd.s32 $0xFFFFFC00  }
0x104: {  	v2 =	vld [tilespmem:$0x480]  }
0x105: {  	v3 =	vld [tilespmem:$0x410]  }
0x106: {  	v4 =	vld [tilespmem:$0x490]  }
0x107: {  	v5 =	vld [tilespmem:$0x590]  }
0x108: {  	v6 =	vld [tilespmem:$0x600]  }
0x109: {  	v7 =	vld [tilespmem:$0x580];
	v2 =	vsub.s32 v2, v0  }
0x10a: {  	v8 =	vld [tilespmem:$0x400];
	v3 =	vsub.s32 v3, v0;
	vm0 =	vlt.u32 v2, $0x1388  }
0x10b: {  	v56 =	vld [tilespmem:$0x680];
	v4 =	vsub.s32 v4, v0;
	vm1 =	vlt.u32 v3, $0x1388;
	v2 =	vsel vm0, v2, v1  }
0x10c: {  	v9 =	vld [tilespmem:$0x700];
	vm14 =	vlt.u32 v4, $0x1388;
	v3 =	vsel vm1, v3, v1;
	[tilespmem:$0x480] =	vst v2;
	v2 =	vsub.s32 v5, v0  }
0x10d: {  	v55 =	vld [tilespmem:$0x710];
	v4 =	vsel vm14, v4, v1;
	[tilespmem:$0x410] =	vst v3;
	v3 =	vsub.s32 v6, v0;
	vm15 =	vlt.u32 v2, $0x1388  }
0x10e: {  	v57 =	vld [tilespmem:$0x790];
	v7 =	vsub.s32 v7, v0;
	[tilespmem:$0x490] =	vst v4;
	vm4 =	vlt.u32 v3, $0x1388;
	v2 =	vsel vm15, v2, v1  }
0x10f: {  	v10 =	vld [tilespmem:$0x510];
	v8 =	vsub.s32 v8, v0;
	vm5 =	vlt.u32 v7, $0x1388;
	[tilespmem:$0x590] =	vst v2;
	v2 =	vsel vm4, v3, v1  }
0x110: {  	v58 =	vld [tilespmem:$0x780];
	vm6 =	vlt.u32 v8, $0x1388;
	v6 =	vsub.s32 v56, v0;
	v3 =	vsel vm5, v7, v1;
	[tilespmem:$0x600] =	vst v2  }
0x111: {  	v8 =	vsel vm6, v8, v1;
	vm9 =	vlt.u32 v6, $0x1388;
	v2 =	vsub.s32 v9, v0;
	[tilespmem:$0x580] =	vst v3;
	v3 =	vld [tilespmem:$0x690]  }
0x112: {  	v59 =	vld [tilespmem:$0x610];
	v5 =	vsub.s32 v55, v0;
	[tilespmem:$0x400] =	vst v8;
	v6 =	vsel vm9, v6, v1;
	vm7 =	vlt.u32 v2, $0x1388  }
0x113: {  	v60 =	vld [tilespmem:$0x500];
	v4 =	vsub.s32 v57, v0;
	vm8 =	vlt.u32 v5, $0x1388;
	[tilespmem:$0x680] =	vst v6;
	v2 =	vsel vm7, v2, v1  }
0x114: {  	v61 =	vsub.s32 v10, v0;
	vm10 =	vlt.u32 v4, $0x1388;
	[tilespmem:$0x700] =	vst v2;
	v2 =	vsel vm8, v5, v1  }
0x115: {  	vm11 =	vlt.u32 v61, $0x1388;
	v4 =	vsel vm10, v4, v1;
	[tilespmem:$0x710] =	vst v2;
	v2 =	vsub.s32 v58, v0  }
0x116: {  	[tilespmem:$0x790] =	vst v4;
	v5 =	vsel vm11, v61, v1;
	v3 =	vsub.s32 v3, v0;
	vm12 =	vlt.u32 v2, $0x1388  }
0x117: {  	v62 =	vsub.s32 v59, v0;
	[tilespmem:$0x510] =	vst v5;
	vm13 =	vlt.u32 v3, $0x1388;
	v2 =	vsel vm12, v2, v1  }
0x118: {  	v63 =	vsub.s32 v60, v0;
	vm14 =	vlt.u32 v62, $0x1388;
	v3 =	vsel vm13, v3, v1;
	[tilespmem:$0x780] =	vst v2  }
0x119: {  	vm15 =	vlt.u32 v63, $0x1388;
	v2 =	vsel vm14, v62, v1;
	[tilespmem:$0x690] =	vst v3  }
0x11a: {  	v3 =	vsel vm15, v63, v1;
	[tilespmem:$0x610] =	vst v2  }
0x11b: {  	[tilespmem:$0x500] =	vst v3  }
0x11c: {  	[tilespmem:s20], [sflag:$0x1] =	stream.indirect.gather [spmem:s2], $0x80, s4, s19, $0xb8;
	[tilespmem:$0x1FD40] =	vst v63  }
0x11d: {  	_ = 	snop  }
0x11e: {  	[tilespmem:s22], [sflag:$0x2] =	stream.indirect.gather [spmem:s2], $0x80, s21, s19, $0xb8;
	[tilespmem:$0x1FD40] =	vst v63  }
0x11f: {  	_ =	swait.ge [sflag:s23], $0x1000  }
0x120: {  	[sflag:s23] =	ssyncset.done $0x0  }
0x121: {  	[sflag:s23] =	ssyncadd.s32 $0xFFFFF000  }
0x122: {  	[spmem:s3] =	stream.indirect.scatter.add.f32 [tilespmem:s20], [sflag:$0x3], $0x80, s18, s19, $0xb8;
	[tilespmem:$0x1FD40] =	vst v63  }
0x123: {  	_ =	swait.ge [sflag:s16], $0x1000  }
0x124: {  	[sflag:s16] =	ssyncset.done $0x0  }
0x125: {  	[sflag:s16] =	ssyncadd.s32 $0xFFFFF000  }
0x126: {  	[tilespmem:s20], [sflag:$0x1] =	stream.indirect.gather [spmem:s2], $0x80, s24, s19, $0xb8;
	[tilespmem:$0x1FD40] =	vst v63  }
0x127: {  	_ =	swait.ge [sflag:s25], $0x1000  }
0x128: {  	[sflag:s25] =	ssyncset.done $0x0  }
0x129: {  	[sflag:s25] =	ssyncadd.s32 $0xFFFFF000  }
0x12a: {  	[spmem:s3] =	stream.indirect.scatter.add.f32 [tilespmem:s22], [sflag:$0x3], $0x80, s26, s19, $0xb8;
	[tilespmem:$0x1FD40] =	vst v63  }
0x12b: {  	_ =	swait.ge [sflag:s16], $0x1000  }
0x12c: {  	[sflag:s16] =	ssyncset.done $0x0  }
0x12d: {  	[sflag:s16] =	ssyncadd.s32 $0xFFFFF000  }
0x12e: {  	[tilespmem:s22], [sflag:$0x2] =	stream.indirect.gather [spmem:s2], $0x80, s28, s19, $0xb8;
	[tilespmem:$0x1FD40] =	vst v63  }
0x12f: {  	_ =	swait.ge [sflag:s23], $0x1000  }
0x130: {  	[sflag:s23] =	ssyncset.done $0x0  }
0x131: {  	[sflag:s23] =	ssyncadd.s32 $0xFFFFF000  }
0x132: {  	[spmem:s3] =	stream.indirect.scatter.add.f32 [tilespmem:s20], [sflag:$0x3], $0x80, s29, s19, $0xb8;
	[tilespmem:$0x1FD40] =	vst v63  }
0x133: {  	_ =	swait.ge [sflag:s16], $0x1000  }
0x134: {  	[sflag:s16] =	ssyncset.done $0x0  }
0x135: {  	[sflag:s16] =	ssyncadd.s32 $0xFFFFF000  }
0x136: {  	[tilespmem:s20], [sflag:$0x1] =	stream.indirect.gather [spmem:s2], $0x80, s30, s19, $0xb8;
	[tilespmem:$0x1FD40] =	vst v63  }
0x137: {  	s17 =	simm.s32 $0x80;
	_ =	swait.ge [sflag:s25], $0x1000  }
.LBB2_4:
0x138: {  	p0 =	sne.s32 s17, $0x2700  }
0x139: {  	[sflag:s25] =	ssyncset.done $0x0;
	s6 =	smov.u32 s17;
	s17 =	sadd.s32 $0x80, s17  }
0x13a: {  	[sflag:s25] =	ssyncadd.s32 $0xFFFFF000  }
0x13b: {  	[spmem:s3] =	stream.indirect.scatter.add.f32 [tilespmem:s22], [sflag:$0x3], $0x80, s31, s19, $0xb8;
	[tilespmem:$0x1FD40] =	vst v63  }
0x13c: {  	_ =	swait.ge [sflag:s16], $0x1000  }
0x13d: {  	[sflag:s16] =	ssyncset.done $0x0  }
0x13e: {  	[sflag:s16] =	ssyncadd.s32 $0xFFFFF000  }
0x13f: {  	[tilespmem:s22], [sflag:$0x2] =	stream.indirect.gather [spmem:s2], $0x80, s0, s19, $0xb8;
	[tilespmem:$0x1FD40] =	vst v63  }
0x140: {  	_ =	swait.ge [sflag:s23], $0x1000  }
0x141: {  	[sflag:s23] =	ssyncset.done $0x0  }
0x142: {  	[sflag:s23] =	ssyncadd.s32 $0xFFFFF000  }
0x143: {  	[spmem:s3] =	stream.indirect.scatter.add.f32 [tilespmem:s20], [sflag:$0x3], $0x80, s1, s19, $0xb8;
	[tilespmem:$0x1FD40] =	vst v63  }
0x144: {  	_ =	swait.ge [sflag:s16], $0x1000  }
0x145: {  	[sflag:s16] =	ssyncset.done $0x0  }
0x146: {  	[sflag:s16] =	ssyncadd.s32 $0xFFFFF000  }
0x147: {  	[tilespmem:s20], [sflag:$0x1] =	stream.indirect.gather [spmem:s2], $0x80, s5, s19, $0xb8;
	[tilespmem:$0x1FD40] =	vst v63  }
0x148: {  	_ =	swait.ge [sflag:s25], $0x1000  }
0x149: {  	[sflag:s25] =	ssyncset.done $0x0  }
0x14a: {  	[sflag:s25] =	ssyncadd.s32 $0xFFFFF000  }
0x14b: {  	[spmem:s3] =	stream.indirect.scatter.add.f32 [tilespmem:s22], [sflag:$0x3], $0x80, s8, s19, $0xb8;
	[tilespmem:$0x1FD40] =	vst v63  }
0x14c: {  	_ =	swait.ge [sflag:s16], $0x1000  }
0x14d: {  	[sflag:s16] =	ssyncset.done $0x0  }
0x14e: {  	[sflag:s16] =	ssyncadd.s32 $0xFFFFF000  }
0x14f: {  	[tilespmem:s22], [sflag:$0x2] =	stream.indirect.gather [spmem:s2], $0x80, s9, s19, $0xb8;
	[tilespmem:$0x1FD40] =	vst v63  }
0x150: {  	_ =	swait.ge [sflag:s23], $0x1000  }
0x151: {  	[sflag:s23] =	ssyncset.done $0x0  }
0x152: {  	[sflag:s23] =	ssyncadd.s32 $0xFFFFF000  }
0x153: {  	[spmem:s3] =	stream.indirect.scatter.add.f32 [tilespmem:s20], [sflag:$0x3], $0x80, s10, s19, $0xb8;
	[tilespmem:$0x1FD40] =	vst v63  }
0x154: {  	_ =	swait.ge [sflag:s16], $0x1000  }
0x155: {  	[sflag:s16] =	ssyncset.done $0x0  }
0x156: {  	[sflag:s16] =	ssyncadd.s32 $0xFFFFF000  }
0x157: {  	_ =	swait.ge [sflag:s25], $0x1000  }
0x158: {  	[sflag:s25] =	ssyncset.done $0x0  }
0x159: {  	[sflag:s25] =	ssyncadd.s32 $0xFFFFF000  }
0x15a: {  	[spmem:s3] =	stream.indirect.scatter.add.f32 [tilespmem:s22], [sflag:$0x3], $0x80, s15, s19, $0xb8;
	[tilespmem:$0x1FD40] =	vst v63  }
0x15b: {  	_ =	swait.ge [sflag:s16], $0x1000  }
0x15c: {  	[sflag:s16] =	ssyncset.done $0x0  }
0x15d: {  	s7 =	sadd.s32 s6, s14;
	[sflag:s16] =	ssyncadd.s32 $0xFFFFF000  }
0x15e: {  	[tilespmem:s4], [sflag:$0x3] =	stream.linear.gather [hbm4b:s7+s4], $0x400, $0x38;
	[tilespmem:$0x1FD40] =	vst v63  }
0x15f: {  	_ =	swait.ge [sflag:s16], $0x400  }
0x160: {  	[sflag:s16] =	ssyncset.done $0x0  }
0x161: {  	s6 =	sadd.s32 s6, s13;
	[sflag:s16] =	ssyncadd.s32 $0xFFFFFC00  }
0x162: {  	[tilespmem:s18], [sflag:$0x3] =	stream.linear.gather [hbm4b:s6+s4], $0x400, $0x38;
	[tilespmem:$0x1FD40] =	vst v63  }
0x163: {  	_ =	swait.ge [sflag:s16], $0x400  }
0x164: {  	[sflag:s16] =	ssyncset.done $0x0  }
0x165: {  	[sflag:s16] =	ssyncadd.s32 $0xFFFFFC00  }
0x166: {  	v2 =	vld [tilespmem:$0x480]  }
0x167: {  	v3 =	vld [tilespmem:$0x490]  }
0x168: {  	v4 =	vld [tilespmem:$0x410]  }
0x169: {  	v5 =	vld [tilespmem:$0x600]  }
0x16a: {  	v6 =	vld [tilespmem:$0x590]  }
0x16b: {  	v7 =	vld [tilespmem:$0x580]  }
0x16c: {  	v2 =	vsub.s32 v2, v0;
	v8 =	vld [tilespmem:$0x400]  }
0x16d: {  	vm0 =	vlt.u32 v2, $0x1388;
	v3 =	vsub.s32 v3, v0;
	v4 =	vsub.s32 v4, v0  }
0x16e: {  	v2 =	vsel vm0, v2, v1;
	vm0 =	vlt.u32 v3, $0x1388;
	vm1 =	vlt.u32 v4, $0x1388;
	v9 =	vld [tilespmem:$0x700]  }
0x16f: {  	v4 =	vsel vm1, v4, v1;
	[tilespmem:$0x480] =	vst v2;
	v2 =	vsel vm0, v3, v1;
	v3 =	vsub.s32 v6, v0;
	v6 =	vld [tilespmem:$0x710]  }
0x170: {  	v5 =	vsub.s32 v5, v0;
	[tilespmem:$0x410] =	vst v4;
	v4 =	vsub.s32 v7, v0;
	vm0 =	vlt.u32 v3, $0x1388;
	v7 =	vld [tilespmem:$0x680]  }
0x171: {  	v8 =	vsub.s32 v8, v0;
	[tilespmem:$0x490] =	vst v2;
	v2 =	vsel vm0, v3, v1;
	vm0 =	vlt.u32 v5, $0x1388;
	v3 =	vld [tilespmem:$0x790]  }
0x172: {  	vm2 =	vlt.u32 v4, $0x1388;
	vm1 =	vlt.u32 v8, $0x1388;
	v10 =	vld [tilespmem:$0x510];
	[tilespmem:$0x590] =	vst v2;
	v2 =	vsel vm0, v5, v1  }
0x173: {  	v4 =	vsel vm2, v4, v1;
	v5 =	vsel vm1, v8, v1;
	[tilespmem:$0x600] =	vst v2;
	v2 =	vsub.s32 v9, v0;
	v8 =	vld [tilespmem:$0x780]  }
0x174: {  	[tilespmem:$0x580] =	vst v4;
	v4 =	vld [tilespmem:$0x690];
	vm0 =	vlt.u32 v2, $0x1388;
	v6 =	vsub.s32 v6, v0  }
0x175: {  	[tilespmem:$0x400] =	vst v5;
	v5 =	vld [tilespmem:$0x610];
	v7 =	vsub.s32 v7, v0;
	v2 =	vsel vm0, v2, v1;
	vm0 =	vlt.u32 v6, $0x1388  }
0x176: {  	v9 =	vld [tilespmem:$0x500];
	vm1 =	vlt.u32 v7, $0x1388;
	[tilespmem:$0x700] =	vst v2;
	v2 =	vsel vm0, v6, v1;
	v3 =	vsub.s32 v3, v0  }
0x177: {  	v6 =	vsub.s32 v10, v0;
	v7 =	vsel vm1, v7, v1;
	[tilespmem:$0x710] =	vst v2;
	vm0 =	vlt.u32 v3, $0x1388  }
0x178: {  	vm1 =	vlt.u32 v6, $0x1388;
	[tilespmem:$0x680] =	vst v7;
	v2 =	vsub.s32 v8, v0;
	v3 =	vsel vm0, v3, v1  }
0x179: {  	v6 =	vsel vm1, v6, v1;
	v4 =	vsub.s32 v4, v0;
	vm0 =	vlt.u32 v2, $0x1388;
	[tilespmem:$0x790] =	vst v3  }
0x17a: {  	[tilespmem:$0x510] =	vst v6;
	v3 =	vsub.s32 v5, v0;
	vm1 =	vlt.u32 v4, $0x1388;
	v2 =	vsel vm0, v2, v1  }
0x17b: {  	v5 =	vsub.s32 v9, v0;
	vm0 =	vlt.u32 v3, $0x1388;
	v4 =	vsel vm1, v4, v1;
	[tilespmem:$0x780] =	vst v2  }
0x17c: {  	vm1 =	vlt.u32 v5, $0x1388;
	v2 =	vsel vm0, v3, v1;
	[tilespmem:$0x690] =	vst v4  }
0x17d: {  	v3 =	vsel vm1, v5, v1;
	[tilespmem:$0x610] =	vst v2  }
0x17e: {  	[tilespmem:$0x500] =	vst v3  }
0x17f: {  	[tilespmem:s20], [sflag:$0x1] =	stream.indirect.gather [spmem:s2], $0x80, s4, s19, $0xb8;
	[tilespmem:$0x1FD40] =	vst v63  }
0x180: {  	_ = 	snop  }
0x181: {  	[tilespmem:s22], [sflag:$0x2] =	stream.indirect.gather [spmem:s2], $0x80, s21, s19, $0xb8;
	[tilespmem:$0x1FD40] =	vst v63  }
0x182: {  	_ =	swait.ge [sflag:s23], $0x1000  }
0x183: {  	[sflag:s23] =	ssyncset.done $0x0  }
0x184: {  	[sflag:s23] =	ssyncadd.s32 $0xFFFFF000  }
0x185: {  	[spmem:s3] =	stream.indirect.scatter.add.f32 [tilespmem:s20], [sflag:$0x3], $0x80, s18, s19, $0xb8;
	[tilespmem:$0x1FD40] =	vst v63  }
0x186: {  	_ =	swait.ge [sflag:s16], $0x1000  }
0x187: {  	[sflag:s16] =	ssyncset.done $0x0  }
0x188: {  	[sflag:s16] =	ssyncadd.s32 $0xFFFFF000  }
0x189: {  	[tilespmem:s20], [sflag:$0x1] =	stream.indirect.gather [spmem:s2], $0x80, s24, s19, $0xb8;
	[tilespmem:$0x1FD40] =	vst v63  }
0x18a: {  	_ =	swait.ge [sflag:s25], $0x1000  }
0x18b: {  	[sflag:s25] =	ssyncset.done $0x0  }
0x18c: {  	[sflag:s25] =	ssyncadd.s32 $0xFFFFF000  }
0x18d: {  	[spmem:s3] =	stream.indirect.scatter.add.f32 [tilespmem:s22], [sflag:$0x3], $0x80, s26, s19, $0xb8;
	[tilespmem:$0x1FD40] =	vst v63  }
0x18e: {  	_ =	swait.ge [sflag:s16], $0x1000  }
0x18f: {  	[sflag:s16] =	ssyncset.done $0x0  }
0x190: {  	[sflag:s16] =	ssyncadd.s32 $0xFFFFF000  }
0x191: {  	[tilespmem:s22], [sflag:$0x2] =	stream.indirect.gather [spmem:s2], $0x80, s28, s19, $0xb8;
	[tilespmem:$0x1FD40] =	vst v63  }
0x192: {  	_ =	swait.ge [sflag:s23], $0x1000  }
0x193: {  	[sflag:s23] =	ssyncset.done $0x0  }
0x194: {  	[sflag:s23] =	ssyncadd.s32 $0xFFFFF000  }
0x195: {  	[spmem:s3] =	stream.indirect.scatter.add.f32 [tilespmem:s20], [sflag:$0x3], $0x80, s29, s19, $0xb8;
	[tilespmem:$0x1FD40] =	vst v63  }
.Ltmp1:
0x196: {  	_ =	swait.ge [sflag:s16], $0x1000;
	(pc) =	sbr.rel @p0 .LBB2_4-.Ltmp1, $4  }
0x197: {  	[sflag:s16] =	ssyncset.done $0x0  }
0x198: {  	[sflag:s16] =	ssyncadd.s32 $0xFFFFF000  }
0x199: {  	[tilespmem:s20], [sflag:$0x1] =	stream.indirect.gather [spmem:s2], $0x80, s30, s19, $0xb8;
	[tilespmem:$0x1FD40] =	vst v63  }
0x19a: {  	_ =	swait.ge [sflag:s25], $0x1000  }
0x19b: {  	[sflag:s25] =	ssyncset.done $0x0  }
0x19c: {  	[sflag:s25] =	ssyncadd.s32 $0xFFFFF000  }
0x19d: {  	[spmem:s3] =	stream.indirect.scatter.add.f32 [tilespmem:s22], [sflag:$0x3], $0x80, s31, s19, $0xb8;
	[tilespmem:$0x1FD40] =	vst v63  }
0x19e: {  	_ =	swait.ge [sflag:s16], $0x1000  }
0x19f: {  	[sflag:s16] =	ssyncset.done $0x0  }
0x1a0: {  	[sflag:s16] =	ssyncadd.s32 $0xFFFFF000  }
0x1a1: {  	[tilespmem:s22], [sflag:$0x2] =	stream.indirect.gather [spmem:s2], $0x80, s0, s19, $0xb8;
	[tilespmem:$0x1FD40] =	vst v63  }
0x1a2: {  	_ =	swait.ge [sflag:s23], $0x1000  }
0x1a3: {  	[sflag:s23] =	ssyncset.done $0x0  }
0x1a4: {  	[sflag:s23] =	ssyncadd.s32 $0xFFFFF000  }
0x1a5: {  	[spmem:s3] =	stream.indirect.scatter.add.f32 [tilespmem:s20], [sflag:$0x3], $0x80, s1, s19, $0xb8;
	[tilespmem:$0x1FD40] =	vst v63  }
0x1a6: {  	_ =	swait.ge [sflag:s16], $0x1000  }
0x1a7: {  	[sflag:s16] =	ssyncset.done $0x0  }
0x1a8: {  	[sflag:s16] =	ssyncadd.s32 $0xFFFFF000  }
0x1a9: {  	[tilespmem:s20], [sflag:$0x1] =	stream.indirect.gather [spmem:s2], $0x80, s5, s19, $0xb8;
	[tilespmem:$0x1FD40] =	vst v63  }
0x1aa: {  	_ =	swait.ge [sflag:s25], $0x1000  }
0x1ab: {  	[sflag:s25] =	ssyncset.done $0x0  }
0x1ac: {  	[sflag:s25] =	ssyncadd.s32 $0xFFFFF000  }
0x1ad: {  	[spmem:s3] =	stream.indirect.scatter.add.f32 [tilespmem:s22], [sflag:$0x3], $0x80, s8, s19, $0xb8;
	[tilespmem:$0x1FD40] =	vst v63  }
0x1ae: {  	_ =	swait.ge [sflag:s16], $0x1000  }
0x1af: {  	[sflag:s16] =	ssyncset.done $0x0  }
0x1b0: {  	[sflag:s16] =	ssyncadd.s32 $0xFFFFF000  }
0x1b1: {  	[tilespmem:s22], [sflag:$0x2] =	stream.indirect.gather [spmem:s2], $0x80, s9, s19, $0xb8;
	[tilespmem:$0x1FD40] =	vst v63  }
0x1b2: {  	_ =	swait.ge [sflag:s23], $0x1000  }
0x1b3: {  	[sflag:s23] =	ssyncset.done $0x0  }
0x1b4: {  	[sflag:s23] =	ssyncadd.s32 $0xFFFFF000  }
0x1b5: {  	[spmem:s3] =	stream.indirect.scatter.add.f32 [tilespmem:s20], [sflag:$0x3], $0x80, s10, s19, $0xb8;
	[tilespmem:$0x1FD40] =	vst v63  }
0x1b6: {  	_ =	swait.ge [sflag:s16], $0x1000  }
0x1b7: {  	[sflag:s16] =	ssyncset.done $0x0  }
0x1b8: {  	[sflag:s16] =	ssyncadd.s32 $0xFFFFF000  }
0x1b9: {  	_ =	swait.ge [sflag:s25], $0x1000  }
0x1ba: {  	[sflag:s25] =	ssyncset.done $0x0  }
0x1bb: {  	[sflag:s25] =	ssyncadd.s32 $0xFFFFF000  }
0x1bc: {  	[spmem:s3] =	stream.indirect.scatter.add.f32 [tilespmem:s22], [sflag:$0x3], $0x80, s15, s19, $0xb8;
	[tilespmem:$0x1FD40] =	vst v63  }
0x1bd: {  	_ =	swait.ge [sflag:s16], $0x1000  }
0x1be: {  	[sflag:s16] =	ssyncset.done $0x0  }
0x1bf: {  	[sflag:s16] =	ssyncadd.s32 $0xFFFFF000  }
0x1c0: {  	[bflag:$0x0] =	sbarrier.arrive $0xFFFF  }
0x1c1: {  	s7 =	rddreg [dreg:$0x6]  }
0x1c2: {  	s6 =	rddreg [dreg:$0x9]  }
0x1c3: {  	s17 =	rddreg [dreg:$0xc]  }
0x1c4: {  	[hbm:s6], [sflag:s7] =	dma.local [spmem:s17], $0x1400  }
0x1c5: {  	_ =	swait.ge [sflag:s16], $0x1400  }
0x1c6: {  	s6 =	rddreg [dreg:$0xd]  }
0x1c7: {  	s17 =	rddreg [dreg:$0xa];
	s7 =	sadd.s32 $0x1, s6  }
0x1c8: {  	p0 =	sne.s32 s7, s17  }
.Ltmp2:
0x1c9: {  	_ = 	snop;
	(pc) =	sbr.rel @p0 .LBB2_1-.Ltmp2, $3  }
0x1ca: {  	_ =	sdelay $0x1  }
0x1cb: {  	[sflag:s16] =	ssyncset.done $0x0  }
0x1cc: {  	[sflag:s16] =	ssyncadd.s32 $0xFFFFEC00  }
0x1cd: {  	_ =	sfence.sel $0x180000  }
0x1ce: {  	[bflag:$0x0] =	sbarrier.arrive $0xFFFF  }
0x1cf: {  	_ =	strace $0x90000047  }
0x1d0: {  	s0 =	stileid.u32;
	[bflag:$0x2] =	sbarrier.arrive $0xFFFF  }
0x1d1: {  	p0 =	sne.s32 s0, $0x0;
	s0 =	rddreg [dreg:$0x4]  }
0x1d2: {  	s0 =	sadd.s32 @!p0 $0x100000, s0  }
0x1d3: {  	[sflag:s0] =	ssyncadd.tile.s32 @!p0 $0x1;
	_ =	shalt  }
.Lfunc_end2:
_tile_overlayer_lowered:
.L_overlay_start_2:
0x1d4: {  	(tag) =	ssettag $0x2  }
0x1d5: {  	s0 =	rddreg [dreg:$0x0];
	s2 =	stileid.u32  }
0x1d6: {  	s1 =	rddreg [dreg:$0x1];
	p0 =	sne.s32 s2, $0x0  }
0x1d7: {  	s3 =	rddreg [dreg:$0x2];
	[bflag:$0x3] =	sbarrier.arrive $0xFFFF;
	s2 =	simm.s32 @!p0 $0x1C03  }
0x1d8: {  	[timem:s3], [sflag:s2] =	dma.local @!p0 [hbm:s0], s1  }
0x1d9: {  	s0 =	simm.s32 @!p0 $0x3  }
0x1da: {  	_ =	swait.ge @!p0 [sflag:s0], s1  }
0x1db: {  	s1 =	ssub.s32 @!p0 $0x0, s1;
	[sflag:s0] =	ssyncset.done @!p0 $0x0  }
0x1dc: {  	[sflag:s0] =	ssyncadd.s32 @!p0 s1  }
0x1dd: {  	[bflag:$0x3] =	sbarrier.arrive $0xFFFF  }
0x1de: {  	_ =	shalt  }

// kernel: kernel.9.cloned.1.call-start
scs
__scs_entry_jumppad:
0x0: {  	(pc) =	sbr.rel $0x88, $3  }
0x1: {  	(tag) =	ssettag $0x0;
	lr =	simm.s32 $0x1  }
0x2: {  	[smem:$0x3F95] =	sst lr;
	_ =	strace $0xD0000000  }
0x3: {  	_ = 	snop  }
0x4: {  	_ = 	snop  }
0x5: {  	_ = 	snop  }
0x6: {  	_ = 	snop  }
0x7: {  	_ = 	snop  }
__scs_overlays_trampoline_lowered:
0x8: {  	[smem:$0x3FA4] =	sst s0  }
0x9: {  	[smem:$0x3FA5] =	sst s1  }
0xa: {  	[smem:$0x3FA6] =	sst s2  }
0xb: {  	[smem:$0x3FA7] =	sst s3  }
0xc: {  	[smem:$0x3FA8] =	sst s4  }
0xd: {  	[smem:$0x3FA9] =	sst s5  }
0xe: {  	[smem:$0x3FAA] =	sst s6  }
0xf: {  	[smem:$0x3FAB] =	sst s7  }
0x10: {  	[smem:$0x3FAC] =	sst s8  }
0x11: {  	[smem:$0x3FAD] =	sst s9;
	s0 =	simm.s32 @!p0 $0x0  }
0x12: {  	s1 =	sld [smem:$0x3F93];
	s0 =	simm.s32 @p0 $0x1  }
0x13: {  	[smem:$0x3FAE] =	sst s0;
	s0 =	simm.s32 @!p1 $0x0  }
0x14: {  	s2 =	sld [smem:$0x3F92];
	s0 =	simm.s32 @p1 $0x1  }
0x15: {  	[smem:$0x3FAF] =	sst s0;
	s0 =	simm.s32 @!p2 $0x0  }
0x16: {  	s3 =	sld [smem:$0x3FDB];
	s0 =	simm.s32 @p2 $0x1  }
0x17: {  	s4 =	simm.s32 $0x1BF5;
	[smem:$0x3FB1] =	sst s0  }
0x18: {  	s0 =	sld [smem:$0x3F94];
	_ =	swait.ge [sflag:s4], $0x0  }
0x19: {  	s7 =	sld [smem:$0x3F95]  }
0x1a: {  	s8 =	sadd.s32 $0xFFFFE003, lr  }
0x1b: {  	s9 =	sadd.s32 $0xFFFFFEF7, lr;
	s5 =	simm.s32 $0xFFFFFFFF;
	p2 =	slt.u32 s8, $0xFFFFF086  }
0x1c: {  	p1 =	slt.u32 s9, $0xF7A;
	s5 =	simm.s32 @!p2 $0x0  }
0x1d: {  	s5 =	simm.s32 @p1 $0x1;
	p0 =	seq.s32 s7, s2  }
0x1e: {  	s7 =	smul.u32 @!p0 $0xF7A, s2;
	p2 =	seq.s32 @!p0 s5, $0x0  }
0x1f: {  	s9 =	smul.u32 $0xF7A, s1;
	s8 =	simm.s32 @!p0 $0x1BF5;
	p2 =	por !p2, p0  }
0x20: {  	[sflag:s8] =	ssyncset.s32 @!p0 $0xFFFFF086;
	s6 =	sadd.s32 @!p0 s3, s7;
	s7 =	simm.s32 @!p0 $0x108  }
0x21: {  	s3 =	sadd.s32 s3, s9;
	s6 =	sadd.s32 @!p0 $0x88, s6;
	s7 =	simm.s32 @p2 $0x1082  }
0x22: {  	[simem:s7], [sflag:s8] =	dma.local @!p0 [hbm:s6], $0xF7A  }
0x23: {  	s9 =	sor.u32 $0xD0000000, s2;
	s6 =	simm.s32 $0x108;
	_ =	swait.ge @!p0 [sflag:s8], $0x0  }
0x24: {  	s3 =	sadd.s32 $0x88, s3;
	s6 =	simm.s32 @!p1 $0x1082;
	[sflag:s4] =	ssyncset.s32 $0xFFFFF086  }
0x25: {  	[simem:s6], [sflag:s4] =	dma.local [hbm:s3], $0xF7A  }
0x26: {  	[smem:$0x3F95] =	sst s1;
	(tag) =	ssettag s2;
	_ =	strace s9  }
0x27: {  	s1 =	sld [smem:$0x3FA5]  }
0x28: {  	s2 =	sld [smem:$0x3FA6]  }
0x29: {  	s4 =	sld [smem:$0x3FA8]  }
0x2a: {  	p0 =	seq.s32 s5, $0x0;
	s5 =	sld [smem:$0x3FA9]  }
0x2b: {  	s6 =	sld [smem:$0x3FAA]  }
0x2c: {  	s7 =	sld [smem:$0x3FAB]  }
0x2d: {  	s3 =	simm.s32 $0x108;
	s8 =	sld [smem:$0x3FAC]  }
0x2e: {  	s3 =	simm.s32 @!p0 $0x1082;
	s9 =	sld [smem:$0x3FAD]  }
0x2f: {  	lr =	sadd.s32 s0, s3;
	s0 =	sld [smem:$0x3FA4]  }
0x30: {  	s3 =	sld [smem:$0x3FA7]  }
0x31: {  	[smem:$0x3FB0] =	sst s10  }
0x32: {  	s10 =	sld [smem:$0x3FAE];
	_ =	sdelay $0x3  }
0x33: {  	p0 =	seq.s32 s10, $0x1;
	s10 =	sld [smem:$0x3FB0];
	_ =	sdelay $0x3  }
0x34: {  	[smem:$0x3FB0] =	sst s10  }
0x35: {  	s10 =	sld [smem:$0x3FAF];
	_ =	sdelay $0x3  }
0x36: {  	p1 =	seq.s32 s10, $0x1;
	s10 =	sld [smem:$0x3FB0];
	_ =	sdelay $0x3  }
0x37: {  	[smem:$0x3FB0] =	sst s10  }
0x38: {  	s10 =	sld [smem:$0x3FB1]  }
0x39: {  	_ = 	snop;
	(pc) =	sbr.ind lr, $3  }
0x3a: {  	_ = 	snop  }
0x3b: {  	_ = 	snop  }
0x3c: {  	p2 =	seq.s32 s10, $0x1;
	s10 =	sld [smem:$0x3FB0]  }
0x3d: {  	_ =	shalt  }
0x3e: {  	_ =	shalt  }
0x3f: {  	_ =	shalt  }
0x40: {  	_ =	shalt  }
0x41: {  	_ =	shalt  }
0x42: {  	_ =	shalt  }
0x43: {  	_ =	shalt  }
0x44: {  	_ =	shalt  }
0x45: {  	_ =	shalt  }
0x46: {  	_ =	shalt  }
0x47: {  	_ =	shalt  }
0x48: {  	_ =	shalt  }
0x49: {  	_ =	shalt  }
0x4a: {  	_ =	shalt  }
0x4b: {  	_ =	shalt  }
0x4c: {  	_ =	shalt  }
0x4d: {  	_ =	shalt  }
0x4e: {  	_ =	shalt  }
0x4f: {  	_ =	shalt  }
0x50: {  	_ =	shalt  }
0x51: {  	_ =	shalt  }
0x52: {  	_ =	shalt  }
0x53: {  	_ =	shalt  }
0x54: {  	_ =	shalt  }
0x55: {  	_ =	shalt  }
0x56: {  	_ =	shalt  }
0x57: {  	_ =	shalt  }
0x58: {  	_ =	shalt  }
0x59: {  	_ =	shalt  }
0x5a: {  	_ =	shalt  }
0x5b: {  	_ =	shalt  }
0x5c: {  	_ =	shalt  }
0x5d: {  	_ =	shalt  }
0x5e: {  	_ =	shalt  }
0x5f: {  	_ =	shalt  }
0x60: {  	_ =	shalt  }
0x61: {  	_ =	shalt  }
0x62: {  	_ =	shalt  }
0x63: {  	_ =	shalt  }
0x64: {  	_ =	shalt  }
0x65: {  	_ =	shalt  }
0x66: {  	_ =	shalt  }
0x67: {  	_ =	shalt  }
0x68: {  	_ =	shalt  }
0x69: {  	_ =	shalt  }
0x6a: {  	_ =	shalt  }
0x6b: {  	_ =	shalt  }
0x6c: {  	_ =	shalt  }
0x6d: {  	_ =	shalt  }
0x6e: {  	_ =	shalt  }
0x6f: {  	_ =	shalt  }
0x70: {  	_ =	shalt  }
0x71: {  	_ =	shalt  }
0x72: {  	_ =	shalt  }
0x73: {  	_ =	shalt  }
0x74: {  	_ =	shalt  }
0x75: {  	_ =	shalt  }
0x76: {  	_ =	shalt  }
0x77: {  	_ =	shalt  }
0x78: {  	_ =	shalt  }
0x79: {  	_ =	shalt  }
0x7a: {  	_ =	shalt  }
0x7b: {  	_ =	shalt  }
0x7c: {  	_ =	shalt  }
0x7d: {  	_ =	shalt  }
0x7e: {  	_ =	shalt  }
0x7f: {  	_ =	shalt  }
0x80: {  	_ =	shalt  }
0x81: {  	_ =	shalt  }
0x82: {  	_ =	shalt  }
0x83: {  	_ =	shalt  }
0x84: {  	_ =	shalt  }
0x85: {  	_ =	shalt  }
0x86: {  	_ =	shalt  }
0x87: {  	_ =	shalt  }
.Lfunc_end0:
.L_simem_size_0:
called_computation.1_lowered:
.L_overlay_start_0:
0x88: {  	s2 =	sld [smem:$0x3FD9]  }
0x89: {  	s3 =	sld [smem:$0x3FFE];
	_ =	sdelay $0x1  }
0x8a: {  	s1 =	srdreg.scid  }
0x8b: {  	s0 =	sand.u32 $0x1, s1  }
0x8c: {  	s16 =	sshll.u32 s0, $0xA;
	s2 =	sadd.s32 s3, s2  }
0x8d: {  	s2 =	sadd.s32 s2, s16  }
0x8e: {  	[smem:$0x3FBC] =	sst s2  }
0x8f: {  	_ = 	snop  }
0x90: {  	(tm) =	ssettm $0x1  }
0x91: {  	s17 =	sld [smem:$0x3FFB];
	_ =	sdelay $0x3  }
0x92: {  	_ =	strace s17  }
0x93: {  	s2 =	sld [smem:$0x3FFC];
	_ =	sdelay $0x3  }
0x94: {  	_ =	strace s2  }
0x95: {  	s2 =	sld [smem:$0x3FFD];
	_ =	sdelay $0x3  }
0x96: {  	_ =	strace s2  }
0x97: {  	_ =	strace $0x8FFFFFFF  }
0x98: {  	s18 =	sld [smem:$0x3FDB];
	_ =	sdelay $0x1  }
0x99: {  	s19 =	simm.s32 $_scs_section_size  }
0x9a: {  	s4 =	simm.s32 $_size__tile_overlayer_lowered;
	s5 =	simm.s32 $_tile_overlayer_lowered  }
0x9b: {  	s22 =	simm.s32 $0x1BFF;
	s21 =	sshll.u32 s5, $0x1;
	s2 =	sadd.s32 s19, s18  }
0x9c: {  	s6 =	simm.s32 $0x0;
	s20 =	sshll.u32 s4, $0x1;
	s4 =	sadd.s32 s21, s2  }
0x9d: {  	[timem:s6], [sflag:s22] =	dma.local [hbm:s4], s20  }
0x9e: {  	_ =	swait.ge [sflag:s22], s20  }
0x9f: {  	s3 =	ssub.s32 $0x0, s20;
	[sflag:s22] =	ssyncset.done $0x0  }
0xa0: {  	[sflag:s22] =	ssyncadd.s32 s3;
	_ =	sdelay $0x1  }
0xa1: {  	s23 =	simm.s32 $0x1B8B  }
0xa2: {  	_ =	swait.ge [sflag:s23], $0x1  }
0xa3: {  	[sflag:s23] =	ssyncset.done $0x0  }
0xa4: {  	s25 =	simm.s32 $0x1B8E;
	s24 =	sld [smem:$0x3FFE];
	[sflag:s23] =	ssyncadd.s32 $0xFFFFFFFF  }
0xa5: {  	s26 =	simm.s32 $execute0_lowered;
	[smem:$0x3FD2] =	sst s25  }
0xa6: {  	s4 =	sshll.u32 s26, $0x1;
	_ =	strace $0x80000049;
	[dreg:$0x1] =	wrdreg $0xFFFFFFFF  }
0xa7: {  	s28 =	simm.s32 $_size_execute0_lowered;
	s2 =	sadd.s32 s2, s4;
	[dreg:$0x0] =	wrdreg $0x0  }
0xa8: {  	s4 =	sshll.u32 s28, $0x1;
	[dreg:$0x2] =	wrdreg s2  }
0xa9: {  	[dreg:$0x3] =	wrdreg s4  }
0xaa: {  	[dreg:$0x4] =	wrdreg $0xC0  }
0xab: {  	_ =	task [dreg:s6], $0x5FFFF  }
0xac: {  	[dreg:$0x1] =	wrdreg $0xFFFFFFFF  }
0xad: {  	[dreg:$0x0] =	wrdreg $0x60  }
0xae: {  	[dreg:$0x2] =	wrdreg s24  }
0xaf: {  	[dreg:$0x3] =	wrdreg $0x28000  }
0xb0: {  	[dreg:$0x4] =	wrdreg $0x160800  }
0xb1: {  	[dreg:$0x5] =	wrdreg $0x9  }
0xb2: {  	_ =	task.clear_ibuf [dreg:s6], $0x6FFFF;
	_ =	strace $0x90000049  }
0xb3: {  	s29 =	simm.s32 $0x9;
	_ =	strace $0x8000004B  }
0xb4: {  	_ =	swait.ge [sflag:s29], $0x1  }
0xb5: {  	[sflag:s29] =	ssyncadd.s32 $0xFFFFFFFF  }
0xb6: {  	_ =	strace $0x9000004B  }
0xb7: {  	_ =	sfence  }
0xb8: {  	s30 =	sld [smem:$0x0];
	_ =	sdelay $0x2  }
0xb9: {  	s31 =	sshll.u32 s1, $0xD;
	s1 =	sshrl.u32 s1, $0x2  }
0xba: {  	s3 =	sand.u32 $0x4000, s31;
	s1 =	sadd.s32 s1, s30  }
0xbb: {  	s0 =	sor.u32 s3, s0;
	s1 =	sshll.u32 s1, $0x11  }
0xbc: {  	s0 =	sor.u32 s1, s0  }
0xbd: {  	s0 =	sadd.s32 $0x8F2B, s0  }
0xbe: {  	[sflag:s0] =	ssyncadd.remote.s32 $0x1  }
0xbf: {  	_ =	sfence.sel $0xFFFF  }
0xc0: {  	[dreg:$0x0] =	wrdreg $0xFFFFFFFF;
	(pc) =	sbr.abs _section_cstart, $3  }
0xc1: {  	[dreg:$0x1] =	wrdreg $0xFFFFFFFF  }
0xc2: {  	_ =	task.clear_ibuf [dreg:s6], $0x2FFFF;
	_ =	strace $0x9FFFFFFF  }
0xc3: {  	(tm) =	ssettm $0x7FFFFFFF  }
tec
execute0_lowered:
.L_overlay_start_1:
0x0: {  	(tag) =	ssettag $0x1  }
0x1: {  	s0 =	rddreg [dreg:$0x0]  }
0x2: {  	s2 =	rddreg [dreg:$0x1]  }
0x3: {  	s3 =	rddreg [dreg:$0x2];
	s12 =	stileid.u32  }
0x4: {  	s1 =	srdreg.scid;
	s4 =	simm.s32 $0x0;
	s18 =	simm.s32 $0x400  }
0x5: {  	s19 =	simm.s32 $0x20;
	s20 =	simm.s32 $0x800;
	s28 =	simm.s32 $0x180  }
0x6: {  	s29 =	simm.s32 $0x500;
	s30 =	simm.s32 $0x200;
	s31 =	simm.s32 $0x580  }
0x7: {  	s17 =	simm.s32 $0x0;
	s1 =	sand.u32 $0x1, s1;
	s5 =	smul.u32 $0x140, s12  }
0x8: {  	[smem:$0x7FF] =	sst s4;
	p0 =	seq.s32 s12, $0xF;
	s7 =	smul.u32 $0x2780, s12  }
0x9: {  	s8 =	sadd.s32 $0xA0E00, s0;
	s10 =	smul.u32 $0x278, s12;
	s15 =	sadd.s32 $0x1388, s12  }
0xa: {  	s22 =	sshll.u32 s12, $0x6;
	s6 =	smul.u32 $0x1388, s1;
	_ =	strace $0x8000004A  }
0xb: {  	s1 =	ssub.s32 $0x2, s1;
	s23 =	sor.u32 $0x1C03, s22;
	s22 =	simm.s32 $0x1800  }
0xc: {  	v1 =	vmov s15;
	s15 =	simm.s32 $0x780;
	s5 =	simm.s32 @p0 $0x1248;
	s7 =	sadd.s32 s7, s0  }
0xd: {  	s11 =	sshrl.u32 s1, $0x1;
	s10 =	simm.s32 @p0 $0x2498;
	[dreg:$0x5] =	wrdreg s23  }
0xe: {  	s23 =	simm.s32 $0x1;
	s9 =	sadd.s32 s6, s5;
	s1 =	ssub.s32 s1, s11  }
0xf: {  	s21 =	sshll.u32 s10, $0x7;
	s10 =	sshll.u32 s10, $0x4;
	s5 =	sshll.u32 s5, $0x7  }
0x10: {  	s11 =	sadd.s32 $0x51E00, s7;
	s12 =	sadd.s32 $0x2E00, s7;
	s13 =	sadd.s32 $0x79600, s7  }
0x11: {  	s14 =	sadd.s32 $0x2A600, s7;
	s9 =	sshll.u32 s9, $0x4;
	s16 =	sadd.s32 s21, s2  }
0x12: {  	s10 =	sadd.s32 s8, s10;
	s5 =	sadd.s32 s5, s3;
	s25 =	smax.u32 s1, $0x1  }
0x13: {  	s21 =	simm.s32 $0x80;
	s1 =	simm.s32 $0x600;
	[dreg:$0x4] =	wrdreg s10  }
0x14: {  	s0 =	sadd.s32 s9, s0;
	s8 =	sadd.s32 s8, s9;
	[dreg:$0x9] =	wrdreg s25  }
0x15: {  	s26 =	sshrl.u32 s16, $0x3;
	s16 =	simm.s32 $0x3;
	s7 =	sshrl.u32 s5, $0x3  }
0x16: {  	s25 =	simm.s32 $0x2;
	s5 =	simm.s32 $0x300;
	[dreg:$0x6] =	wrdreg s8  }
0x17: {  	s9 =	simm.s32 $0x380;
	s10 =	simm.s32 $0x700;
	[dreg:$0xa] =	wrdreg s26  }
0x18: {  	s24 =	sadd.s32 $0xC8000, s0;
	s0 =	sadd.s32 $0xEF100, s0;
	[dreg:$0xb] =	wrdreg s7  }
0x19: {  	s26 =	simm.s32 $0x480;
	s8 =	simm.s32 $0x680;
	[dreg:$0x7] =	wrdreg s24  }
0x1a: {  	v0 =	vmov s6;
	[dreg:$0x8] =	wrdreg s0;
	s24 =	simm.s32 $0x100;
	s0 =	simm.s32 $0x280  }
.LBB2_1:
0x1b: {  	[dreg:$0xc] =	wrdreg s17  }
0x1c: {  	s6 =	rddreg [dreg:$0x4]  }
0x1d: {  	s7 =	rddreg [dreg:$0xa]  }
0x1e: {  	s17 =	rddreg [dreg:$0x5]  }
0x1f: {  	[spmem:s7], [sflag:s17] =	dma.local [hbm:s6], $0x2780  }
0x20: {  	_ =	swait.ge [sflag:s16], $0x2780  }
0x21: {  	[sflag:s16] =	ssyncset.done $0x0;
	s6 =	rddreg [dreg:$0x6]  }
0x22: {  	s7 =	rddreg [dreg:$0xb];
	[sflag:s16] =	ssyncadd.s32 $0xFFFFD880  }
0x23: {  	[spmem:s7], [sflag:s17] =	dma.local [hbm:s6], $0x1400  }
0x24: {  	_ =	swait.ge [sflag:s16], $0x1400  }
0x25: {  	[sflag:s16] =	ssyncset.done $0x0  }
0x26: {  	[sflag:s16] =	ssyncadd.s32 $0xFFFFEC00  }
0x27: {  	s7 =	sadd.s32 $0x0, s12;
	[bflag:$0x0] =	sbarrier.arrive $0xFFFF  }
0x28: {  	[tilespmem:s4], [sflag:$0x3] =	stream.linear.gather [hbm4b:s7+s4], $0x400, $0x38;
	[tilespmem:$0x1FD40] =	vst v63  }
0x29: {  	_ =	swait.ge [sflag:s16], $0x400  }
0x2a: {  	[sflag:s16] =	ssyncset.done $0x0  }
0x2b: {  	s17 =	sadd.s32 $0x0, s11;
	[sflag:s16] =	ssyncadd.s32 $0xFFFFFC00  }
0x2c: {  	[tilespmem:s18], [sflag:$0x3] =	stream.linear.gather [hbm4b:s17+s4], $0x400, $0x38;
	[tilespmem:$0x1FD40] =	vst v63  }
0x2d: {  	_ =	swait.ge [sflag:s16], $0x400  }
0x2e: {  	[sflag:s16] =	ssyncset.done $0x0  }
0x2f: {  	[sflag:s16] =	ssyncadd.s32 $0xFFFFFC00  }
0x30: {  	v2 =	vld [tilespmem:$0x480]  }
0x31: {  	v3 =	vld [tilespmem:$0x410]  }
0x32: {  	v4 =	vld [tilespmem:$0x490]  }
0x33: {  	v5 =	vld [tilespmem:$0x590]  }
0x34: {  	v6 =	vld [tilespmem:$0x600]  }
0x35: {  	v7 =	vld [tilespmem:$0x580];
	v2 =	vsub.s32 v2, v0  }
0x36: {  	v8 =	vld [tilespmem:$0x400];
	v3 =	vsub.s32 v3, v0;
	vm0 =	vlt.u32 v2, $0x1388  }
0x37: {  	v56 =	vld [tilespmem:$0x680];
	v4 =	vsub.s32 v4, v0;
	vm1 =	vlt.u32 v3, $0x1388;
	v2 =	vsel vm0, v2, v1  }
0x38: {  	v9 =	vld [tilespmem:$0x700];
	vm14 =	vlt.u32 v4, $0x1388;
	v3 =	vsel vm1, v3, v1;
	[tilespmem:$0x480] =	vst v2;
	v2 =	vsub.s32 v5, v0  }
0x39: {  	v55 =	vld [tilespmem:$0x710];
	v4 =	vsel vm14, v4, v1;
	[tilespmem:$0x410] =	vst v3;
	v3 =	vsub.s32 v6, v0;
	vm15 =	vlt.u32 v2, $0x1388  }
0x3a: {  	v57 =	vld [tilespmem:$0x790];
	v7 =	vsub.s32 v7, v0;
	[tilespmem:$0x490] =	vst v4;
	vm4 =	vlt.u32 v3, $0x1388;
	v2 =	vsel vm15, v2, v1  }
0x3b: {  	v10 =	vld [tilespmem:$0x510];
	v8 =	vsub.s32 v8, v0;
	vm5 =	vlt.u32 v7, $0x1388;
	[tilespmem:$0x590] =	vst v2;
	v2 =	vsel vm4, v3, v1  }
0x3c: {  	v58 =	vld [tilespmem:$0x780];
	vm6 =	vlt.u32 v8, $0x1388;
	v6 =	vsub.s32 v56, v0;
	v3 =	vsel vm5, v7, v1;
	[tilespmem:$0x600] =	vst v2  }
0x3d: {  	v8 =	vsel vm6, v8, v1;
	vm9 =	vlt.u32 v6, $0x1388;
	v2 =	vsub.s32 v9, v0;
	[tilespmem:$0x580] =	vst v3;
	v3 =	vld [tilespmem:$0x690]  }
0x3e: {  	v59 =	vld [tilespmem:$0x610];
	v5 =	vsub.s32 v55, v0;
	[tilespmem:$0x400] =	vst v8;
	v6 =	vsel vm9, v6, v1;
	vm7 =	vlt.u32 v2, $0x1388  }
0x3f: {  	v60 =	vld [tilespmem:$0x500];
	v4 =	vsub.s32 v57, v0;
	vm8 =	vlt.u32 v5, $0x1388;
	[tilespmem:$0x680] =	vst v6;
	v2 =	vsel vm7, v2, v1  }
0x40: {  	v61 =	vsub.s32 v10, v0;
	vm10 =	vlt.u32 v4, $0x1388;
	[tilespmem:$0x700] =	vst v2;
	v2 =	vsel vm8, v5, v1  }
0x41: {  	vm11 =	vlt.u32 v61, $0x1388;
	v4 =	vsel vm10, v4, v1;
	[tilespmem:$0x710] =	vst v2;
	v2 =	vsub.s32 v58, v0  }
0x42: {  	[tilespmem:$0x790] =	vst v4;
	v5 =	vsel vm11, v61, v1;
	v3 =	vsub.s32 v3, v0;
	vm12 =	vlt.u32 v2, $0x1388  }
0x43: {  	v62 =	vsub.s32 v59, v0;
	[tilespmem:$0x510] =	vst v5;
	vm13 =	vlt.u32 v3, $0x1388;
	v2 =	vsel vm12, v2, v1  }
0x44: {  	v63 =	vsub.s32 v60, v0;
	vm14 =	vlt.u32 v62, $0x1388;
	v3 =	vsel vm13, v3, v1;
	[tilespmem:$0x780] =	vst v2  }
0x45: {  	vm15 =	vlt.u32 v63, $0x1388;
	v2 =	vsel vm14, v62, v1;
	[tilespmem:$0x690] =	vst v3  }
0x46: {  	v3 =	vsel vm15, v63, v1;
	[tilespmem:$0x610] =	vst v2  }
0x47: {  	[tilespmem:$0x500] =	vst v3  }
0x48: {  	[tilespmem:s20], [sflag:$0x1] =	stream.indirect.gather [spmem:s2], $0x80, s4, s19, $0xb8;
	[tilespmem:$0x1FD40] =	vst v63  }
0x49: {  	_ = 	snop  }
0x4a: {  	[tilespmem:s22], [sflag:$0x2] =	stream.indirect.gather [spmem:s2], $0x80, s21, s19, $0xb8;
	[tilespmem:$0x1FD40] =	vst v63  }
0x4b: {  	_ =	swait.ge [sflag:s23], $0x1000  }
0x4c: {  	[sflag:s23] =	ssyncset.done $0x0  }
0x4d: {  	[sflag:s23] =	ssyncadd.s32 $0xFFFFF000  }
0x4e: {  	[spmem:s3] =	stream.indirect.scatter.add.f32 [tilespmem:s20], [sflag:$0x3], $0x80, s18, s19, $0xb8;
	[tilespmem:$0x1FD40] =	vst v63  }
0x4f: {  	_ =	swait.ge [sflag:s16], $0x1000  }
0x50: {  	[sflag:s16] =	ssyncset.done $0x0  }
0x51: {  	[sflag:s16] =	ssyncadd.s32 $0xFFFFF000  }
0x52: {  	[tilespmem:s20], [sflag:$0x1] =	stream.indirect.gather [spmem:s2], $0x80, s24, s19, $0xb8;
	[tilespmem:$0x1FD40] =	vst v63  }
0x53: {  	_ =	swait.ge [sflag:s25], $0x1000  }
0x54: {  	[sflag:s25] =	ssyncset.done $0x0  }
0x55: {  	[sflag:s25] =	ssyncadd.s32 $0xFFFFF000  }
0x56: {  	[spmem:s3] =	stream.indirect.scatter.add.f32 [tilespmem:s22], [sflag:$0x3], $0x80, s26, s19, $0xb8;
	[tilespmem:$0x1FD40] =	vst v63  }
0x57: {  	_ =	swait.ge [sflag:s16], $0x1000  }
0x58: {  	[sflag:s16] =	ssyncset.done $0x0  }
0x59: {  	[sflag:s16] =	ssyncadd.s32 $0xFFFFF000  }
0x5a: {  	[tilespmem:s22], [sflag:$0x2] =	stream.indirect.gather [spmem:s2], $0x80, s28, s19, $0xb8;
	[tilespmem:$0x1FD40] =	vst v63  }
0x5b: {  	_ =	swait.ge [sflag:s23], $0x1000  }
0x5c: {  	[sflag:s23] =	ssyncset.done $0x0  }
0x5d: {  	[sflag:s23] =	ssyncadd.s32 $0xFFFFF000  }
0x5e: {  	[spmem:s3] =	stream.indirect.scatter.add.f32 [tilespmem:s20], [sflag:$0x3], $0x80, s29, s19, $0xb8;
	[tilespmem:$0x1FD40] =	vst v63  }
0x5f: {  	_ =	swait.ge [sflag:s16], $0x1000  }
0x60: {  	[sflag:s16] =	ssyncset.done $0x0  }
0x61: {  	[sflag:s16] =	ssyncadd.s32 $0xFFFFF000  }
0x62: {  	[tilespmem:s20], [sflag:$0x1] =	stream.indirect.gather [spmem:s2], $0x80, s30, s19, $0xb8;
	[tilespmem:$0x1FD40] =	vst v63  }
0x63: {  	s17 =	simm.s32 $0x80;
	_ =	swait.ge [sflag:s25], $0x1000  }
.LBB2_2:
0x64: {  	p0 =	sne.s32 s17, $0x2700  }
0x65: {  	[sflag:s25] =	ssyncset.done $0x0;
	s6 =	smov.u32 s17;
	s17 =	sadd.s32 $0x80, s17  }
0x66: {  	[sflag:s25] =	ssyncadd.s32 $0xFFFFF000  }
0x67: {  	[spmem:s3] =	stream.indirect.scatter.add.f32 [tilespmem:s22], [sflag:$0x3], $0x80, s31, s19, $0xb8;
	[tilespmem:$0x1FD40] =	vst v63  }
0x68: {  	_ =	swait.ge [sflag:s16], $0x1000  }
0x69: {  	[sflag:s16] =	ssyncset.done $0x0  }
0x6a: {  	[sflag:s16] =	ssyncadd.s32 $0xFFFFF000  }
0x6b: {  	[tilespmem:s22], [sflag:$0x2] =	stream.indirect.gather [spmem:s2], $0x80, s0, s19, $0xb8;
	[tilespmem:$0x1FD40] =	vst v63  }
0x6c: {  	_ =	swait.ge [sflag:s23], $0x1000  }
0x6d: {  	[sflag:s23] =	ssyncset.done $0x0  }
0x6e: {  	[sflag:s23] =	ssyncadd.s32 $0xFFFFF000  }
0x6f: {  	[spmem:s3] =	stream.indirect.scatter.add.f32 [tilespmem:s20], [sflag:$0x3], $0x80, s1, s19, $0xb8;
	[tilespmem:$0x1FD40] =	vst v63  }
0x70: {  	_ =	swait.ge [sflag:s16], $0x1000  }
0x71: {  	[sflag:s16] =	ssyncset.done $0x0  }
0x72: {  	[sflag:s16] =	ssyncadd.s32 $0xFFFFF000  }
0x73: {  	[tilespmem:s20], [sflag:$0x1] =	stream.indirect.gather [spmem:s2], $0x80, s5, s19, $0xb8;
	[tilespmem:$0x1FD40] =	vst v63  }
0x74: {  	_ =	swait.ge [sflag:s25], $0x1000  }
0x75: {  	[sflag:s25] =	ssyncset.done $0x0  }
0x76: {  	[sflag:s25] =	ssyncadd.s32 $0xFFFFF000  }
0x77: {  	[spmem:s3] =	stream.indirect.scatter.add.f32 [tilespmem:s22], [sflag:$0x3], $0x80, s8, s19, $0xb8;
	[tilespmem:$0x1FD40] =	vst v63  }
0x78: {  	_ =	swait.ge [sflag:s16], $0x1000  }
0x79: {  	[sflag:s16] =	ssyncset.done $0x0  }
0x7a: {  	[sflag:s16] =	ssyncadd.s32 $0xFFFFF000  }
0x7b: {  	[tilespmem:s22], [sflag:$0x2] =	stream.indirect.gather [spmem:s2], $0x80, s9, s19, $0xb8;
	[tilespmem:$0x1FD40] =	vst v63  }
0x7c: {  	_ =	swait.ge [sflag:s23], $0x1000  }
0x7d: {  	[sflag:s23] =	ssyncset.done $0x0  }
0x7e: {  	[sflag:s23] =	ssyncadd.s32 $0xFFFFF000  }
0x7f: {  	[spmem:s3] =	stream.indirect.scatter.add.f32 [tilespmem:s20], [sflag:$0x3], $0x80, s10, s19, $0xb8;
	[tilespmem:$0x1FD40] =	vst v63  }
0x80: {  	_ =	swait.ge [sflag:s16], $0x1000  }
0x81: {  	[sflag:s16] =	ssyncset.done $0x0  }
0x82: {  	[sflag:s16] =	ssyncadd.s32 $0xFFFFF000  }
0x83: {  	_ =	swait.ge [sflag:s25], $0x1000  }
0x84: {  	[sflag:s25] =	ssyncset.done $0x0  }
0x85: {  	[sflag:s25] =	ssyncadd.s32 $0xFFFFF000  }
0x86: {  	[spmem:s3] =	stream.indirect.scatter.add.f32 [tilespmem:s22], [sflag:$0x3], $0x80, s15, s19, $0xb8;
	[tilespmem:$0x1FD40] =	vst v63  }
0x87: {  	_ =	swait.ge [sflag:s16], $0x1000  }
0x88: {  	[sflag:s16] =	ssyncset.done $0x0  }
0x89: {  	s7 =	sadd.s32 s6, s12;
	[sflag:s16] =	ssyncadd.s32 $0xFFFFF000  }
0x8a: {  	[tilespmem:s4], [sflag:$0x3] =	stream.linear.gather [hbm4b:s7+s4], $0x400, $0x38;
	[tilespmem:$0x1FD40] =	vst v63  }
0x8b: {  	_ =	swait.ge [sflag:s16], $0x400  }
0x8c: {  	[sflag:s16] =	ssyncset.done $0x0  }
0x8d: {  	s6 =	sadd.s32 s6, s11;
	[sflag:s16] =	ssyncadd.s32 $0xFFFFFC00  }
0x8e: {  	[tilespmem:s18], [sflag:$0x3] =	stream.linear.gather [hbm4b:s6+s4], $0x400, $0x38;
	[tilespmem:$0x1FD40] =	vst v63  }
0x8f: {  	_ =	swait.ge [sflag:s16], $0x400  }
0x90: {  	[sflag:s16] =	ssyncset.done $0x0  }
0x91: {  	[sflag:s16] =	ssyncadd.s32 $0xFFFFFC00  }
0x92: {  	v2 =	vld [tilespmem:$0x480]  }
0x93: {  	v3 =	vld [tilespmem:$0x490]  }
0x94: {  	v4 =	vld [tilespmem:$0x410]  }
0x95: {  	v5 =	vld [tilespmem:$0x600]  }
0x96: {  	v6 =	vld [tilespmem:$0x590]  }
0x97: {  	v7 =	vld [tilespmem:$0x580]  }
0x98: {  	v2 =	vsub.s32 v2, v0;
	v8 =	vld [tilespmem:$0x400]  }
0x99: {  	vm0 =	vlt.u32 v2, $0x1388;
	v3 =	vsub.s32 v3, v0;
	v4 =	vsub.s32 v4, v0  }
0x9a: {  	v2 =	vsel vm0, v2, v1;
	vm0 =	vlt.u32 v3, $0x1388;
	vm1 =	vlt.u32 v4, $0x1388;
	v9 =	vld [tilespmem:$0x700]  }
0x9b: {  	v4 =	vsel vm1, v4, v1;
	[tilespmem:$0x480] =	vst v2;
	v2 =	vsel vm0, v3, v1;
	v3 =	vsub.s32 v6, v0;
	v6 =	vld [tilespmem:$0x710]  }
0x9c: {  	v5 =	vsub.s32 v5, v0;
	[tilespmem:$0x410] =	vst v4;
	v4 =	vsub.s32 v7, v0;
	vm0 =	vlt.u32 v3, $0x1388;
	v7 =	vld [tilespmem:$0x680]  }
0x9d: {  	v8 =	vsub.s32 v8, v0;
	[tilespmem:$0x490] =	vst v2;
	v2 =	vsel vm0, v3, v1;
	vm0 =	vlt.u32 v5, $0x1388;
	v3 =	vld [tilespmem:$0x790]  }
0x9e: {  	vm2 =	vlt.u32 v4, $0x1388;
	vm1 =	vlt.u32 v8, $0x1388;
	v10 =	vld [tilespmem:$0x510];
	[tilespmem:$0x590] =	vst v2;
	v2 =	vsel vm0, v5, v1  }
0x9f: {  	v4 =	vsel vm2, v4, v1;
	v5 =	vsel vm1, v8, v1;
	[tilespmem:$0x600] =	vst v2;
	v2 =	vsub.s32 v9, v0;
	v8 =	vld [tilespmem:$0x780]  }
0xa0: {  	[tilespmem:$0x580] =	vst v4;
	v4 =	vld [tilespmem:$0x690];
	vm0 =	vlt.u32 v2, $0x1388;
	v6 =	vsub.s32 v6, v0  }
0xa1: {  	[tilespmem:$0x400] =	vst v5;
	v5 =	vld [tilespmem:$0x610];
	v7 =	vsub.s32 v7, v0;
	v2 =	vsel vm0, v2, v1;
	vm0 =	vlt.u32 v6, $0x1388  }
0xa2: {  	v9 =	vld [tilespmem:$0x500];
	vm1 =	vlt.u32 v7, $0x1388;
	[tilespmem:$0x700] =	vst v2;
	v2 =	vsel vm0, v6, v1;
	v3 =	vsub.s32 v3, v0  }
0xa3: {  	v6 =	vsub.s32 v10, v0;
	v7 =	vsel vm1, v7, v1;
	[tilespmem:$0x710] =	vst v2;
	vm0 =	vlt.u32 v3, $0x1388  }
0xa4: {  	vm1 =	vlt.u32 v6, $0x1388;
	[tilespmem:$0x680] =	vst v7;
	v2 =	vsub.s32 v8, v0;
	v3 =	vsel vm0, v3, v1  }
0xa5: {  	v6 =	vsel vm1, v6, v1;
	v4 =	vsub.s32 v4, v0;
	vm0 =	vlt.u32 v2, $0x1388;
	[tilespmem:$0x790] =	vst v3  }
0xa6: {  	[tilespmem:$0x510] =	vst v6;
	v3 =	vsub.s32 v5, v0;
	vm1 =	vlt.u32 v4, $0x1388;
	v2 =	vsel vm0, v2, v1  }
0xa7: {  	v5 =	vsub.s32 v9, v0;
	vm0 =	vlt.u32 v3, $0x1388;
	v4 =	vsel vm1, v4, v1;
	[tilespmem:$0x780] =	vst v2  }
0xa8: {  	vm1 =	vlt.u32 v5, $0x1388;
	v2 =	vsel vm0, v3, v1;
	[tilespmem:$0x690] =	vst v4  }
0xa9: {  	v3 =	vsel vm1, v5, v1;
	[tilespmem:$0x610] =	vst v2  }
0xaa: {  	[tilespmem:$0x500] =	vst v3  }
0xab: {  	[tilespmem:s20], [sflag:$0x1] =	stream.indirect.gather [spmem:s2], $0x80, s4, s19, $0xb8;
	[tilespmem:$0x1FD40] =	vst v63  }
0xac: {  	_ = 	snop  }
0xad: {  	[tilespmem:s22], [sflag:$0x2] =	stream.indirect.gather [spmem:s2], $0x80, s21, s19, $0xb8;
	[tilespmem:$0x1FD40] =	vst v63  }
0xae: {  	_ =	swait.ge [sflag:s23], $0x1000  }
0xaf: {  	[sflag:s23] =	ssyncset.done $0x0  }
0xb0: {  	[sflag:s23] =	ssyncadd.s32 $0xFFFFF000  }
0xb1: {  	[spmem:s3] =	stream.indirect.scatter.add.f32 [tilespmem:s20], [sflag:$0x3], $0x80, s18, s19, $0xb8;
	[tilespmem:$0x1FD40] =	vst v63  }
0xb2: {  	_ =	swait.ge [sflag:s16], $0x1000  }
0xb3: {  	[sflag:s16] =	ssyncset.done $0x0  }
0xb4: {  	[sflag:s16] =	ssyncadd.s32 $0xFFFFF000  }
0xb5: {  	[tilespmem:s20], [sflag:$0x1] =	stream.indirect.gather [spmem:s2], $0x80, s24, s19, $0xb8;
	[tilespmem:$0x1FD40] =	vst v63  }
0xb6: {  	_ =	swait.ge [sflag:s25], $0x1000  }
0xb7: {  	[sflag:s25] =	ssyncset.done $0x0  }
0xb8: {  	[sflag:s25] =	ssyncadd.s32 $0xFFFFF000  }
0xb9: {  	[spmem:s3] =	stream.indirect.scatter.add.f32 [tilespmem:s22], [sflag:$0x3], $0x80, s26, s19, $0xb8;
	[tilespmem:$0x1FD40] =	vst v63  }
0xba: {  	_ =	swait.ge [sflag:s16], $0x1000  }
0xbb: {  	[sflag:s16] =	ssyncset.done $0x0  }
0xbc: {  	[sflag:s16] =	ssyncadd.s32 $0xFFFFF000  }
0xbd: {  	[tilespmem:s22], [sflag:$0x2] =	stream.indirect.gather [spmem:s2], $0x80, s28, s19, $0xb8;
	[tilespmem:$0x1FD40] =	vst v63  }
0xbe: {  	_ =	swait.ge [sflag:s23], $0x1000  }
0xbf: {  	[sflag:s23] =	ssyncset.done $0x0  }
0xc0: {  	[sflag:s23] =	ssyncadd.s32 $0xFFFFF000  }
0xc1: {  	[spmem:s3] =	stream.indirect.scatter.add.f32 [tilespmem:s20], [sflag:$0x3], $0x80, s29, s19, $0xb8;
	[tilespmem:$0x1FD40] =	vst v63  }
.Ltmp0:
0xc2: {  	_ =	swait.ge [sflag:s16], $0x1000;
	(pc) =	sbr.rel @p0 .LBB2_2-.Ltmp0, $4  }
0xc3: {  	[sflag:s16] =	ssyncset.done $0x0  }
0xc4: {  	[sflag:s16] =	ssyncadd.s32 $0xFFFFF000  }
0xc5: {  	[tilespmem:s20], [sflag:$0x1] =	stream.indirect.gather [spmem:s2], $0x80, s30, s19, $0xb8;
	[tilespmem:$0x1FD40] =	vst v63  }
0xc6: {  	_ =	swait.ge [sflag:s25], $0x1000  }
0xc7: {  	[sflag:s25] =	ssyncset.done $0x0  }
0xc8: {  	[sflag:s25] =	ssyncadd.s32 $0xFFFFF000  }
0xc9: {  	[spmem:s3] =	stream.indirect.scatter.add.f32 [tilespmem:s22], [sflag:$0x3], $0x80, s31, s19, $0xb8;
	[tilespmem:$0x1FD40] =	vst v63  }
0xca: {  	_ =	swait.ge [sflag:s16], $0x1000  }
0xcb: {  	[sflag:s16] =	ssyncset.done $0x0  }
0xcc: {  	[sflag:s16] =	ssyncadd.s32 $0xFFFFF000  }
0xcd: {  	[tilespmem:s22], [sflag:$0x2] =	stream.indirect.gather [spmem:s2], $0x80, s0, s19, $0xb8;
	[tilespmem:$0x1FD40] =	vst v63  }
0xce: {  	_ =	swait.ge [sflag:s23], $0x1000  }
0xcf: {  	[sflag:s23] =	ssyncset.done $0x0  }
0xd0: {  	[sflag:s23] =	ssyncadd.s32 $0xFFFFF000  }
0xd1: {  	[spmem:s3] =	stream.indirect.scatter.add.f32 [tilespmem:s20], [sflag:$0x3], $0x80, s1, s19, $0xb8;
	[tilespmem:$0x1FD40] =	vst v63  }
0xd2: {  	_ =	swait.ge [sflag:s16], $0x1000  }
0xd3: {  	[sflag:s16] =	ssyncset.done $0x0  }
0xd4: {  	[sflag:s16] =	ssyncadd.s32 $0xFFFFF000  }
0xd5: {  	[tilespmem:s20], [sflag:$0x1] =	stream.indirect.gather [spmem:s2], $0x80, s5, s19, $0xb8;
	[tilespmem:$0x1FD40] =	vst v63  }
0xd6: {  	_ =	swait.ge [sflag:s25], $0x1000  }
0xd7: {  	[sflag:s25] =	ssyncset.done $0x0  }
0xd8: {  	[sflag:s25] =	ssyncadd.s32 $0xFFFFF000  }
0xd9: {  	[spmem:s3] =	stream.indirect.scatter.add.f32 [tilespmem:s22], [sflag:$0x3], $0x80, s8, s19, $0xb8;
	[tilespmem:$0x1FD40] =	vst v63  }
0xda: {  	_ =	swait.ge [sflag:s16], $0x1000  }
0xdb: {  	[sflag:s16] =	ssyncset.done $0x0  }
0xdc: {  	[sflag:s16] =	ssyncadd.s32 $0xFFFFF000  }
0xdd: {  	[tilespmem:s22], [sflag:$0x2] =	stream.indirect.gather [spmem:s2], $0x80, s9, s19, $0xb8;
	[tilespmem:$0x1FD40] =	vst v63  }
0xde: {  	_ =	swait.ge [sflag:s23], $0x1000  }
0xdf: {  	[sflag:s23] =	ssyncset.done $0x0  }
0xe0: {  	[sflag:s23] =	ssyncadd.s32 $0xFFFFF000  }
0xe1: {  	[spmem:s3] =	stream.indirect.scatter.add.f32 [tilespmem:s20], [sflag:$0x3], $0x80, s10, s19, $0xb8;
	[tilespmem:$0x1FD40] =	vst v63  }
0xe2: {  	_ =	swait.ge [sflag:s16], $0x1000  }
0xe3: {  	[sflag:s16] =	ssyncset.done $0x0  }
0xe4: {  	[sflag:s16] =	ssyncadd.s32 $0xFFFFF000  }
0xe5: {  	_ =	swait.ge [sflag:s25], $0x1000  }
0xe6: {  	[sflag:s25] =	ssyncset.done $0x0  }
0xe7: {  	[sflag:s25] =	ssyncadd.s32 $0xFFFFF000  }
0xe8: {  	[spmem:s3] =	stream.indirect.scatter.add.f32 [tilespmem:s22], [sflag:$0x3], $0x80, s15, s19, $0xb8;
	[tilespmem:$0x1FD40] =	vst v63  }
0xe9: {  	_ =	swait.ge [sflag:s16], $0x1000  }
0xea: {  	[sflag:s16] =	ssyncset.done $0x0  }
0xeb: {  	[sflag:s16] =	ssyncadd.s32 $0xFFFFF000  }
0xec: {  	[bflag:$0x0] =	sbarrier.arrive $0xFFFF  }
0xed: {  	s6 =	rddreg [dreg:$0x5]  }
0xee: {  	s7 =	rddreg [dreg:$0x7]  }
0xef: {  	s17 =	rddreg [dreg:$0xb]  }
0xf0: {  	[hbm:s7], [sflag:s6] =	dma.local [spmem:s17], $0x1400  }
0xf1: {  	_ =	swait.ge [sflag:s16], $0x1400  }
0xf2: {  	[sflag:s16] =	ssyncset.done $0x0  }
0xf3: {  	[sflag:s16] =	ssyncadd.s32 $0xFFFFEC00  }
0xf4: {  	[bflag:$0x0] =	sbarrier.arrive $0xFFFF  }
0xf5: {  	s7 =	rddreg [dreg:$0x6]  }
0xf6: {  	[spmem:s17], [sflag:s6] =	dma.local [hbm:s7], $0x1400  }
0xf7: {  	_ =	swait.ge [sflag:s16], $0x1400  }
0xf8: {  	[sflag:s16] =	ssyncset.done $0x0  }
0xf9: {  	[sflag:s16] =	ssyncadd.s32 $0xFFFFEC00  }
0xfa: {  	s7 =	sadd.s32 $0x0, s14;
	[bflag:$0x0] =	sbarrier.arrive $0xFFFF  }
0xfb: {  	[tilespmem:s4], [sflag:$0x3] =	stream.linear.gather [hbm4b:s7+s4], $0x400, $0x38;
	[tilespmem:$0x1FD40] =	vst v63  }
0xfc: {  	_ =	swait.ge [sflag:s16], $0x400  }
0xfd: {  	[sflag:s16] =	ssyncset.done $0x0  }
0xfe: {  	s17 =	sadd.s32 $0x0, s13;
	[sflag:s16] =	ssyncadd.s32 $0xFFFFFC00  }
0xff: {  	[tilespmem:s18], [sflag:$0x3] =	stream.linear.gather [hbm4b:s17+s4], $0x400, $0x38;
	[tilespmem:$0x1FD40] =	vst v63  }
0x100: {  	_ =	swait.ge [sflag:s16], $0x400  }
0x101: {  	[sflag:s16] =	ssyncset.done $0x0  }
0x102: {  	[sflag:s16] =	ssyncadd.s32 $0xFFFFFC00  }
0x103: {  	v2 =	vld [tilespmem:$0x480]  }
0x104: {  	v3 =	vld [tilespmem:$0x410]  }
0x105: {  	v4 =	vld [tilespmem:$0x490]  }
0x106: {  	v5 =	vld [tilespmem:$0x590]  }
0x107: {  	v6 =	vld [tilespmem:$0x600]  }
0x108: {  	v7 =	vld [tilespmem:$0x580];
	v2 =	vsub.s32 v2, v0  }
0x109: {  	v8 =	vld [tilespmem:$0x400];
	v3 =	vsub.s32 v3, v0;
	vm0 =	vlt.u32 v2, $0x1388  }
0x10a: {  	v56 =	vld [tilespmem:$0x680];
	v4 =	vsub.s32 v4, v0;
	vm1 =	vlt.u32 v3, $0x1388;
	v2 =	vsel vm0, v2, v1  }
0x10b: {  	v9 =	vld [tilespmem:$0x700];
	vm14 =	vlt.u32 v4, $0x1388;
	v3 =	vsel vm1, v3, v1;
	[tilespmem:$0x480] =	vst v2;
	v2 =	vsub.s32 v5, v0  }
0x10c: {  	v55 =	vld [tilespmem:$0x710];
	v4 =	vsel vm14, v4, v1;
	[tilespmem:$0x410] =	vst v3;
	v3 =	vsub.s32 v6, v0;
	vm15 =	vlt.u32 v2, $0x1388  }
0x10d: {  	v57 =	vld [tilespmem:$0x790];
	v7 =	vsub.s32 v7, v0;
	[tilespmem:$0x490] =	vst v4;
	vm4 =	vlt.u32 v3, $0x1388;
	v2 =	vsel vm15, v2, v1  }
0x10e: {  	v10 =	vld [tilespmem:$0x510];
	v8 =	vsub.s32 v8, v0;
	vm5 =	vlt.u32 v7, $0x1388;
	[tilespmem:$0x590] =	vst v2;
	v2 =	vsel vm4, v3, v1  }
0x10f: {  	v58 =	vld [tilespmem:$0x780];
	vm6 =	vlt.u32 v8, $0x1388;
	v6 =	vsub.s32 v56, v0;
	v3 =	vsel vm5, v7, v1;
	[tilespmem:$0x600] =	vst v2  }
0x110: {  	v8 =	vsel vm6, v8, v1;
	vm9 =	vlt.u32 v6, $0x1388;
	v2 =	vsub.s32 v9, v0;
	[tilespmem:$0x580] =	vst v3;
	v3 =	vld [tilespmem:$0x690]  }
0x111: {  	v59 =	vld [tilespmem:$0x610];
	v5 =	vsub.s32 v55, v0;
	[tilespmem:$0x400] =	vst v8;
	v6 =	vsel vm9, v6, v1;
	vm7 =	vlt.u32 v2, $0x1388  }
0x112: {  	v60 =	vld [tilespmem:$0x500];
	v4 =	vsub.s32 v57, v0;
	vm8 =	vlt.u32 v5, $0x1388;
	[tilespmem:$0x680] =	vst v6;
	v2 =	vsel vm7, v2, v1  }
0x113: {  	v61 =	vsub.s32 v10, v0;
	vm10 =	vlt.u32 v4, $0x1388;
	[tilespmem:$0x700] =	vst v2;
	v2 =	vsel vm8, v5, v1  }
0x114: {  	vm11 =	vlt.u32 v61, $0x1388;
	v4 =	vsel vm10, v4, v1;
	[tilespmem:$0x710] =	vst v2;
	v2 =	vsub.s32 v58, v0  }
0x115: {  	[tilespmem:$0x790] =	vst v4;
	v5 =	vsel vm11, v61, v1;
	v3 =	vsub.s32 v3, v0;
	vm12 =	vlt.u32 v2, $0x1388  }
0x116: {  	v62 =	vsub.s32 v59, v0;
	[tilespmem:$0x510] =	vst v5;
	vm13 =	vlt.u32 v3, $0x1388;
	v2 =	vsel vm12, v2, v1  }
0x117: {  	v63 =	vsub.s32 v60, v0;
	vm14 =	vlt.u32 v62, $0x1388;
	v3 =	vsel vm13, v3, v1;
	[tilespmem:$0x780] =	vst v2  }
0x118: {  	vm15 =	vlt.u32 v63, $0x1388;
	v2 =	vsel vm14, v62, v1;
	[tilespmem:$0x690] =	vst v3  }
0x119: {  	v3 =	vsel vm15, v63, v1;
	[tilespmem:$0x610] =	vst v2  }
0x11a: {  	[tilespmem:$0x500] =	vst v3  }
0x11b: {  	[tilespmem:s20], [sflag:$0x1] =	stream.indirect.gather [spmem:s2], $0x80, s4, s19, $0xb8;
	[tilespmem:$0x1FD40] =	vst v63  }
0x11c: {  	_ = 	snop  }
0x11d: {  	[tilespmem:s22], [sflag:$0x2] =	stream.indirect.gather [spmem:s2], $0x80, s21, s19, $0xb8;
	[tilespmem:$0x1FD40] =	vst v63  }
0x11e: {  	_ =	swait.ge [sflag:s23], $0x1000  }
0x11f: {  	[sflag:s23] =	ssyncset.done $0x0  }
0x120: {  	[sflag:s23] =	ssyncadd.s32 $0xFFFFF000  }
0x121: {  	[spmem:s3] =	stream.indirect.scatter.add.f32 [tilespmem:s20], [sflag:$0x3], $0x80, s18, s19, $0xb8;
	[tilespmem:$0x1FD40] =	vst v63  }
0x122: {  	_ =	swait.ge [sflag:s16], $0x1000  }
0x123: {  	[sflag:s16] =	ssyncset.done $0x0  }
0x124: {  	[sflag:s16] =	ssyncadd.s32 $0xFFFFF000  }
0x125: {  	[tilespmem:s20], [sflag:$0x1] =	stream.indirect.gather [spmem:s2], $0x80, s24, s19, $0xb8;
	[tilespmem:$0x1FD40] =	vst v63  }
0x126: {  	_ =	swait.ge [sflag:s25], $0x1000  }
0x127: {  	[sflag:s25] =	ssyncset.done $0x0  }
0x128: {  	[sflag:s25] =	ssyncadd.s32 $0xFFFFF000  }
0x129: {  	[spmem:s3] =	stream.indirect.scatter.add.f32 [tilespmem:s22], [sflag:$0x3], $0x80, s26, s19, $0xb8;
	[tilespmem:$0x1FD40] =	vst v63  }
0x12a: {  	_ =	swait.ge [sflag:s16], $0x1000  }
0x12b: {  	[sflag:s16] =	ssyncset.done $0x0  }
0x12c: {  	[sflag:s16] =	ssyncadd.s32 $0xFFFFF000  }
0x12d: {  	[tilespmem:s22], [sflag:$0x2] =	stream.indirect.gather [spmem:s2], $0x80, s28, s19, $0xb8;
	[tilespmem:$0x1FD40] =	vst v63  }
0x12e: {  	_ =	swait.ge [sflag:s23], $0x1000  }
0x12f: {  	[sflag:s23] =	ssyncset.done $0x0  }
0x130: {  	[sflag:s23] =	ssyncadd.s32 $0xFFFFF000  }
0x131: {  	[spmem:s3] =	stream.indirect.scatter.add.f32 [tilespmem:s20], [sflag:$0x3], $0x80, s29, s19, $0xb8;
	[tilespmem:$0x1FD40] =	vst v63  }
0x132: {  	_ =	swait.ge [sflag:s16], $0x1000  }
0x133: {  	[sflag:s16] =	ssyncset.done $0x0  }
0x134: {  	[sflag:s16] =	ssyncadd.s32 $0xFFFFF000  }
0x135: {  	[tilespmem:s20], [sflag:$0x1] =	stream.indirect.gather [spmem:s2], $0x80, s30, s19, $0xb8;
	[tilespmem:$0x1FD40] =	vst v63  }
0x136: {  	s17 =	simm.s32 $0x80;
	_ =	swait.ge [sflag:s25], $0x1000  }
.LBB2_4:
0x137: {  	p0 =	sne.s32 s17, $0x2700  }
0x138: {  	[sflag:s25] =	ssyncset.done $0x0;
	s6 =	smov.u32 s17;
	s17 =	sadd.s32 $0x80, s17  }
0x139: {  	[sflag:s25] =	ssyncadd.s32 $0xFFFFF000  }
0x13a: {  	[spmem:s3] =	stream.indirect.scatter.add.f32 [tilespmem:s22], [sflag:$0x3], $0x80, s31, s19, $0xb8;
	[tilespmem:$0x1FD40] =	vst v63  }
0x13b: {  	_ =	swait.ge [sflag:s16], $0x1000  }
0x13c: {  	[sflag:s16] =	ssyncset.done $0x0  }
0x13d: {  	[sflag:s16] =	ssyncadd.s32 $0xFFFFF000  }
0x13e: {  	[tilespmem:s22], [sflag:$0x2] =	stream.indirect.gather [spmem:s2], $0x80, s0, s19, $0xb8;
	[tilespmem:$0x1FD40] =	vst v63  }
0x13f: {  	_ =	swait.ge [sflag:s23], $0x1000  }
0x140: {  	[sflag:s23] =	ssyncset.done $0x0  }
0x141: {  	[sflag:s23] =	ssyncadd.s32 $0xFFFFF000  }
0x142: {  	[spmem:s3] =	stream.indirect.scatter.add.f32 [tilespmem:s20], [sflag:$0x3], $0x80, s1, s19, $0xb8;
	[tilespmem:$0x1FD40] =	vst v63  }
0x143: {  	_ =	swait.ge [sflag:s16], $0x1000  }
0x144: {  	[sflag:s16] =	ssyncset.done $0x0  }
0x145: {  	[sflag:s16] =	ssyncadd.s32 $0xFFFFF000  }
0x146: {  	[tilespmem:s20], [sflag:$0x1] =	stream.indirect.gather [spmem:s2], $0x80, s5, s19, $0xb8;
	[tilespmem:$0x1FD40] =	vst v63  }
0x147: {  	_ =	swait.ge [sflag:s25], $0x1000  }
0x148: {  	[sflag:s25] =	ssyncset.done $0x0  }
0x149: {  	[sflag:s25] =	ssyncadd.s32 $0xFFFFF000  }
0x14a: {  	[spmem:s3] =	stream.indirect.scatter.add.f32 [tilespmem:s22], [sflag:$0x3], $0x80, s8, s19, $0xb8;
	[tilespmem:$0x1FD40] =	vst v63  }
0x14b: {  	_ =	swait.ge [sflag:s16], $0x1000  }
0x14c: {  	[sflag:s16] =	ssyncset.done $0x0  }
0x14d: {  	[sflag:s16] =	ssyncadd.s32 $0xFFFFF000  }
0x14e: {  	[tilespmem:s22], [sflag:$0x2] =	stream.indirect.gather [spmem:s2], $0x80, s9, s19, $0xb8;
	[tilespmem:$0x1FD40] =	vst v63  }
0x14f: {  	_ =	swait.ge [sflag:s23], $0x1000  }
0x150: {  	[sflag:s23] =	ssyncset.done $0x0  }
0x151: {  	[sflag:s23] =	ssyncadd.s32 $0xFFFFF000  }
0x152: {  	[spmem:s3] =	stream.indirect.scatter.add.f32 [tilespmem:s20], [sflag:$0x3], $0x80, s10, s19, $0xb8;
	[tilespmem:$0x1FD40] =	vst v63  }
0x153: {  	_ =	swait.ge [sflag:s16], $0x1000  }
0x154: {  	[sflag:s16] =	ssyncset.done $0x0  }
0x155: {  	[sflag:s16] =	ssyncadd.s32 $0xFFFFF000  }
0x156: {  	_ =	swait.ge [sflag:s25], $0x1000  }
0x157: {  	[sflag:s25] =	ssyncset.done $0x0  }
0x158: {  	[sflag:s25] =	ssyncadd.s32 $0xFFFFF000  }
0x159: {  	[spmem:s3] =	stream.indirect.scatter.add.f32 [tilespmem:s22], [sflag:$0x3], $0x80, s15, s19, $0xb8;
	[tilespmem:$0x1FD40] =	vst v63  }
0x15a: {  	_ =	swait.ge [sflag:s16], $0x1000  }
0x15b: {  	[sflag:s16] =	ssyncset.done $0x0  }
0x15c: {  	s7 =	sadd.s32 s6, s14;
	[sflag:s16] =	ssyncadd.s32 $0xFFFFF000  }
0x15d: {  	[tilespmem:s4], [sflag:$0x3] =	stream.linear.gather [hbm4b:s7+s4], $0x400, $0x38;
	[tilespmem:$0x1FD40] =	vst v63  }
0x15e: {  	_ =	swait.ge [sflag:s16], $0x400  }
0x15f: {  	[sflag:s16] =	ssyncset.done $0x0  }
0x160: {  	s6 =	sadd.s32 s6, s13;
	[sflag:s16] =	ssyncadd.s32 $0xFFFFFC00  }
0x161: {  	[tilespmem:s18], [sflag:$0x3] =	stream.linear.gather [hbm4b:s6+s4], $0x400, $0x38;
	[tilespmem:$0x1FD40] =	vst v63  }
0x162: {  	_ =	swait.ge [sflag:s16], $0x400  }
0x163: {  	[sflag:s16] =	ssyncset.done $0x0  }
0x164: {  	[sflag:s16] =	ssyncadd.s32 $0xFFFFFC00  }
0x165: {  	v2 =	vld [tilespmem:$0x480]  }
0x166: {  	v3 =	vld [tilespmem:$0x490]  }
0x167: {  	v4 =	vld [tilespmem:$0x410]  }
0x168: {  	v5 =	vld [tilespmem:$0x600]  }
0x169: {  	v6 =	vld [tilespmem:$0x590]  }
0x16a: {  	v7 =	vld [tilespmem:$0x580]  }
0x16b: {  	v2 =	vsub.s32 v2, v0;
	v8 =	vld [tilespmem:$0x400]  }
0x16c: {  	vm0 =	vlt.u32 v2, $0x1388;
	v3 =	vsub.s32 v3, v0;
	v4 =	vsub.s32 v4, v0  }
0x16d: {  	v2 =	vsel vm0, v2, v1;
	vm0 =	vlt.u32 v3, $0x1388;
	vm1 =	vlt.u32 v4, $0x1388;
	v9 =	vld [tilespmem:$0x700]  }
0x16e: {  	v4 =	vsel vm1, v4, v1;
	[tilespmem:$0x480] =	vst v2;
	v2 =	vsel vm0, v3, v1;
	v3 =	vsub.s32 v6, v0;
	v6 =	vld [tilespmem:$0x710]  }
0x16f: {  	v5 =	vsub.s32 v5, v0;
	[tilespmem:$0x410] =	vst v4;
	v4 =	vsub.s32 v7, v0;
	vm0 =	vlt.u32 v3, $0x1388;
	v7 =	vld [tilespmem:$0x680]  }
0x170: {  	v8 =	vsub.s32 v8, v0;
	[tilespmem:$0x490] =	vst v2;
	v2 =	vsel vm0, v3, v1;
	vm0 =	vlt.u32 v5, $0x1388;
	v3 =	vld [tilespmem:$0x790]  }
0x171: {  	vm2 =	vlt.u32 v4, $0x1388;
	vm1 =	vlt.u32 v8, $0x1388;
	v10 =	vld [tilespmem:$0x510];
	[tilespmem:$0x590] =	vst v2;
	v2 =	vsel vm0, v5, v1  }
0x172: {  	v4 =	vsel vm2, v4, v1;
	v5 =	vsel vm1, v8, v1;
	[tilespmem:$0x600] =	vst v2;
	v2 =	vsub.s32 v9, v0;
	v8 =	vld [tilespmem:$0x780]  }
0x173: {  	[tilespmem:$0x580] =	vst v4;
	v4 =	vld [tilespmem:$0x690];
	vm0 =	vlt.u32 v2, $0x1388;
	v6 =	vsub.s32 v6, v0  }
0x174: {  	[tilespmem:$0x400] =	vst v5;
	v5 =	vld [tilespmem:$0x610];
	v7 =	vsub.s32 v7, v0;
	v2 =	vsel vm0, v2, v1;
	vm0 =	vlt.u32 v6, $0x1388  }
0x175: {  	v9 =	vld [tilespmem:$0x500];
	vm1 =	vlt.u32 v7, $0x1388;
	[tilespmem:$0x700] =	vst v2;
	v2 =	vsel vm0, v6, v1;
	v3 =	vsub.s32 v3, v0  }
0x176: {  	v6 =	vsub.s32 v10, v0;
	v7 =	vsel vm1, v7, v1;
	[tilespmem:$0x710] =	vst v2;
	vm0 =	vlt.u32 v3, $0x1388  }
0x177: {  	vm1 =	vlt.u32 v6, $0x1388;
	[tilespmem:$0x680] =	vst v7;
	v2 =	vsub.s32 v8, v0;
	v3 =	vsel vm0, v3, v1  }
0x178: {  	v6 =	vsel vm1, v6, v1;
	v4 =	vsub.s32 v4, v0;
	vm0 =	vlt.u32 v2, $0x1388;
	[tilespmem:$0x790] =	vst v3  }
0x179: {  	[tilespmem:$0x510] =	vst v6;
	v3 =	vsub.s32 v5, v0;
	vm1 =	vlt.u32 v4, $0x1388;
	v2 =	vsel vm0, v2, v1  }
0x17a: {  	v5 =	vsub.s32 v9, v0;
	vm0 =	vlt.u32 v3, $0x1388;
	v4 =	vsel vm1, v4, v1;
	[tilespmem:$0x780] =	vst v2  }
0x17b: {  	vm1 =	vlt.u32 v5, $0x1388;
	v2 =	vsel vm0, v3, v1;
	[tilespmem:$0x690] =	vst v4  }
0x17c: {  	v3 =	vsel vm1, v5, v1;
	[tilespmem:$0x610] =	vst v2  }
0x17d: {  	[tilespmem:$0x500] =	vst v3  }
0x17e: {  	[tilespmem:s20], [sflag:$0x1] =	stream.indirect.gather [spmem:s2], $0x80, s4, s19, $0xb8;
	[tilespmem:$0x1FD40] =	vst v63  }
0x17f: {  	_ = 	snop  }
0x180: {  	[tilespmem:s22], [sflag:$0x2] =	stream.indirect.gather [spmem:s2], $0x80, s21, s19, $0xb8;
	[tilespmem:$0x1FD40] =	vst v63  }
0x181: {  	_ =	swait.ge [sflag:s23], $0x1000  }
0x182: {  	[sflag:s23] =	ssyncset.done $0x0  }
0x183: {  	[sflag:s23] =	ssyncadd.s32 $0xFFFFF000  }
0x184: {  	[spmem:s3] =	stream.indirect.scatter.add.f32 [tilespmem:s20], [sflag:$0x3], $0x80, s18, s19, $0xb8;
	[tilespmem:$0x1FD40] =	vst v63  }
0x185: {  	_ =	swait.ge [sflag:s16], $0x1000  }
0x186: {  	[sflag:s16] =	ssyncset.done $0x0  }
0x187: {  	[sflag:s16] =	ssyncadd.s32 $0xFFFFF000  }
0x188: {  	[tilespmem:s20], [sflag:$0x1] =	stream.indirect.gather [spmem:s2], $0x80, s24, s19, $0xb8;
	[tilespmem:$0x1FD40] =	vst v63  }
0x189: {  	_ =	swait.ge [sflag:s25], $0x1000  }
0x18a: {  	[sflag:s25] =	ssyncset.done $0x0  }
0x18b: {  	[sflag:s25] =	ssyncadd.s32 $0xFFFFF000  }
0x18c: {  	[spmem:s3] =	stream.indirect.scatter.add.f32 [tilespmem:s22], [sflag:$0x3], $0x80, s26, s19, $0xb8;
	[tilespmem:$0x1FD40] =	vst v63  }
0x18d: {  	_ =	swait.ge [sflag:s16], $0x1000  }
0x18e: {  	[sflag:s16] =	ssyncset.done $0x0  }
0x18f: {  	[sflag:s16] =	ssyncadd.s32 $0xFFFFF000  }
0x190: {  	[tilespmem:s22], [sflag:$0x2] =	stream.indirect.gather [spmem:s2], $0x80, s28, s19, $0xb8;
	[tilespmem:$0x1FD40] =	vst v63  }
0x191: {  	_ =	swait.ge [sflag:s23], $0x1000  }
0x192: {  	[sflag:s23] =	ssyncset.done $0x0  }
0x193: {  	[sflag:s23] =	ssyncadd.s32 $0xFFFFF000  }
0x194: {  	[spmem:s3] =	stream.indirect.scatter.add.f32 [tilespmem:s20], [sflag:$0x3], $0x80, s29, s19, $0xb8;
	[tilespmem:$0x1FD40] =	vst v63  }
.Ltmp1:
0x195: {  	_ =	swait.ge [sflag:s16], $0x1000;
	(pc) =	sbr.rel @p0 .LBB2_4-.Ltmp1, $4  }
0x196: {  	[sflag:s16] =	ssyncset.done $0x0  }
0x197: {  	[sflag:s16] =	ssyncadd.s32 $0xFFFFF000  }
0x198: {  	[tilespmem:s20], [sflag:$0x1] =	stream.indirect.gather [spmem:s2], $0x80, s30, s19, $0xb8;
	[tilespmem:$0x1FD40] =	vst v63  }
0x199: {  	_ =	swait.ge [sflag:s25], $0x1000  }
0x19a: {  	[sflag:s25] =	ssyncset.done $0x0  }
0x19b: {  	[sflag:s25] =	ssyncadd.s32 $0xFFFFF000  }
0x19c: {  	[spmem:s3] =	stream.indirect.scatter.add.f32 [tilespmem:s22], [sflag:$0x3], $0x80, s31, s19, $0xb8;
	[tilespmem:$0x1FD40] =	vst v63  }
0x19d: {  	_ =	swait.ge [sflag:s16], $0x1000  }
0x19e: {  	[sflag:s16] =	ssyncset.done $0x0  }
0x19f: {  	[sflag:s16] =	ssyncadd.s32 $0xFFFFF000  }
0x1a0: {  	[tilespmem:s22], [sflag:$0x2] =	stream.indirect.gather [spmem:s2], $0x80, s0, s19, $0xb8;
	[tilespmem:$0x1FD40] =	vst v63  }
0x1a1: {  	_ =	swait.ge [sflag:s23], $0x1000  }
0x1a2: {  	[sflag:s23] =	ssyncset.done $0x0  }
0x1a3: {  	[sflag:s23] =	ssyncadd.s32 $0xFFFFF000  }
0x1a4: {  	[spmem:s3] =	stream.indirect.scatter.add.f32 [tilespmem:s20], [sflag:$0x3], $0x80, s1, s19, $0xb8;
	[tilespmem:$0x1FD40] =	vst v63  }
0x1a5: {  	_ =	swait.ge [sflag:s16], $0x1000  }
0x1a6: {  	[sflag:s16] =	ssyncset.done $0x0  }
0x1a7: {  	[sflag:s16] =	ssyncadd.s32 $0xFFFFF000  }
0x1a8: {  	[tilespmem:s20], [sflag:$0x1] =	stream.indirect.gather [spmem:s2], $0x80, s5, s19, $0xb8;
	[tilespmem:$0x1FD40] =	vst v63  }
0x1a9: {  	_ =	swait.ge [sflag:s25], $0x1000  }
0x1aa: {  	[sflag:s25] =	ssyncset.done $0x0  }
0x1ab: {  	[sflag:s25] =	ssyncadd.s32 $0xFFFFF000  }
0x1ac: {  	[spmem:s3] =	stream.indirect.scatter.add.f32 [tilespmem:s22], [sflag:$0x3], $0x80, s8, s19, $0xb8;
	[tilespmem:$0x1FD40] =	vst v63  }
0x1ad: {  	_ =	swait.ge [sflag:s16], $0x1000  }
0x1ae: {  	[sflag:s16] =	ssyncset.done $0x0  }
0x1af: {  	[sflag:s16] =	ssyncadd.s32 $0xFFFFF000  }
0x1b0: {  	[tilespmem:s22], [sflag:$0x2] =	stream.indirect.gather [spmem:s2], $0x80, s9, s19, $0xb8;
	[tilespmem:$0x1FD40] =	vst v63  }
0x1b1: {  	_ =	swait.ge [sflag:s23], $0x1000  }
0x1b2: {  	[sflag:s23] =	ssyncset.done $0x0  }
0x1b3: {  	[sflag:s23] =	ssyncadd.s32 $0xFFFFF000  }
0x1b4: {  	[spmem:s3] =	stream.indirect.scatter.add.f32 [tilespmem:s20], [sflag:$0x3], $0x80, s10, s19, $0xb8;
	[tilespmem:$0x1FD40] =	vst v63  }
0x1b5: {  	_ =	swait.ge [sflag:s16], $0x1000  }
0x1b6: {  	[sflag:s16] =	ssyncset.done $0x0  }
0x1b7: {  	[sflag:s16] =	ssyncadd.s32 $0xFFFFF000  }
0x1b8: {  	_ =	swait.ge [sflag:s25], $0x1000  }
0x1b9: {  	[sflag:s25] =	ssyncset.done $0x0  }
0x1ba: {  	[sflag:s25] =	ssyncadd.s32 $0xFFFFF000  }
0x1bb: {  	[spmem:s3] =	stream.indirect.scatter.add.f32 [tilespmem:s22], [sflag:$0x3], $0x80, s15, s19, $0xb8;
	[tilespmem:$0x1FD40] =	vst v63  }
0x1bc: {  	_ =	swait.ge [sflag:s16], $0x1000  }
0x1bd: {  	[sflag:s16] =	ssyncset.done $0x0  }
0x1be: {  	[sflag:s16] =	ssyncadd.s32 $0xFFFFF000  }
0x1bf: {  	[bflag:$0x0] =	sbarrier.arrive $0xFFFF  }
0x1c0: {  	s17 =	rddreg [dreg:$0x5]  }
0x1c1: {  	s6 =	rddreg [dreg:$0x8]  }
0x1c2: {  	s7 =	rddreg [dreg:$0xb]  }
0x1c3: {  	[hbm:s6], [sflag:s17] =	dma.local [spmem:s7], $0x1400  }
0x1c4: {  	_ =	swait.ge [sflag:s16], $0x1400  }
0x1c5: {  	s6 =	rddreg [dreg:$0xc]  }
0x1c6: {  	s7 =	rddreg [dreg:$0x9];
	s17 =	sadd.s32 $0x1, s6  }
0x1c7: {  	p0 =	sne.s32 s17, s7  }
.Ltmp2:
0x1c8: {  	_ = 	snop;
	(pc) =	sbr.rel @p0 .LBB2_1-.Ltmp2, $3  }
0x1c9: {  	_ =	sdelay $0x1  }
0x1ca: {  	[sflag:s16] =	ssyncset.done $0x0  }
0x1cb: {  	[sflag:s16] =	ssyncadd.s32 $0xFFFFEC00  }
0x1cc: {  	_ =	sfence.sel $0x180000  }
0x1cd: {  	[bflag:$0x0] =	sbarrier.arrive $0xFFFF  }
0x1ce: {  	_ =	strace $0x9000004A  }
0x1cf: {  	s0 =	stileid.u32;
	[bflag:$0x2] =	sbarrier.arrive $0xFFFF  }
0x1d0: {  	p0 =	sne.s32 s0, $0x0;
	s0 =	rddreg [dreg:$0x3]  }
0x1d1: {  	s0 =	sadd.s32 @!p0 $0x100000, s0  }
0x1d2: {  	[sflag:s0] =	ssyncadd.tile.s32 @!p0 $0x1;
	_ =	shalt  }
.Lfunc_end2:
_tile_overlayer_lowered:
.L_overlay_start_2:
0x1d3: {  	(tag) =	ssettag $0x2  }
0x1d4: {  	s0 =	rddreg [dreg:$0x0];
	s2 =	stileid.u32  }
0x1d5: {  	s1 =	rddreg [dreg:$0x1];
	p0 =	sne.s32 s2, $0x0  }
0x1d6: {  	s3 =	rddreg [dreg:$0x2];
	[bflag:$0x3] =	sbarrier.arrive $0xFFFF;
	s2 =	simm.s32 @!p0 $0x1C03  }
0x1d7: {  	[timem:s3], [sflag:s2] =	dma.local @!p0 [hbm:s0], s1  }
0x1d8: {  	s0 =	simm.s32 @!p0 $0x3  }
0x1d9: {  	_ =	swait.ge @!p0 [sflag:s0], s1  }
0x1da: {  	s1 =	ssub.s32 @!p0 $0x0, s1;
	[sflag:s0] =	ssyncset.done @!p0 $0x0  }
0x1db: {  	[sflag:s0] =	ssyncadd.s32 @!p0 s1  }
0x1dc: {  	[bflag:$0x3] =	sbarrier.arrive $0xFFFF  }
0x1dd: {  	_ =	shalt  }

</sc_bundles>
